<compile_context>
chip_gen: v7x
topology: tpu7x:2x2x1
jax: 0.10.2.dev20260603
libtpu: 0.0.44.dev20260713+nightly
codegen_flags: <defaults>
</compile_context>

<pallas_src>
import functools

import jax
import jax.numpy as jnp
from jax import lax
from jax.experimental import pallas as pl
from jax.experimental.pallas import tpu as pltpu
from jax.experimental.pallas import tpu_sc as plsc

_BATCH = 16384
_LEN = 50
_LEN_PAD = 64
_EMB = 32
_DESC_ROWS = 1500
_NC = 2
_NS = 16
_NW = _NC * _NS
_BPW = _BATCH // _NW
_NG = _BPW // 16

_mesh = plsc.VectorSubcoreMesh(core_axis_name="c", subcore_axis_name="s")


@functools.partial(
    pl.kernel,
    out_type=jax.ShapeDtypeStruct((_BATCH * 2 * _EMB,), jnp.float32),
    mesh=_mesh,
    scratch_types=[
        pltpu.VMEM((_DESC_ROWS * _EMB,), jnp.float32),
        pltpu.VMEM((_BPW * _LEN_PAD,), jnp.int32),
        pltpu.VMEM((_BPW,), jnp.int32),
        pltpu.VMEM((_BPW * 2 * _EMB,), jnp.float32),
        pltpu.SemaphoreType.DMA,
        pltpu.SemaphoreType.DMA,
        pltpu.SemaphoreType.DMA,
    ],
)
def _sc_embed(ids_hbm, toks_hbm, extab_hbm, dtab_hbm, out_hbm,
              dtab_v, toks_v, ids_v, out_v,
              sem_tab, sem_tok, sem_ex):
    wid = lax.axis_index("s") * _NC + lax.axis_index("c")
    base = wid * _BPW

    pltpu.sync_copy(ids_hbm.at[pl.ds(base, _BPW)], ids_v)
    cp_tok = pltpu.async_copy(
        toks_hbm.at[pl.ds(base * _LEN_PAD, _BPW * _LEN_PAD)], toks_v, sem_tok)
    cp_tab = pltpu.async_copy(dtab_hbm, dtab_v, sem_tab)

    @plsc.parallel_loop(0, _NG)
    def fire(g):
        idv = ids_v[pl.ds(g * 16, 16)]
        for k in range(16):
            rid = idv[k]
            pltpu.async_copy(
                extab_hbm.at[pl.ds(rid * _EMB, _EMB)],
                out_v.at[pl.ds((g * 16 + k) * 2 * _EMB, _EMB)], sem_ex)

    cp_tab.wait()
    z16 = jnp.zeros((16,), jnp.float32)
    dtab_v[pl.ds(0, 16)] = z16
    dtab_v[pl.ds(16, 16)] = z16
    cp_tok.wait()

    @plsc.parallel_loop(0, _BPW, unroll=2)
    def row(i):
        tb = i * _LEN_PAD
        acc = [z16, z16, z16, z16]
        cnt = jnp.int32(0)
        for c in range(4):
            chunk = toks_v[pl.ds(tb + c * 16, 16)]
            p = 2 * (c // 2)
            for k in range(16 if c < 3 else _LEN - 48):
                off = chunk[k]
                cnt = cnt + jnp.minimum(off, 1)
                acc[p] = acc[p] + dtab_v[pl.ds(off, 16)]
                acc[p + 1] = acc[p + 1] + dtab_v[pl.ds(off + 16, 16)]
        cntv = jnp.full((16,), cnt, jnp.float32)
        rcp = 1.0 / jnp.maximum(cntv, 1.0)
        ob = i * 2 * _EMB
        out_v[pl.ds(ob + 32, 16)] = (acc[0] + acc[2]) * rcp
        out_v[pl.ds(ob + 48, 16)] = (acc[1] + acc[3]) * rcp

    pltpu.make_async_copy(
        extab_hbm.at[pl.ds(0, _BPW * _EMB)],
        out_v.at[pl.ds(0, _BPW * _EMB)], sem_ex).wait()
    pltpu.sync_copy(out_v, out_hbm.at[pl.ds(base * 2 * _EMB, _BPW * 2 * _EMB)])


def kernel(exercise_ids, desc_tokens, exercise_table, desc_table):
    ids = exercise_ids.astype(jnp.int32).reshape(-1)
    toks = jnp.pad(desc_tokens.astype(jnp.int32) * _EMB,
                   ((0, 0), (0, _LEN_PAD - _LEN))).reshape(-1)
    out = _sc_embed(ids, toks, exercise_table.reshape(-1),
                    desc_table.reshape(-1))
    return out.reshape(_BATCH, 2 * _EMB)

# --- scband reference (transcript-rebuilt; emitter-appended) ---
"""Pipeline reference for scband-exercises-model-43937515438325 (READ-ONLY COPY).

The authoritative reference and input builder live on the scoring server;
editing this copy changes nothing except your own understanding.
"""

import jax, jax.numpy as jnp
import numpy as np

VOCAB = 100000          # unique exercise names
TABLE_ROWS = VOCAB + 1  # StringLookup reserves index 0 ( +1 in Embedding size)
MAX_TOKENS = 1500       # TextVectorization max_tokens
EMBED = 32
BATCH = 16384
DESC_LEN = 50


def setup_inputs(seed: int = 0) -> dict:
    key = jax.random.key(seed)
    k1, k2, k3, k4 = jax.random.split(key, 4)
    exercise_ids = jax.random.randint(k1, (BATCH,), 0, TABLE_ROWS)
    desc_tokens = jax.random.randint(k2, (BATCH, DESC_LEN), 0, MAX_TOKENS)
    exercise_table = jax.random.normal(k3, (TABLE_ROWS, EMBED), dtype=jnp.float32) * 0.05
    desc_table = jax.random.normal(k4, (MAX_TOKENS, EMBED), dtype=jnp.float32) * 0.05
    return {
        "exercise_ids": exercise_ids,
        "desc_tokens": desc_tokens,
        "exercise_table": exercise_table,
        "desc_table": desc_table,
    }


def reference(exercise_ids, desc_tokens, exercise_table, desc_table):
    # Branch 1: StringLookup -> Embedding  (string lookup modeled as int ids)
    ex_emb = jnp.take(exercise_table, exercise_ids, axis=0)            # [B, 32]
    # Branch 2: TextVectorization -> Embedding(mask_zero=True) -> GlobalAveragePooling1D
    tok_emb = jnp.take(desc_table, desc_tokens, axis=0)                # [B, L, 32]
    mask = (desc_tokens != 0).astype(tok_emb.dtype)[..., None]         # [B, L, 1]
    denom = jnp.maximum(jnp.sum(mask, axis=1), 1.0)                    # [B, 1]
    desc_emb = jnp.sum(tok_emb * mask, axis=1) / denom                 # [B, 32]
    # concat along feature axis, as in the Keras call()
    return jnp.concatenate([ex_emb, desc_emb], axis=1)                 # [B, 64]

if __name__ == "__main__":
    import jax
    _d = setup_inputs()
    print(jax.jit(kernel)(*tuple(_d.values())))

</pallas_src>

<mosaic_0001>
#map = affine_map<(d0, d1) -> (0)>
module attributes {stable_mosaic.version = 14 : i64} {
  func.func @_sc_embed(%arg0: i32, %arg1: i32, %arg2: memref<16384xi32, #tpu.memory_space<hbm>>, %arg3: memref<1048576xi32, #tpu.memory_space<hbm>>, %arg4: memref<3200032xf32, #tpu.memory_space<hbm>>, %arg5: memref<48000xf32, #tpu.memory_space<hbm>>, %arg6: memref<1048576xf32, #tpu.memory_space<hbm>>, %arg7: memref<48000xf32, #tpu.memory_space<vmem>>, %arg8: memref<32768xi32, #tpu.memory_space<vmem>>, %arg9: memref<512xi32, #tpu.memory_space<vmem>>, %arg10: memref<32768xf32, #tpu.memory_space<vmem>>, %arg11: memref<!tpu.dma_semaphore, #tpu.memory_space<semaphore_mem>>, %arg12: memref<!tpu.dma_semaphore, #tpu.memory_space<semaphore_mem>>, %arg13: memref<!tpu.dma_semaphore, #tpu.memory_space<semaphore_mem>>) attributes {dimension_semantics = [#tpu.dimension_semantics<core_parallel>, #tpu.dimension_semantics<subcore_parallel>], iteration_bounds = array<i64: 2, 16>, scalar_prefetch = 0 : i64, scratch_operands = 7 : i64, tpu.core_type = #tpu.core_type<sc_vector_subcore>, window_params = [{transform_indices = #map}, {transform_indices = #map}, {transform_indices = #map}, {transform_indices = #map}, {transform_indices = #map}]} {
    %mul3A = arith.constant 2 : i32
    %mul3A_0 = arith.muli %arg1, %mul3A : i32
    %add3A = arith.addi %mul3A_0, %arg0 : i32
    %mul3A_1 = arith.constant 512 : i32
    %mul3A_2 = arith.muli %add3A, %mul3A_1 : i32
    "tpu.region"() ({
      %run_scoped3A = tpu.sem_alloc : memref<!tpu.dma_semaphore, #tpu.memory_space<semaphore_mem>>
      %dma_start3A_32 = tpu.memref_slice %arg2[%mul3A_2] : memref<16384xi32, #tpu.memory_space<hbm>> -> memref<512xi32, #tpu.memory_space<hbm>>
      %dma_start3A_33 = tpu.memref_slice %arg2[%mul3A_2] : memref<16384xi32, #tpu.memory_space<hbm>> -> memref<512xi32, #tpu.memory_space<hbm>>
      tpu.enqueue_dma source(%dma_start3A_33 : memref<512xi32, #tpu.memory_space<hbm>>) target(%arg9 : memref<512xi32, #tpu.memory_space<vmem>>) target_semaphore(%run_scoped3A : memref<!tpu.dma_semaphore, #tpu.memory_space<semaphore_mem>>)
      %dma_wait3A_34 = tpu.memref_slice %arg2[%mul3A_2] : memref<16384xi32, #tpu.memory_space<hbm>> -> memref<512xi32, #tpu.memory_space<hbm>>
      %dma_wait3A_35 = tpu.memref_slice %arg2[%mul3A_2] : memref<16384xi32, #tpu.memory_space<hbm>> -> memref<512xi32, #tpu.memory_space<hbm>>
      tpu.wait_dma2 semaphore(%run_scoped3A : memref<!tpu.dma_semaphore, #tpu.memory_space<semaphore_mem>>) src(%dma_wait3A_35 : memref<512xi32, #tpu.memory_space<hbm>>) dst(%arg9 : memref<512xi32, #tpu.memory_space<vmem>>)
      tpu.yield
    }) : () -> ()
    %mul3A_3 = arith.constant 64 : i32
    %mul3A_4 = arith.muli %mul3A_2, %mul3A_3 : i32
    %dma_start3A = tpu.memref_slice %arg3[%mul3A_4] : memref<1048576xi32, #tpu.memory_space<hbm>> -> memref<32768xi32, #tpu.memory_space<hbm>>
    %dma_start3A_5 = tpu.memref_slice %arg3[%mul3A_4] : memref<1048576xi32, #tpu.memory_space<hbm>> -> memref<32768xi32, #tpu.memory_space<hbm>>
    tpu.enqueue_dma source(%dma_start3A_5 : memref<32768xi32, #tpu.memory_space<hbm>>) target(%arg8 : memref<32768xi32, #tpu.memory_space<vmem>>) target_semaphore(%arg12 : memref<!tpu.dma_semaphore, #tpu.memory_space<semaphore_mem>>)
    tpu.enqueue_dma source(%arg5 : memref<48000xf32, #tpu.memory_space<hbm>>) target(%arg7 : memref<48000xf32, #tpu.memory_space<vmem>>) target_semaphore(%arg11 : memref<!tpu.dma_semaphore, #tpu.memory_space<semaphore_mem>>)
    %parallel_loop3A = arith.constant 0 : i32
    %parallel_loop3A_6 = arith.constant 32 : i32
    %parallel_loop3A_7 = arith.constant 1 : i32
    scf.for %parallel_loop3A_32 = %parallel_loop3A to %parallel_loop3A_6 step %parallel_loop3A_7  : i32 {
      %parallel_loop3A_33 = arith.constant 16 : i32
      %parallel_loop3A_34 = arith.muli %parallel_loop3A_32, %parallel_loop3A_33 : i32
      %parallel_loop3A_35 = arith.index_cast %parallel_loop3A_34 : i32 to index
      %parallel_loop3A_36 = tpu.vector_load %arg9[%parallel_loop3A_35] {strides = array<i32>} : memref<512xi32, #tpu.memory_space<vmem>>, vector<16xi32>,
      %parallel_loop3A_37 = vector.shape_cast %parallel_loop3A_36 : vector<16xi32> to vector<16xi32>
      %parallel_loop3A_38 = vector.extract_strided_slice %parallel_loop3A_37 {offsets = [0], sizes = [1], strides = [1]} : vector<16xi32> to vector<1xi32>
      %parallel_loop3A_39 = vector.extract %parallel_loop3A_38[0] : i32 from vector<1xi32>
      %parallel_loop3A_40 = arith.constant 32 : i32
      %parallel_loop3A_41 = arith.muli %parallel_loop3A_39, %parallel_loop3A_40 : i32
      %parallel_loop3A_42 = arith.constant 16 : i32
      %parallel_loop3A_43 = arith.muli %parallel_loop3A_32, %parallel_loop3A_42 : i32
      %parallel_loop3A_44 = arith.constant 0 : i32
      %parallel_loop3A_45 = arith.addi %parallel_loop3A_43, %parallel_loop3A_44 : i32
      %parallel_loop3A_46 = arith.constant 2 : i32
      %parallel_loop3A_47 = arith.muli %parallel_loop3A_45, %parallel_loop3A_46 : i32
      %parallel_loop3A_48 = arith.constant 32 : i32
      %parallel_loop3A_49 = arith.muli %parallel_loop3A_47, %parallel_loop3A_48 : i32
      %parallel_loop3A_50 = tpu.memref_slice %arg10[%parallel_loop3A_49] : memref<32768xf32, #tpu.memory_space<vmem>> -> memref<32xf32, #tpu.memory_space<vmem>>
      %parallel_loop3A_51 = tpu.memref_slice %arg4[%parallel_loop3A_41] : memref<3200032xf32, #tpu.memory_space<hbm>> -> memref<32xf32, #tpu.memory_space<hbm>>
      %parallel_loop3A_52 = tpu.memref_slice %arg10[%parallel_loop3A_49] : memref<32768xf32, #tpu.memory_space<vmem>> -> memref<32xf32, #tpu.memory_space<vmem>>
      %parallel_loop3A_53 = tpu.memref_slice %arg4[%parallel_loop3A_41] : memref<3200032xf32, #tpu.memory_space<hbm>> -> memref<32xf32, #tpu.memory_space<hbm>>
      tpu.enqueue_dma source(%parallel_loop3A_53 : memref<32xf32, #tpu.memory_space<hbm>>) target(%parallel_loop3A_52 : memref<32xf32, #tpu.memory_space<vmem>>) target_semaphore(%arg13 : memref<!tpu.dma_semaphore, #tpu.memory_space<semaphore_mem>>)
      %parallel_loop3A_54 = vector.extract_strided_slice %parallel_loop3A_37 {offsets = [1], sizes = [1], strides = [1]} : vector<16xi32> to vector<1xi32>
      %parallel_loop3A_55 = vector.extract %parallel_loop3A_54[0] : i32 from vector<1xi32>
      %parallel_loop3A_56 = arith.constant 32 : i32
      %parallel_loop3A_57 = arith.muli %parallel_loop3A_55, %parallel_loop3A_56 : i32
      %parallel_loop3A_58 = arith.constant 16 : i32
      %parallel_loop3A_59 = arith.muli %parallel_loop3A_32, %parallel_loop3A_58 : i32
      %parallel_loop3A_60 = arith.constant 1 : i32
      %parallel_loop3A_61 = arith.addi %parallel_loop3A_59, %parallel_loop3A_60 : i32
      %parallel_loop3A_62 = arith.constant 2 : i32
      %parallel_loop3A_63 = arith.muli %parallel_loop3A_61, %parallel_loop3A_62 : i32
      %parallel_loop3A_64 = arith.constant 32 : i32
      %parallel_loop3A_65 = arith.muli %parallel_loop3A_63, %parallel_loop3A_64 : i32
      %parallel_loop3A_66 = tpu.memref_slice %arg10[%parallel_loop3A_65] : memref<32768xf32, #tpu.memory_space<vmem>> -> memref<32xf32, #tpu.memory_space<vmem>>
      %parallel_loop3A_67 = tpu.memref_slice %arg4[%parallel_loop3A_57] : memref<3200032xf32, #tpu.memory_space<hbm>> -> memref<32xf32, #tpu.memory_space<hbm>>
      %parallel_loop3A_68 = tpu.memref_slice %arg10[%parallel_loop3A_65] : memref<32768xf32, #tpu.memory_space<vmem>> -> memref<32xf32, #tpu.memory_space<vmem>>
      %parallel_loop3A_69 = tpu.memref_slice %arg4[%parallel_loop3A_57] : memref<3200032xf32, #tpu.memory_space<hbm>> -> memref<32xf32, #tpu.memory_space<hbm>>
      tpu.enqueue_dma source(%parallel_loop3A_69 : memref<32xf32, #tpu.memory_space<hbm>>) target(%parallel_loop3A_68 : memref<32xf32, #tpu.memory_space<vmem>>) target_semaphore(%arg13 : memref<!tpu.dma_semaphore, #tpu.memory_space<semaphore_mem>>)
      %parallel_loop3A_70 = vector.extract_strided_slice %parallel_loop3A_37 {offsets = [2], sizes = [1], strides = [1]} : vector<16xi32> to vector<1xi32>
      %parallel_loop3A_71 = vector.extract %parallel_loop3A_70[0] : i32 from vector<1xi32>
      %parallel_loop3A_72 = arith.constant 32 : i32
      %parallel_loop3A_73 = arith.muli %parallel_loop3A_71, %parallel_loop3A_72 : i32
      %parallel_loop3A_74 = arith.constant 16 : i32
      %parallel_loop3A_75 = arith.muli %parallel_loop3A_32, %parallel_loop3A_74 : i32
      %parallel_loop3A_76 = arith.constant 2 : i32
      %parallel_loop3A_77 = arith.addi %parallel_loop3A_75, %parallel_loop3A_76 : i32
      %parallel_loop3A_78 = arith.constant 2 : i32
      %parallel_loop3A_79 = arith.muli %parallel_loop3A_77, %parallel_loop3A_78 : i32
      %parallel_loop3A_80 = arith.constant 32 : i32
      %parallel_loop3A_81 = arith.muli %parallel_loop3A_79, %parallel_loop3A_80 : i32
      %parallel_loop3A_82 = tpu.memref_slice %arg10[%parallel_loop3A_81] : memref<32768xf32, #tpu.memory_space<vmem>> -> memref<32xf32, #tpu.memory_space<vmem>>
      %parallel_loop3A_83 = tpu.memref_slice %arg4[%parallel_loop3A_73] : memref<3200032xf32, #tpu.memory_space<hbm>> -> memref<32xf32, #tpu.memory_space<hbm>>
      %parallel_loop3A_84 = tpu.memref_slice %arg10[%parallel_loop3A_81] : memref<32768xf32, #tpu.memory_space<vmem>> -> memref<32xf32, #tpu.memory_space<vmem>>
      %parallel_loop3A_85 = tpu.memref_slice %arg4[%parallel_loop3A_73] : memref<3200032xf32, #tpu.memory_space<hbm>> -> memref<32xf32, #tpu.memory_space<hbm>>
      tpu.enqueue_dma source(%parallel_loop3A_85 : memref<32xf32, #tpu.memory_space<hbm>>) target(%parallel_loop3A_84 : memref<32xf32, #tpu.memory_space<vmem>>) target_semaphore(%arg13 : memref<!tpu.dma_semaphore, #tpu.memory_space<semaphore_mem>>)
      %parallel_loop3A_86 = vector.extract_strided_slice %parallel_loop3A_37 {offsets = [3], sizes = [1], strides = [1]} : vector<16xi32> to vector<1xi32>
      %parallel_loop3A_87 = vector.extract %parallel_loop3A_86[0] : i32 from vector<1xi32>
      %parallel_loop3A_88 = arith.constant 32 : i32
      %parallel_loop3A_89 = arith.muli %parallel_loop3A_87, %parallel_loop3A_88 : i32
      %parallel_loop3A_90 = arith.constant 16 : i32
      %parallel_loop3A_91 = arith.muli %parallel_loop3A_32, %parallel_loop3A_90 : i32
      %parallel_loop3A_92 = arith.constant 3 : i32
      %parallel_loop3A_93 = arith.addi %parallel_loop3A_91, %parallel_loop3A_92 : i32
      %parallel_loop3A_94 = arith.constant 2 : i32
      %parallel_loop3A_95 = arith.muli %parallel_loop3A_93, %parallel_loop3A_94 : i32
      %parallel_loop3A_96 = arith.constant 32 : i32
      %parallel_loop3A_97 = arith.muli %parallel_loop3A_95, %parallel_loop3A_96 : i32
      %parallel_loop3A_98 = tpu.memref_slice %arg10[%parallel_loop3A_97] : memref<32768xf32, #tpu.memory_space<vmem>> -> memref<32xf32, #tpu.memory_space<vmem>>
      %parallel_loop3A_99 = tpu.memref_slice %arg4[%parallel_loop3A_89] : memref<3200032xf32, #tpu.memory_space<hbm>> -> memref<32xf32, #tpu.memory_space<hbm>>
      %parallel_loop3A_100 = tpu.memref_slice %arg10[%parallel_loop3A_97] : memref<32768xf32, #tpu.memory_space<vmem>> -> memref<32xf32, #tpu.memory_space<vmem>>
      %parallel_loop3A_101 = tpu.memref_slice %arg4[%parallel_loop3A_89] : memref<3200032xf32, #tpu.memory_space<hbm>> -> memref<32xf32, #tpu.memory_space<hbm>>
      tpu.enqueue_dma source(%parallel_loop3A_101 : memref<32xf32, #tpu.memory_space<hbm>>) target(%parallel_loop3A_100 : memref<32xf32, #tpu.memory_space<vmem>>) target_semaphore(%arg13 : memref<!tpu.dma_semaphore, #tpu.memory_space<semaphore_mem>>)
      %parallel_loop3A_102 = vector.extract_strided_slice %parallel_loop3A_37 {offsets = [4], sizes = [1], strides = [1]} : vector<16xi32> to vector<1xi32>
      %parallel_loop3A_103 = vector.extract %parallel_loop3A_102[0] : i32 from vector<1xi32>
      %parallel_loop3A_104 = arith.constant 32 : i32
      %parallel_loop3A_105 = arith.muli %parallel_loop3A_103, %parallel_loop3A_104 : i32
      %parallel_loop3A_106 = arith.constant 16 : i32
      %parallel_loop3A_107 = arith.muli %parallel_loop3A_32, %parallel_loop3A_106 : i32
      %parallel_loop3A_108 = arith.constant 4 : i32
      %parallel_loop3A_109 = arith.addi %parallel_loop3A_107, %parallel_loop3A_108 : i32
      %parallel_loop3A_110 = arith.constant 2 : i32
      %parallel_loop3A_111 = arith.muli %parallel_loop3A_109, %parallel_loop3A_110 : i32
      %parallel_loop3A_112 = arith.constant 32 : i32
      %parallel_loop3A_113 = arith.muli %parallel_loop3A_111, %parallel_loop3A_112 : i32
      %parallel_loop3A_114 = tpu.memref_slice %arg10[%parallel_loop3A_113] : memref<32768xf32, #tpu.memory_space<vmem>> -> memref<32xf32, #tpu.memory_space<vmem>>
      %parallel_loop3A_115 = tpu.memref_slice %arg4[%parallel_loop3A_105] : memref<3200032xf32, #tpu.memory_space<hbm>> -> memref<32xf32, #tpu.memory_space<hbm>>
      %parallel_loop3A_116 = tpu.memref_slice %arg10[%parallel_loop3A_113] : memref<32768xf32, #tpu.memory_space<vmem>> -> memref<32xf32, #tpu.memory_space<vmem>>
      %parallel_loop3A_117 = tpu.memref_slice %arg4[%parallel_loop3A_105] : memref<3200032xf32, #tpu.memory_space<hbm>> -> memref<32xf32, #tpu.memory_space<hbm>>
      tpu.enqueue_dma source(%parallel_loop3A_117 : memref<32xf32, #tpu.memory_space<hbm>>) target(%parallel_loop3A_116 : memref<32xf32, #tpu.memory_space<vmem>>) target_semaphore(%arg13 : memref<!tpu.dma_semaphore, #tpu.memory_space<semaphore_mem>>)
      %parallel_loop3A_118 = vector.extract_strided_slice %parallel_loop3A_37 {offsets = [5], sizes = [1], strides = [1]} : vector<16xi32> to vector<1xi32>
      %parallel_loop3A_119 = vector.extract %parallel_loop3A_118[0] : i32 from vector<1xi32>
      %parallel_loop3A_120 = arith.constant 32 : i32
      %parallel_loop3A_121 = arith.muli %parallel_loop3A_119, %parallel_loop3A_120 : i32
      %parallel_loop3A_122 = arith.constant 16 : i32
      %parallel_loop3A_123 = arith.muli %parallel_loop3A_32, %parallel_loop3A_122 : i32
      %parallel_loop3A_124 = arith.constant 5 : i32
      %parallel_loop3A_125 = arith.addi %parallel_loop3A_123, %parallel_loop3A_124 : i32
      %parallel_loop3A_126 = arith.constant 2 : i32
      %parallel_loop3A_127 = arith.muli %parallel_loop3A_125, %parallel_loop3A_126 : i32
      %parallel_loop3A_128 = arith.constant 32 : i32
      %parallel_loop3A_129 = arith.muli %parallel_loop3A_127, %parallel_loop3A_128 : i32
      %parallel_loop3A_130 = tpu.memref_slice %arg10[%parallel_loop3A_129] : memref<32768xf32, #tpu.memory_space<vmem>> -> memref<32xf32, #tpu.memory_space<vmem>>
      %parallel_loop3A_131 = tpu.memref_slice %arg4[%parallel_loop3A_121] : memref<3200032xf32, #tpu.memory_space<hbm>> -> memref<32xf32, #tpu.memory_space<hbm>>
      %parallel_loop3A_132 = tpu.memref_slice %arg10[%parallel_loop3A_129] : memref<32768xf32, #tpu.memory_space<vmem>> -> memref<32xf32, #tpu.memory_space<vmem>>
      %parallel_loop3A_133 = tpu.memref_slice %arg4[%parallel_loop3A_121] : memref<3200032xf32, #tpu.memory_space<hbm>> -> memref<32xf32, #tpu.memory_space<hbm>>
      tpu.enqueue_dma source(%parallel_loop3A_133 : memref<32xf32, #tpu.memory_space<hbm>>) target(%parallel_loop3A_132 : memref<32xf32, #tpu.memory_space<vmem>>) target_semaphore(%arg13 : memref<!tpu.dma_semaphore, #tpu.memory_space<semaphore_mem>>)
      %parallel_loop3A_134 = vector.extract_strided_slice %parallel_loop3A_37 {offsets = [6], sizes = [1], strides = [1]} : vector<16xi32> to vector<1xi32>
      %parallel_loop3A_135 = vector.extract %parallel_loop3A_134[0] : i32 from vector<1xi32>
      %parallel_loop3A_136 = arith.constant 32 : i32
      %parallel_loop3A_137 = arith.muli %parallel_loop3A_135, %parallel_loop3A_136 : i32
      %parallel_loop3A_138 = arith.constant 16 : i32
      %parallel_loop3A_139 = arith.muli %parallel_loop3A_32, %parallel_loop3A_138 : i32
      %parallel_loop3A_140 = arith.constant 6 : i32
      %parallel_loop3A_141 = arith.addi %parallel_loop3A_139, %parallel_loop3A_140 : i32
      %parallel_loop3A_142 = arith.constant 2 : i32
      %parallel_loop3A_143 = arith.muli %parallel_loop3A_141, %parallel_loop3A_142 : i32
      %parallel_loop3A_144 = arith.constant 32 : i32
      %parallel_loop3A_145 = arith.muli %parallel_loop3A_143, %parallel_loop3A_144 : i32
      %parallel_loop3A_146 = tpu.memref_slice %arg10[%parallel_loop3A_145] : memref<32768xf32, #tpu.memory_space<vmem>> -> memref<32xf32, #tpu.memory_space<vmem>>
      %parallel_loop3A_147 = tpu.memref_slice %arg4[%parallel_loop3A_137] : memref<3200032xf32, #tpu.memory_space<hbm>> -> memref<32xf32, #tpu.memory_space<hbm>>
      %parallel_loop3A_148 = tpu.memref_slice %arg10[%parallel_loop3A_145] : memref<32768xf32, #tpu.memory_space<vmem>> -> memref<32xf32, #tpu.memory_space<vmem>>
      %parallel_loop3A_149 = tpu.memref_slice %arg4[%parallel_loop3A_137] : memref<3200032xf32, #tpu.memory_space<hbm>> -> memref<32xf32, #tpu.memory_space<hbm>>
      tpu.enqueue_dma source(%parallel_loop3A_149 : memref<32xf32, #tpu.memory_space<hbm>>) target(%parallel_loop3A_148 : memref<32xf32, #tpu.memory_space<vmem>>) target_semaphore(%arg13 : memref<!tpu.dma_semaphore, #tpu.memory_space<semaphore_mem>>)
      %parallel_loop3A_150 = vector.extract_strided_slice %parallel_loop3A_37 {offsets = [7], sizes = [1], strides = [1]} : vector<16xi32> to vector<1xi32>
      %parallel_loop3A_151 = vector.extract %parallel_loop3A_150[0] : i32 from vector<1xi32>
      %parallel_loop3A_152 = arith.constant 32 : i32
      %parallel_loop3A_153 = arith.muli %parallel_loop3A_151, %parallel_loop3A_152 : i32
      %parallel_loop3A_154 = arith.constant 16 : i32
      %parallel_loop3A_155 = arith.muli %parallel_loop3A_32, %parallel_loop3A_154 : i32
      %parallel_loop3A_156 = arith.constant 7 : i32
      %parallel_loop3A_157 = arith.addi %parallel_loop3A_155, %parallel_loop3A_156 : i32
      %parallel_loop3A_158 = arith.constant 2 : i32
      %parallel_loop3A_159 = arith.muli %parallel_loop3A_157, %parallel_loop3A_158 : i32
      %parallel_loop3A_160 = arith.constant 32 : i32
      %parallel_loop3A_161 = arith.muli %parallel_loop3A_159, %parallel_loop3A_160 : i32
      %parallel_loop3A_162 = tpu.memref_slice %arg10[%parallel_loop3A_161] : memref<32768xf32, #tpu.memory_space<vmem>> -> memref<32xf32, #tpu.memory_space<vmem>>
      %parallel_loop3A_163 = tpu.memref_slice %arg4[%parallel_loop3A_153] : memref<3200032xf32, #tpu.memory_space<hbm>> -> memref<32xf32, #tpu.memory_space<hbm>>
      %parallel_loop3A_164 = tpu.memref_slice %arg10[%parallel_loop3A_161] : memref<32768xf32, #tpu.memory_space<vmem>> -> memref<32xf32, #tpu.memory_space<vmem>>
      %parallel_loop3A_165 = tpu.memref_slice %arg4[%parallel_loop3A_153] : memref<3200032xf32, #tpu.memory_space<hbm>> -> memref<32xf32, #tpu.memory_space<hbm>>
      tpu.enqueue_dma source(%parallel_loop3A_165 : memref<32xf32, #tpu.memory_space<hbm>>) target(%parallel_loop3A_164 : memref<32xf32, #tpu.memory_space<vmem>>) target_semaphore(%arg13 : memref<!tpu.dma_semaphore, #tpu.memory_space<semaphore_mem>>)
      %parallel_loop3A_166 = vector.extract_strided_slice %parallel_loop3A_37 {offsets = [8], sizes = [1], strides = [1]} : vector<16xi32> to vector<1xi32>
      %parallel_loop3A_167 = vector.extract %parallel_loop3A_166[0] : i32 from vector<1xi32>
      %parallel_loop3A_168 = arith.constant 32 : i32
      %parallel_loop3A_169 = arith.muli %parallel_loop3A_167, %parallel_loop3A_168 : i32
      %parallel_loop3A_170 = arith.constant 16 : i32
      %parallel_loop3A_171 = arith.muli %parallel_loop3A_32, %parallel_loop3A_170 : i32
      %parallel_loop3A_172 = arith.constant 8 : i32
      %parallel_loop3A_173 = arith.addi %parallel_loop3A_171, %parallel_loop3A_172 : i32
      %parallel_loop3A_174 = arith.constant 2 : i32
      %parallel_loop3A_175 = arith.muli %parallel_loop3A_173, %parallel_loop3A_174 : i32
      %parallel_loop3A_176 = arith.constant 32 : i32
      %parallel_loop3A_177 = arith.muli %parallel_loop3A_175, %parallel_loop3A_176 : i32
      %parallel_loop3A_178 = tpu.memref_slice %arg10[%parallel_loop3A_177] : memref<32768xf32, #tpu.memory_space<vmem>> -> memref<32xf32, #tpu.memory_space<vmem>>
      %parallel_loop3A_179 = tpu.memref_slice %arg4[%parallel_loop3A_169] : memref<3200032xf32, #tpu.memory_space<hbm>> -> memref<32xf32, #tpu.memory_space<hbm>>
      %parallel_loop3A_180 = tpu.memref_slice %arg10[%parallel_loop3A_177] : memref<32768xf32, #tpu.memory_space<vmem>> -> memref<32xf32, #tpu.memory_space<vmem>>
      %parallel_loop3A_181 = tpu.memref_slice %arg4[%parallel_loop3A_169] : memref<3200032xf32, #tpu.memory_space<hbm>> -> memref<32xf32, #tpu.memory_space<hbm>>
      tpu.enqueue_dma source(%parallel_loop3A_181 : memref<32xf32, #tpu.memory_space<hbm>>) target(%parallel_loop3A_180 : memref<32xf32, #tpu.memory_space<vmem>>) target_semaphore(%arg13 : memref<!tpu.dma_semaphore, #tpu.memory_space<semaphore_mem>>)
      %parallel_loop3A_182 = vector.extract_strided_slice %parallel_loop3A_37 {offsets = [9], sizes = [1], strides = [1]} : vector<16xi32> to vector<1xi32>
      %parallel_loop3A_183 = vector.extract %parallel_loop3A_182[0] : i32 from vector<1xi32>
      %parallel_loop3A_184 = arith.constant 32 : i32
      %parallel_loop3A_185 = arith.muli %parallel_loop3A_183, %parallel_loop3A_184 : i32
      %parallel_loop3A_186 = arith.constant 16 : i32
      %parallel_loop3A_187 = arith.muli %parallel_loop3A_32, %parallel_loop3A_186 : i32
      %parallel_loop3A_188 = arith.constant 9 : i32
      %parallel_loop3A_189 = arith.addi %parallel_loop3A_187, %parallel_loop3A_188 : i32
      %parallel_loop3A_190 = arith.constant 2 : i32
      %parallel_loop3A_191 = arith.muli %parallel_loop3A_189, %parallel_loop3A_190 : i32
      %parallel_loop3A_192 = arith.constant 32 : i32
      %parallel_loop3A_193 = arith.muli %parallel_loop3A_191, %parallel_loop3A_192 : i32
      %parallel_loop3A_194 = tpu.memref_slice %arg10[%parallel_loop3A_193] : memref<32768xf32, #tpu.memory_space<vmem>> -> memref<32xf32, #tpu.memory_space<vmem>>
      %parallel_loop3A_195 = tpu.memref_slice %arg4[%parallel_loop3A_185] : memref<3200032xf32, #tpu.memory_space<hbm>> -> memref<32xf32, #tpu.memory_space<hbm>>
      %parallel_loop3A_196 = tpu.memref_slice %arg10[%parallel_loop3A_193] : memref<32768xf32, #tpu.memory_space<vmem>> -> memref<32xf32, #tpu.memory_space<vmem>>
      %parallel_loop3A_197 = tpu.memref_slice %arg4[%parallel_loop3A_185] : memref<3200032xf32, #tpu.memory_space<hbm>> -> memref<32xf32, #tpu.memory_space<hbm>>
      tpu.enqueue_dma source(%parallel_loop3A_197 : memref<32xf32, #tpu.memory_space<hbm>>) target(%parallel_loop3A_196 : memref<32xf32, #tpu.memory_space<vmem>>) target_semaphore(%arg13 : memref<!tpu.dma_semaphore, #tpu.memory_space<semaphore_mem>>)
      %parallel_loop3A_198 = vector.extract_strided_slice %parallel_loop3A_37 {offsets = [10], sizes = [1], strides = [1]} : vector<16xi32> to vector<1xi32>
      %parallel_loop3A_199 = vector.extract %parallel_loop3A_198[0] : i32 from vector<1xi32>
      %parallel_loop3A_200 = arith.constant 32 : i32
      %parallel_loop3A_201 = arith.muli %parallel_loop3A_199, %parallel_loop3A_200 : i32
      %parallel_loop3A_202 = arith.constant 16 : i32
      %parallel_loop3A_203 = arith.muli %parallel_loop3A_32, %parallel_loop3A_202 : i32
      %parallel_loop3A_204 = arith.constant 10 : i32
      %parallel_loop3A_205 = arith.addi %parallel_loop3A_203, %parallel_loop3A_204 : i32
      %parallel_loop3A_206 = arith.constant 2 : i32
      %parallel_loop3A_207 = arith.muli %parallel_loop3A_205, %parallel_loop3A_206 : i32
      %parallel_loop3A_208 = arith.constant 32 : i32
      %parallel_loop3A_209 = arith.muli %parallel_loop3A_207, %parallel_loop3A_208 : i32
      %parallel_loop3A_210 = tpu.memref_slice %arg10[%parallel_loop3A_209] : memref<32768xf32, #tpu.memory_space<vmem>> -> memref<32xf32, #tpu.memory_space<vmem>>
      %parallel_loop3A_211 = tpu.memref_slice %arg4[%parallel_loop3A_201] : memref<3200032xf32, #tpu.memory_space<hbm>> -> memref<32xf32, #tpu.memory_space<hbm>>
      %parallel_loop3A_212 = tpu.memref_slice %arg10[%parallel_loop3A_209] : memref<32768xf32, #tpu.memory_space<vmem>> -> memref<32xf32, #tpu.memory_space<vmem>>
      %parallel_loop3A_213 = tpu.memref_slice %arg4[%parallel_loop3A_201] : memref<3200032xf32, #tpu.memory_space<hbm>> -> memref<32xf32, #tpu.memory_space<hbm>>
      tpu.enqueue_dma source(%parallel_loop3A_213 : memref<32xf32, #tpu.memory_space<hbm>>) target(%parallel_loop3A_212 : memref<32xf32, #tpu.memory_space<vmem>>) target_semaphore(%arg13 : memref<!tpu.dma_semaphore, #tpu.memory_space<semaphore_mem>>)
      %parallel_loop3A_214 = vector.extract_strided_slice %parallel_loop3A_37 {offsets = [11], sizes = [1], strides = [1]} : vector<16xi32> to vector<1xi32>
      %parallel_loop3A_215 = vector.extract %parallel_loop3A_214[0] : i32 from vector<1xi32>
      %parallel_loop3A_216 = arith.constant 32 : i32
      %parallel_loop3A_217 = arith.muli %parallel_loop3A_215, %parallel_loop3A_216 : i32
      %parallel_loop3A_218 = arith.constant 16 : i32
      %parallel_loop3A_219 = arith.muli %parallel_loop3A_32, %parallel_loop3A_218 : i32
      %parallel_loop3A_220 = arith.constant 11 : i32
      %parallel_loop3A_221 = arith.addi %parallel_loop3A_219, %parallel_loop3A_220 : i32
      %parallel_loop3A_222 = arith.constant 2 : i32
      %parallel_loop3A_223 = arith.muli %parallel_loop3A_221, %parallel_loop3A_222 : i32
      %parallel_loop3A_224 = arith.constant 32 : i32
      %parallel_loop3A_225 = arith.muli %parallel_loop3A_223, %parallel_loop3A_224 : i32
      %parallel_loop3A_226 = tpu.memref_slice %arg10[%parallel_loop3A_225] : memref<32768xf32, #tpu.memory_space<vmem>> -> memref<32xf32, #tpu.memory_space<vmem>>
      %parallel_loop3A_227 = tpu.memref_slice %arg4[%parallel_loop3A_217] : memref<3200032xf32, #tpu.memory_space<hbm>> -> memref<32xf32, #tpu.memory_space<hbm>>
      %parallel_loop3A_228 = tpu.memref_slice %arg10[%parallel_loop3A_225] : memref<32768xf32, #tpu.memory_space<vmem>> -> memref<32xf32, #tpu.memory_space<vmem>>
      %parallel_loop3A_229 = tpu.memref_slice %arg4[%parallel_loop3A_217] : memref<3200032xf32, #tpu.memory_space<hbm>> -> memref<32xf32, #tpu.memory_space<hbm>>
      tpu.enqueue_dma source(%parallel_loop3A_229 : memref<32xf32, #tpu.memory_space<hbm>>) target(%parallel_loop3A_228 : memref<32xf32, #tpu.memory_space<vmem>>) target_semaphore(%arg13 : memref<!tpu.dma_semaphore, #tpu.memory_space<semaphore_mem>>)
      %parallel_loop3A_230 = vector.extract_strided_slice %parallel_loop3A_37 {offsets = [12], sizes = [1], strides = [1]} : vector<16xi32> to vector<1xi32>
      %parallel_loop3A_231 = vector.extract %parallel_loop3A_230[0] : i32 from vector<1xi32>
      %parallel_loop3A_232 = arith.constant 32 : i32
      %parallel_loop3A_233 = arith.muli %parallel_loop3A_231, %parallel_loop3A_232 : i32
      %parallel_loop3A_234 = arith.constant 16 : i32
      %parallel_loop3A_235 = arith.muli %parallel_loop3A_32, %parallel_loop3A_234 : i32
      %parallel_loop3A_236 = arith.constant 12 : i32
      %parallel_loop3A_237 = arith.addi %parallel_loop3A_235, %parallel_loop3A_236 : i32
      %parallel_loop3A_238 = arith.constant 2 : i32
      %parallel_loop3A_239 = arith.muli %parallel_loop3A_237, %parallel_loop3A_238 : i32
      %parallel_loop3A_240 = arith.constant 32 : i32
      %parallel_loop3A_241 = arith.muli %parallel_loop3A_239, %parallel_loop3A_240 : i32
      %parallel_loop3A_242 = tpu.memref_slice %arg10[%parallel_loop3A_241] : memref<32768xf32, #tpu.memory_space<vmem>> -> memref<32xf32, #tpu.memory_space<vmem>>
      %parallel_loop3A_243 = tpu.memref_slice %arg4[%parallel_loop3A_233] : memref<3200032xf32, #tpu.memory_space<hbm>> -> memref<32xf32, #tpu.memory_space<hbm>>
      %parallel_loop3A_244 = tpu.memref_slice %arg10[%parallel_loop3A_241] : memref<32768xf32, #tpu.memory_space<vmem>> -> memref<32xf32, #tpu.memory_space<vmem>>
      %parallel_loop3A_245 = tpu.memref_slice %arg4[%parallel_loop3A_233] : memref<3200032xf32, #tpu.memory_space<hbm>> -> memref<32xf32, #tpu.memory_space<hbm>>
      tpu.enqueue_dma source(%parallel_loop3A_245 : memref<32xf32, #tpu.memory_space<hbm>>) target(%parallel_loop3A_244 : memref<32xf32, #tpu.memory_space<vmem>>) target_semaphore(%arg13 : memref<!tpu.dma_semaphore, #tpu.memory_space<semaphore_mem>>)
      %parallel_loop3A_246 = vector.extract_strided_slice %parallel_loop3A_37 {offsets = [13], sizes = [1], strides = [1]} : vector<16xi32> to vector<1xi32>
      %parallel_loop3A_247 = vector.extract %parallel_loop3A_246[0] : i32 from vector<1xi32>
      %parallel_loop3A_248 = arith.constant 32 : i32
      %parallel_loop3A_249 = arith.muli %parallel_loop3A_247, %parallel_loop3A_248 : i32
      %parallel_loop3A_250 = arith.constant 16 : i32
      %parallel_loop3A_251 = arith.muli %parallel_loop3A_32, %parallel_loop3A_250 : i32
      %parallel_loop3A_252 = arith.constant 13 : i32
      %parallel_loop3A_253 = arith.addi %parallel_loop3A_251, %parallel_loop3A_252 : i32
      %parallel_loop3A_254 = arith.constant 2 : i32
      %parallel_loop3A_255 = arith.muli %parallel_loop3A_253, %parallel_loop3A_254 : i32
      %parallel_loop3A_256 = arith.constant 32 : i32
      %parallel_loop3A_257 = arith.muli %parallel_loop3A_255, %parallel_loop3A_256 : i32
      %parallel_loop3A_258 = tpu.memref_slice %arg10[%parallel_loop3A_257] : memref<32768xf32, #tpu.memory_space<vmem>> -> memref<32xf32, #tpu.memory_space<vmem>>
      %parallel_loop3A_259 = tpu.memref_slice %arg4[%parallel_loop3A_249] : memref<3200032xf32, #tpu.memory_space<hbm>> -> memref<32xf32, #tpu.memory_space<hbm>>
      %parallel_loop3A_260 = tpu.memref_slice %arg10[%parallel_loop3A_257] : memref<32768xf32, #tpu.memory_space<vmem>> -> memref<32xf32, #tpu.memory_space<vmem>>
      %parallel_loop3A_261 = tpu.memref_slice %arg4[%parallel_loop3A_249] : memref<3200032xf32, #tpu.memory_space<hbm>> -> memref<32xf32, #tpu.memory_space<hbm>>
      tpu.enqueue_dma source(%parallel_loop3A_261 : memref<32xf32, #tpu.memory_space<hbm>>) target(%parallel_loop3A_260 : memref<32xf32, #tpu.memory_space<vmem>>) target_semaphore(%arg13 : memref<!tpu.dma_semaphore, #tpu.memory_space<semaphore_mem>>)
      %parallel_loop3A_262 = vector.extract_strided_slice %parallel_loop3A_37 {offsets = [14], sizes = [1], strides = [1]} : vector<16xi32> to vector<1xi32>
      %parallel_loop3A_263 = vector.extract %parallel_loop3A_262[0] : i32 from vector<1xi32>
      %parallel_loop3A_264 = arith.constant 32 : i32
      %parallel_loop3A_265 = arith.muli %parallel_loop3A_263, %parallel_loop3A_264 : i32
      %parallel_loop3A_266 = arith.constant 16 : i32
      %parallel_loop3A_267 = arith.muli %parallel_loop3A_32, %parallel_loop3A_266 : i32
      %parallel_loop3A_268 = arith.constant 14 : i32
      %parallel_loop3A_269 = arith.addi %parallel_loop3A_267, %parallel_loop3A_268 : i32
      %parallel_loop3A_270 = arith.constant 2 : i32
      %parallel_loop3A_271 = arith.muli %parallel_loop3A_269, %parallel_loop3A_270 : i32
      %parallel_loop3A_272 = arith.constant 32 : i32
      %parallel_loop3A_273 = arith.muli %parallel_loop3A_271, %parallel_loop3A_272 : i32
      %parallel_loop3A_274 = tpu.memref_slice %arg10[%parallel_loop3A_273] : memref<32768xf32, #tpu.memory_space<vmem>> -> memref<32xf32, #tpu.memory_space<vmem>>
      %parallel_loop3A_275 = tpu.memref_slice %arg4[%parallel_loop3A_265] : memref<3200032xf32, #tpu.memory_space<hbm>> -> memref<32xf32, #tpu.memory_space<hbm>>
      %parallel_loop3A_276 = tpu.memref_slice %arg10[%parallel_loop3A_273] : memref<32768xf32, #tpu.memory_space<vmem>> -> memref<32xf32, #tpu.memory_space<vmem>>
      %parallel_loop3A_277 = tpu.memref_slice %arg4[%parallel_loop3A_265] : memref<3200032xf32, #tpu.memory_space<hbm>> -> memref<32xf32, #tpu.memory_space<hbm>>
      tpu.enqueue_dma source(%parallel_loop3A_277 : memref<32xf32, #tpu.memory_space<hbm>>) target(%parallel_loop3A_276 : memref<32xf32, #tpu.memory_space<vmem>>) target_semaphore(%arg13 : memref<!tpu.dma_semaphore, #tpu.memory_space<semaphore_mem>>)
      %parallel_loop3A_278 = vector.extract_strided_slice %parallel_loop3A_37 {offsets = [15], sizes = [1], strides = [1]} : vector<16xi32> to vector<1xi32>
      %parallel_loop3A_279 = vector.extract %parallel_loop3A_278[0] : i32 from vector<1xi32>
      %parallel_loop3A_280 = arith.constant 32 : i32
      %parallel_loop3A_281 = arith.muli %parallel_loop3A_279, %parallel_loop3A_280 : i32
      %parallel_loop3A_282 = arith.constant 16 : i32
      %parallel_loop3A_283 = arith.muli %parallel_loop3A_32, %parallel_loop3A_282 : i32
      %parallel_loop3A_284 = arith.constant 15 : i32
      %parallel_loop3A_285 = arith.addi %parallel_loop3A_283, %parallel_loop3A_284 : i32
      %parallel_loop3A_286 = arith.constant 2 : i32
      %parallel_loop3A_287 = arith.muli %parallel_loop3A_285, %parallel_loop3A_286 : i32
      %parallel_loop3A_288 = arith.constant 32 : i32
      %parallel_loop3A_289 = arith.muli %parallel_loop3A_287, %parallel_loop3A_288 : i32
      %parallel_loop3A_290 = tpu.memref_slice %arg10[%parallel_loop3A_289] : memref<32768xf32, #tpu.memory_space<vmem>> -> memref<32xf32, #tpu.memory_space<vmem>>
      %parallel_loop3A_291 = tpu.memref_slice %arg4[%parallel_loop3A_281] : memref<3200032xf32, #tpu.memory_space<hbm>> -> memref<32xf32, #tpu.memory_space<hbm>>
      %parallel_loop3A_292 = tpu.memref_slice %arg10[%parallel_loop3A_289] : memref<32768xf32, #tpu.memory_space<vmem>> -> memref<32xf32, #tpu.memory_space<vmem>>
      %parallel_loop3A_293 = tpu.memref_slice %arg4[%parallel_loop3A_281] : memref<3200032xf32, #tpu.memory_space<hbm>> -> memref<32xf32, #tpu.memory_space<hbm>>
      tpu.enqueue_dma source(%parallel_loop3A_293 : memref<32xf32, #tpu.memory_space<hbm>>) target(%parallel_loop3A_292 : memref<32xf32, #tpu.memory_space<vmem>>) target_semaphore(%arg13 : memref<!tpu.dma_semaphore, #tpu.memory_space<semaphore_mem>>)
    } {sc.loop_unroll_factor = 1 : i64, sc.parallel_access}
    tpu.wait_dma2 semaphore(%arg11 : memref<!tpu.dma_semaphore, #tpu.memory_space<semaphore_mem>>) src(%arg5 : memref<48000xf32, #tpu.memory_space<hbm>>) dst(%arg7 : memref<48000xf32, #tpu.memory_space<vmem>>)
    %broadcast_in_dim3A = arith.constant 0.000000e+00 : f32
    %broadcast_in_dim3A_8 = vector.broadcast %broadcast_in_dim3A : f32 to vector<16xf32>
    %swap3A = arith.constant 0 : index
    %swap3A_9 = tpu.vector_load %arg7[%swap3A] {strides = array<i32>} : memref<48000xf32, #tpu.memory_space<vmem>>, vector<16xf32>,
    %swap3A_10 = vector.shape_cast %swap3A_9 : vector<16xf32> to vector<16xf32>
    %swap3A_11 = vector.shape_cast %broadcast_in_dim3A_8 : vector<16xf32> to vector<16xf32>
    tpu.vector_store %arg7[%swap3A], %swap3A_11 {strides = array<i32>} : memref<48000xf32, #tpu.memory_space<vmem>>, vector<16xf32>,
    %swap3A_12 = arith.constant 16 : index
    %swap3A_13 = tpu.vector_load %arg7[%swap3A_12] {strides = array<i32>} : memref<48000xf32, #tpu.memory_space<vmem>>, vector<16xf32>,
    %swap3A_14 = vector.shape_cast %swap3A_13 : vector<16xf32> to vector<16xf32>
    %swap3A_15 = vector.shape_cast %broadcast_in_dim3A_8 : vector<16xf32> to vector<16xf32>
    tpu.vector_store %arg7[%swap3A_12], %swap3A_15 {strides = array<i32>} : memref<48000xf32, #tpu.memory_space<vmem>>, vector<16xf32>,
    %dma_wait3A = tpu.memref_slice %arg3[%mul3A_4] : memref<1048576xi32, #tpu.memory_space<hbm>> -> memref<32768xi32, #tpu.memory_space<hbm>>
    %dma_wait3A_16 = tpu.memref_slice %arg3[%mul3A_4] : memref<1048576xi32, #tpu.memory_space<hbm>> -> memref<32768xi32, #tpu.memory_space<hbm>>
    tpu.wait_dma2 semaphore(%arg12 : memref<!tpu.dma_semaphore, #tpu.memory_space<semaphore_mem>>) src(%dma_wait3A_16 : memref<32768xi32, #tpu.memory_space<hbm>>) dst(%arg8 : memref<32768xi32, #tpu.memory_space<vmem>>)
    %parallel_loop3A_17 = arith.constant 0 : i32
    %parallel_loop3A_18 = arith.constant 512 : i32
    %parallel_loop3A_19 = arith.constant 1 : i32
    scf.for %parallel_loop3A_32 = %parallel_loop3A_17 to %parallel_loop3A_18 step %parallel_loop3A_19  : i32 {
      %parallel_loop3A_33 = arith.constant 64 : i32
      %parallel_loop3A_34 = arith.muli %parallel_loop3A_32, %parallel_loop3A_33 : i32
      %parallel_loop3A_35 = arith.constant 0 : i32
      %parallel_loop3A_36 = arith.addi %parallel_loop3A_34, %parallel_loop3A_35 : i32
      %parallel_loop3A_37 = arith.index_cast %parallel_loop3A_36 : i32 to index
      %parallel_loop3A_38 = tpu.vector_load %arg8[%parallel_loop3A_37] {strides = array<i32>} : memref<32768xi32, #tpu.memory_space<vmem>>, vector<16xi32>,
      %parallel_loop3A_39 = vector.shape_cast %parallel_loop3A_38 : vector<16xi32> to vector<16xi32>
      %parallel_loop3A_40 = vector.extract_strided_slice %parallel_loop3A_39 {offsets = [0], sizes = [1], strides = [1]} : vector<16xi32> to vector<1xi32>
      %parallel_loop3A_41 = vector.extract %parallel_loop3A_40[0] : i32 from vector<1xi32>
      %parallel_loop3A_42 = arith.constant 1 : i32
      %parallel_loop3A_43 = arith.minsi %parallel_loop3A_41, %parallel_loop3A_42 : i32
      %parallel_loop3A_44 = arith.constant 0 : i32
      %parallel_loop3A_45 = arith.addi %parallel_loop3A_44, %parallel_loop3A_43 : i32
      %parallel_loop3A_46 = arith.index_cast %parallel_loop3A_41 : i32 to index
      %parallel_loop3A_47 = tpu.vector_load %arg7[%parallel_loop3A_46] {strides = array<i32>} : memref<48000xf32, #tpu.memory_space<vmem>>, vector<16xf32>,
      %parallel_loop3A_48 = vector.shape_cast %parallel_loop3A_47 : vector<16xf32> to vector<16xf32>
      %parallel_loop3A_49 = arith.addf %broadcast_in_dim3A_8, %parallel_loop3A_48 : vector<16xf32>
      %parallel_loop3A_50 = arith.constant 16 : i32
      %parallel_loop3A_51 = arith.addi %parallel_loop3A_41, %parallel_loop3A_50 : i32
      %parallel_loop3A_52 = arith.index_cast %parallel_loop3A_51 : i32 to index
      %parallel_loop3A_53 = tpu.vector_load %arg7[%parallel_loop3A_52] {strides = array<i32>} : memref<48000xf32, #tpu.memory_space<vmem>>, vector<16xf32>,
      %parallel_loop3A_54 = vector.shape_cast %parallel_loop3A_53 : vector<16xf32> to vector<16xf32>
      %parallel_loop3A_55 = arith.addf %broadcast_in_dim3A_8, %parallel_loop3A_54 : vector<16xf32>
      %parallel_loop3A_56 = vector.extract_strided_slice %parallel_loop3A_39 {offsets = [1], sizes = [1], strides = [1]} : vector<16xi32> to vector<1xi32>
      %parallel_loop3A_57 = vector.extract %parallel_loop3A_56[0] : i32 from vector<1xi32>
      %parallel_loop3A_58 = arith.constant 1 : i32
      %parallel_loop3A_59 = arith.minsi %parallel_loop3A_57, %parallel_loop3A_58 : i32
      %parallel_loop3A_60 = arith.addi %parallel_loop3A_45, %parallel_loop3A_59 : i32
      %parallel_loop3A_61 = arith.index_cast %parallel_loop3A_57 : i32 to index
      %parallel_loop3A_62 = tpu.vector_load %arg7[%parallel_loop3A_61] {strides = array<i32>} : memref<48000xf32, #tpu.memory_space<vmem>>, vector<16xf32>,
      %parallel_loop3A_63 = vector.shape_cast %parallel_loop3A_62 : vector<16xf32> to vector<16xf32>
      %parallel_loop3A_64 = arith.addf %parallel_loop3A_49, %parallel_loop3A_63 : vector<16xf32>
      %parallel_loop3A_65 = arith.constant 16 : i32
      %parallel_loop3A_66 = arith.addi %parallel_loop3A_57, %parallel_loop3A_65 : i32
      %parallel_loop3A_67 = arith.index_cast %parallel_loop3A_66 : i32 to index
      %parallel_loop3A_68 = tpu.vector_load %arg7[%parallel_loop3A_67] {strides = array<i32>} : memref<48000xf32, #tpu.memory_space<vmem>>, vector<16xf32>,
      %parallel_loop3A_69 = vector.shape_cast %parallel_loop3A_68 : vector<16xf32> to vector<16xf32>
      %parallel_loop3A_70 = arith.addf %parallel_loop3A_55, %parallel_loop3A_69 : vector<16xf32>
      %parallel_loop3A_71 = vector.extract_strided_slice %parallel_loop3A_39 {offsets = [2], sizes = [1], strides = [1]} : vector<16xi32> to vector<1xi32>
      %parallel_loop3A_72 = vector.extract %parallel_loop3A_71[0] : i32 from vector<1xi32>
      %parallel_loop3A_73 = arith.constant 1 : i32
      %parallel_loop3A_74 = arith.minsi %parallel_loop3A_72, %parallel_loop3A_73 : i32
      %parallel_loop3A_75 = arith.addi %parallel_loop3A_60, %parallel_loop3A_74 : i32
      %parallel_loop3A_76 = arith.index_cast %parallel_loop3A_72 : i32 to index
      %parallel_loop3A_77 = tpu.vector_load %arg7[%parallel_loop3A_76] {strides = array<i32>} : memref<48000xf32, #tpu.memory_space<vmem>>, vector<16xf32>,
      %parallel_loop3A_78 = vector.shape_cast %parallel_loop3A_77 : vector<16xf32> to vector<16xf32>
      %parallel_loop3A_79 = arith.addf %parallel_loop3A_64, %parallel_loop3A_78 : vector<16xf32>
      %parallel_loop3A_80 = arith.constant 16 : i32
      %parallel_loop3A_81 = arith.addi %parallel_loop3A_72, %parallel_loop3A_80 : i32
      %parallel_loop3A_82 = arith.index_cast %parallel_loop3A_81 : i32 to index
      %parallel_loop3A_83 = tpu.vector_load %arg7[%parallel_loop3A_82] {strides = array<i32>} : memref<48000xf32, #tpu.memory_space<vmem>>, vector<16xf32>,
      %parallel_loop3A_84 = vector.shape_cast %parallel_loop3A_83 : vector<16xf32> to vector<16xf32>
      %parallel_loop3A_85 = arith.addf %parallel_loop3A_70, %parallel_loop3A_84 : vector<16xf32>
      %parallel_loop3A_86 = vector.extract_strided_slice %parallel_loop3A_39 {offsets = [3], sizes = [1], strides = [1]} : vector<16xi32> to vector<1xi32>
      %parallel_loop3A_87 = vector.extract %parallel_loop3A_86[0] : i32 from vector<1xi32>
      %parallel_loop3A_88 = arith.constant 1 : i32
      %parallel_loop3A_89 = arith.minsi %parallel_loop3A_87, %parallel_loop3A_88 : i32
      %parallel_loop3A_90 = arith.addi %parallel_loop3A_75, %parallel_loop3A_89 : i32
      %parallel_loop3A_91 = arith.index_cast %parallel_loop3A_87 : i32 to index
      %parallel_loop3A_92 = tpu.vector_load %arg7[%parallel_loop3A_91] {strides = array<i32>} : memref<48000xf32, #tpu.memory_space<vmem>>, vector<16xf32>,
      %parallel_loop3A_93 = vector.shape_cast %parallel_loop3A_92 : vector<16xf32> to vector<16xf32>
      %parallel_loop3A_94 = arith.addf %parallel_loop3A_79, %parallel_loop3A_93 : vector<16xf32>
      %parallel_loop3A_95 = arith.constant 16 : i32
      %parallel_loop3A_96 = arith.addi %parallel_loop3A_87, %parallel_loop3A_95 : i32
      %parallel_loop3A_97 = arith.index_cast %parallel_loop3A_96 : i32 to index
      %parallel_loop3A_98 = tpu.vector_load %arg7[%parallel_loop3A_97] {strides = array<i32>} : memref<48000xf32, #tpu.memory_space<vmem>>, vector<16xf32>,
      %parallel_loop3A_99 = vector.shape_cast %parallel_loop3A_98 : vector<16xf32> to vector<16xf32>
      %parallel_loop3A_100 = arith.addf %parallel_loop3A_85, %parallel_loop3A_99 : vector<16xf32>
      %parallel_loop3A_101 = vector.extract_strided_slice %parallel_loop3A_39 {offsets = [4], sizes = [1], strides = [1]} : vector<16xi32> to vector<1xi32>
      %parallel_loop3A_102 = vector.extract %parallel_loop3A_101[0] : i32 from vector<1xi32>
      %parallel_loop3A_103 = arith.constant 1 : i32
      %parallel_loop3A_104 = arith.minsi %parallel_loop3A_102, %parallel_loop3A_103 : i32
      %parallel_loop3A_105 = arith.addi %parallel_loop3A_90, %parallel_loop3A_104 : i32
      %parallel_loop3A_106 = arith.index_cast %parallel_loop3A_102 : i32 to index
      %parallel_loop3A_107 = tpu.vector_load %arg7[%parallel_loop3A_106] {strides = array<i32>} : memref<48000xf32, #tpu.memory_space<vmem>>, vector<16xf32>,
      %parallel_loop3A_108 = vector.shape_cast %parallel_loop3A_107 : vector<16xf32> to vector<16xf32>
      %parallel_loop3A_109 = arith.addf %parallel_loop3A_94, %parallel_loop3A_108 : vector<16xf32>
      %parallel_loop3A_110 = arith.constant 16 : i32
      %parallel_loop3A_111 = arith.addi %parallel_loop3A_102, %parallel_loop3A_110 : i32
      %parallel_loop3A_112 = arith.index_cast %parallel_loop3A_111 : i32 to index
      %parallel_loop3A_113 = tpu.vector_load %arg7[%parallel_loop3A_112] {strides = array<i32>} : memref<48000xf32, #tpu.memory_space<vmem>>, vector<16xf32>,
      %parallel_loop3A_114 = vector.shape_cast %parallel_loop3A_113 : vector<16xf32> to vector<16xf32>
      %parallel_loop3A_115 = arith.addf %parallel_loop3A_100, %parallel_loop3A_114 : vector<16xf32>
      %parallel_loop3A_116 = vector.extract_strided_slice %parallel_loop3A_39 {offsets = [5], sizes = [1], strides = [1]} : vector<16xi32> to vector<1xi32>
      %parallel_loop3A_117 = vector.extract %parallel_loop3A_116[0] : i32 from vector<1xi32>
      %parallel_loop3A_118 = arith.constant 1 : i32
      %parallel_loop3A_119 = arith.minsi %parallel_loop3A_117, %parallel_loop3A_118 : i32
      %parallel_loop3A_120 = arith.addi %parallel_loop3A_105, %parallel_loop3A_119 : i32
      %parallel_loop3A_121 = arith.index_cast %parallel_loop3A_117 : i32 to index
      %parallel_loop3A_122 = tpu.vector_load %arg7[%parallel_loop3A_121] {strides = array<i32>} : memref<48000xf32, #tpu.memory_space<vmem>>, vector<16xf32>,
      %parallel_loop3A_123 = vector.shape_cast %parallel_loop3A_122 : vector<16xf32> to vector<16xf32>
      %parallel_loop3A_124 = arith.addf %parallel_loop3A_109, %parallel_loop3A_123 : vector<16xf32>
      %parallel_loop3A_125 = arith.constant 16 : i32
      %parallel_loop3A_126 = arith.addi %parallel_loop3A_117, %parallel_loop3A_125 : i32
      %parallel_loop3A_127 = arith.index_cast %parallel_loop3A_126 : i32 to index
      %parallel_loop3A_128 = tpu.vector_load %arg7[%parallel_loop3A_127] {strides = array<i32>} : memref<48000xf32, #tpu.memory_space<vmem>>, vector<16xf32>,
      %parallel_loop3A_129 = vector.shape_cast %parallel_loop3A_128 : vector<16xf32> to vector<16xf32>
      %parallel_loop3A_130 = arith.addf %parallel_loop3A_115, %parallel_loop3A_129 : vector<16xf32>
      %parallel_loop3A_131 = vector.extract_strided_slice %parallel_loop3A_39 {offsets = [6], sizes = [1], strides = [1]} : vector<16xi32> to vector<1xi32>
      %parallel_loop3A_132 = vector.extract %parallel_loop3A_131[0] : i32 from vector<1xi32>
      %parallel_loop3A_133 = arith.constant 1 : i32
      %parallel_loop3A_134 = arith.minsi %parallel_loop3A_132, %parallel_loop3A_133 : i32
      %parallel_loop3A_135 = arith.addi %parallel_loop3A_120, %parallel_loop3A_134 : i32
      %parallel_loop3A_136 = arith.index_cast %parallel_loop3A_132 : i32 to index
      %parallel_loop3A_137 = tpu.vector_load %arg7[%parallel_loop3A_136] {strides = array<i32>} : memref<48000xf32, #tpu.memory_space<vmem>>, vector<16xf32>,
      %parallel_loop3A_138 = vector.shape_cast %parallel_loop3A_137 : vector<16xf32> to vector<16xf32>
      %parallel_loop3A_139 = arith.addf %parallel_loop3A_124, %parallel_loop3A_138 : vector<16xf32>
      %parallel_loop3A_140 = arith.constant 16 : i32
      %parallel_loop3A_141 = arith.addi %parallel_loop3A_132, %parallel_loop3A_140 : i32
      %parallel_loop3A_142 = arith.index_cast %parallel_loop3A_141 : i32 to index
      %parallel_loop3A_143 = tpu.vector_load %arg7[%parallel_loop3A_142] {strides = array<i32>} : memref<48000xf32, #tpu.memory_space<vmem>>, vector<16xf32>,
      %parallel_loop3A_144 = vector.shape_cast %parallel_loop3A_143 : vector<16xf32> to vector<16xf32>
      %parallel_loop3A_145 = arith.addf %parallel_loop3A_130, %parallel_loop3A_144 : vector<16xf32>
      %parallel_loop3A_146 = vector.extract_strided_slice %parallel_loop3A_39 {offsets = [7], sizes = [1], strides = [1]} : vector<16xi32> to vector<1xi32>
      %parallel_loop3A_147 = vector.extract %parallel_loop3A_146[0] : i32 from vector<1xi32>
      %parallel_loop3A_148 = arith.constant 1 : i32
      %parallel_loop3A_149 = arith.minsi %parallel_loop3A_147, %parallel_loop3A_148 : i32
      %parallel_loop3A_150 = arith.addi %parallel_loop3A_135, %parallel_loop3A_149 : i32
      %parallel_loop3A_151 = arith.index_cast %parallel_loop3A_147 : i32 to index
      %parallel_loop3A_152 = tpu.vector_load %arg7[%parallel_loop3A_151] {strides = array<i32>} : memref<48000xf32, #tpu.memory_space<vmem>>, vector<16xf32>,
      %parallel_loop3A_153 = vector.shape_cast %parallel_loop3A_152 : vector<16xf32> to vector<16xf32>
      %parallel_loop3A_154 = arith.addf %parallel_loop3A_139, %parallel_loop3A_153 : vector<16xf32>
      %parallel_loop3A_155 = arith.constant 16 : i32
      %parallel_loop3A_156 = arith.addi %parallel_loop3A_147, %parallel_loop3A_155 : i32
      %parallel_loop3A_157 = arith.index_cast %parallel_loop3A_156 : i32 to index
      %parallel_loop3A_158 = tpu.vector_load %arg7[%parallel_loop3A_157] {strides = array<i32>} : memref<48000xf32, #tpu.memory_space<vmem>>, vector<16xf32>,
      %parallel_loop3A_159 = vector.shape_cast %parallel_loop3A_158 : vector<16xf32> to vector<16xf32>
      %parallel_loop3A_160 = arith.addf %parallel_loop3A_145, %parallel_loop3A_159 : vector<16xf32>
      %parallel_loop3A_161 = vector.extract_strided_slice %parallel_loop3A_39 {offsets = [8], sizes = [1], strides = [1]} : vector<16xi32> to vector<1xi32>
      %parallel_loop3A_162 = vector.extract %parallel_loop3A_161[0] : i32 from vector<1xi32>
      %parallel_loop3A_163 = arith.constant 1 : i32
      %parallel_loop3A_164 = arith.minsi %parallel_loop3A_162, %parallel_loop3A_163 : i32
      %parallel_loop3A_165 = arith.addi %parallel_loop3A_150, %parallel_loop3A_164 : i32
      %parallel_loop3A_166 = arith.index_cast %parallel_loop3A_162 : i32 to index
      %parallel_loop3A_167 = tpu.vector_load %arg7[%parallel_loop3A_166] {strides = array<i32>} : memref<48000xf32, #tpu.memory_space<vmem>>, vector<16xf32>,
      %parallel_loop3A_168 = vector.shape_cast %parallel_loop3A_167 : vector<16xf32> to vector<16xf32>
      %parallel_loop3A_169 = arith.addf %parallel_loop3A_154, %parallel_loop3A_168 : vector<16xf32>
      %parallel_loop3A_170 = arith.constant 16 : i32
      %parallel_loop3A_171 = arith.addi %parallel_loop3A_162, %parallel_loop3A_170 : i32
      %parallel_loop3A_172 = arith.index_cast %parallel_loop3A_171 : i32 to index
      %parallel_loop3A_173 = tpu.vector_load %arg7[%parallel_loop3A_172] {strides = array<i32>} : memref<48000xf32, #tpu.memory_space<vmem>>, vector<16xf32>,
      %parallel_loop3A_174 = vector.shape_cast %parallel_loop3A_173 : vector<16xf32> to vector<16xf32>
      %parallel_loop3A_175 = arith.addf %parallel_loop3A_160, %parallel_loop3A_174 : vector<16xf32>
      %parallel_loop3A_176 = vector.extract_strided_slice %parallel_loop3A_39 {offsets = [9], sizes = [1], strides = [1]} : vector<16xi32> to vector<1xi32>
      %parallel_loop3A_177 = vector.extract %parallel_loop3A_176[0] : i32 from vector<1xi32>
      %parallel_loop3A_178 = arith.constant 1 : i32
      %parallel_loop3A_179 = arith.minsi %parallel_loop3A_177, %parallel_loop3A_178 : i32
      %parallel_loop3A_180 = arith.addi %parallel_loop3A_165, %parallel_loop3A_179 : i32
      %parallel_loop3A_181 = arith.index_cast %parallel_loop3A_177 : i32 to index
      %parallel_loop3A_182 = tpu.vector_load %arg7[%parallel_loop3A_181] {strides = array<i32>} : memref<48000xf32, #tpu.memory_space<vmem>>, vector<16xf32>,
      %parallel_loop3A_183 = vector.shape_cast %parallel_loop3A_182 : vector<16xf32> to vector<16xf32>
      %parallel_loop3A_184 = arith.addf %parallel_loop3A_169, %parallel_loop3A_183 : vector<16xf32>
      %parallel_loop3A_185 = arith.constant 16 : i32
      %parallel_loop3A_186 = arith.addi %parallel_loop3A_177, %parallel_loop3A_185 : i32
      %parallel_loop3A_187 = arith.index_cast %parallel_loop3A_186 : i32 to index
      %parallel_loop3A_188 = tpu.vector_load %arg7[%parallel_loop3A_187] {strides = array<i32>} : memref<48000xf32, #tpu.memory_space<vmem>>, vector<16xf32>,
      %parallel_loop3A_189 = vector.shape_cast %parallel_loop3A_188 : vector<16xf32> to vector<16xf32>
      %parallel_loop3A_190 = arith.addf %parallel_loop3A_175, %parallel_loop3A_189 : vector<16xf32>
      %parallel_loop3A_191 = vector.extract_strided_slice %parallel_loop3A_39 {offsets = [10], sizes = [1], strides = [1]} : vector<16xi32> to vector<1xi32>
      %parallel_loop3A_192 = vector.extract %parallel_loop3A_191[0] : i32 from vector<1xi32>
      %parallel_loop3A_193 = arith.constant 1 : i32
      %parallel_loop3A_194 = arith.minsi %parallel_loop3A_192, %parallel_loop3A_193 : i32
      %parallel_loop3A_195 = arith.addi %parallel_loop3A_180, %parallel_loop3A_194 : i32
      %parallel_loop3A_196 = arith.index_cast %parallel_loop3A_192 : i32 to index
      %parallel_loop3A_197 = tpu.vector_load %arg7[%parallel_loop3A_196] {strides = array<i32>} : memref<48000xf32, #tpu.memory_space<vmem>>, vector<16xf32>,
      %parallel_loop3A_198 = vector.shape_cast %parallel_loop3A_197 : vector<16xf32> to vector<16xf32>
      %parallel_loop3A_199 = arith.addf %parallel_loop3A_184, %parallel_loop3A_198 : vector<16xf32>
      %parallel_loop3A_200 = arith.constant 16 : i32
      %parallel_loop3A_201 = arith.addi %parallel_loop3A_192, %parallel_loop3A_200 : i32
      %parallel_loop3A_202 = arith.index_cast %parallel_loop3A_201 : i32 to index
      %parallel_loop3A_203 = tpu.vector_load %arg7[%parallel_loop3A_202] {strides = array<i32>} : memref<48000xf32, #tpu.memory_space<vmem>>, vector<16xf32>,
      %parallel_loop3A_204 = vector.shape_cast %parallel_loop3A_203 : vector<16xf32> to vector<16xf32>
      %parallel_loop3A_205 = arith.addf %parallel_loop3A_190, %parallel_loop3A_204 : vector<16xf32>
      %parallel_loop3A_206 = vector.extract_strided_slice %parallel_loop3A_39 {offsets = [11], sizes = [1], strides = [1]} : vector<16xi32> to vector<1xi32>
      %parallel_loop3A_207 = vector.extract %parallel_loop3A_206[0] : i32 from vector<1xi32>
      %parallel_loop3A_208 = arith.constant 1 : i32
      %parallel_loop3A_209 = arith.minsi %parallel_loop3A_207, %parallel_loop3A_208 : i32
      %parallel_loop3A_210 = arith.addi %parallel_loop3A_195, %parallel_loop3A_209 : i32
      %parallel_loop3A_211 = arith.index_cast %parallel_loop3A_207 : i32 to index
      %parallel_loop3A_212 = tpu.vector_load %arg7[%parallel_loop3A_211] {strides = array<i32>} : memref<48000xf32, #tpu.memory_space<vmem>>, vector<16xf32>,
      %parallel_loop3A_213 = vector.shape_cast %parallel_loop3A_212 : vector<16xf32> to vector<16xf32>
      %parallel_loop3A_214 = arith.addf %parallel_loop3A_199, %parallel_loop3A_213 : vector<16xf32>
      %parallel_loop3A_215 = arith.constant 16 : i32
      %parallel_loop3A_216 = arith.addi %parallel_loop3A_207, %parallel_loop3A_215 : i32
      %parallel_loop3A_217 = arith.index_cast %parallel_loop3A_216 : i32 to index
      %parallel_loop3A_218 = tpu.vector_load %arg7[%parallel_loop3A_217] {strides = array<i32>} : memref<48000xf32, #tpu.memory_space<vmem>>, vector<16xf32>,
      %parallel_loop3A_219 = vector.shape_cast %parallel_loop3A_218 : vector<16xf32> to vector<16xf32>
      %parallel_loop3A_220 = arith.addf %parallel_loop3A_205, %parallel_loop3A_219 : vector<16xf32>
      %parallel_loop3A_221 = vector.extract_strided_slice %parallel_loop3A_39 {offsets = [12], sizes = [1], strides = [1]} : vector<16xi32> to vector<1xi32>
      %parallel_loop3A_222 = vector.extract %parallel_loop3A_221[0] : i32 from vector<1xi32>
      %parallel_loop3A_223 = arith.constant 1 : i32
      %parallel_loop3A_224 = arith.minsi %parallel_loop3A_222, %parallel_loop3A_223 : i32
      %parallel_loop3A_225 = arith.addi %parallel_loop3A_210, %parallel_loop3A_224 : i32
      %parallel_loop3A_226 = arith.index_cast %parallel_loop3A_222 : i32 to index
      %parallel_loop3A_227 = tpu.vector_load %arg7[%parallel_loop3A_226] {strides = array<i32>} : memref<48000xf32, #tpu.memory_space<vmem>>, vector<16xf32>,
      %parallel_loop3A_228 = vector.shape_cast %parallel_loop3A_227 : vector<16xf32> to vector<16xf32>
      %parallel_loop3A_229 = arith.addf %parallel_loop3A_214, %parallel_loop3A_228 : vector<16xf32>
      %parallel_loop3A_230 = arith.constant 16 : i32
      %parallel_loop3A_231 = arith.addi %parallel_loop3A_222, %parallel_loop3A_230 : i32
      %parallel_loop3A_232 = arith.index_cast %parallel_loop3A_231 : i32 to index
      %parallel_loop3A_233 = tpu.vector_load %arg7[%parallel_loop3A_232] {strides = array<i32>} : memref<48000xf32, #tpu.memory_space<vmem>>, vector<16xf32>,
      %parallel_loop3A_234 = vector.shape_cast %parallel_loop3A_233 : vector<16xf32> to vector<16xf32>
      %parallel_loop3A_235 = arith.addf %parallel_loop3A_220, %parallel_loop3A_234 : vector<16xf32>
      %parallel_loop3A_236 = vector.extract_strided_slice %parallel_loop3A_39 {offsets = [13], sizes = [1], strides = [1]} : vector<16xi32> to vector<1xi32>
      %parallel_loop3A_237 = vector.extract %parallel_loop3A_236[0] : i32 from vector<1xi32>
      %parallel_loop3A_238 = arith.constant 1 : i32
      %parallel_loop3A_239 = arith.minsi %parallel_loop3A_237, %parallel_loop3A_238 : i32
      %parallel_loop3A_240 = arith.addi %parallel_loop3A_225, %parallel_loop3A_239 : i32
      %parallel_loop3A_241 = arith.index_cast %parallel_loop3A_237 : i32 to index
      %parallel_loop3A_242 = tpu.vector_load %arg7[%parallel_loop3A_241] {strides = array<i32>} : memref<48000xf32, #tpu.memory_space<vmem>>, vector<16xf32>,
      %parallel_loop3A_243 = vector.shape_cast %parallel_loop3A_242 : vector<16xf32> to vector<16xf32>
      %parallel_loop3A_244 = arith.addf %parallel_loop3A_229, %parallel_loop3A_243 : vector<16xf32>
      %parallel_loop3A_245 = arith.constant 16 : i32
      %parallel_loop3A_246 = arith.addi %parallel_loop3A_237, %parallel_loop3A_245 : i32
      %parallel_loop3A_247 = arith.index_cast %parallel_loop3A_246 : i32 to index
      %parallel_loop3A_248 = tpu.vector_load %arg7[%parallel_loop3A_247] {strides = array<i32>} : memref<48000xf32, #tpu.memory_space<vmem>>, vector<16xf32>,
      %parallel_loop3A_249 = vector.shape_cast %parallel_loop3A_248 : vector<16xf32> to vector<16xf32>
      %parallel_loop3A_250 = arith.addf %parallel_loop3A_235, %parallel_loop3A_249 : vector<16xf32>
      %parallel_loop3A_251 = vector.extract_strided_slice %parallel_loop3A_39 {offsets = [14], sizes = [1], strides = [1]} : vector<16xi32> to vector<1xi32>
      %parallel_loop3A_252 = vector.extract %parallel_loop3A_251[0] : i32 from vector<1xi32>
      %parallel_loop3A_253 = arith.constant 1 : i32
      %parallel_loop3A_254 = arith.minsi %parallel_loop3A_252, %parallel_loop3A_253 : i32
      %parallel_loop3A_255 = arith.addi %parallel_loop3A_240, %parallel_loop3A_254 : i32
      %parallel_loop3A_256 = arith.index_cast %parallel_loop3A_252 : i32 to index
      %parallel_loop3A_257 = tpu.vector_load %arg7[%parallel_loop3A_256] {strides = array<i32>} : memref<48000xf32, #tpu.memory_space<vmem>>, vector<16xf32>,
      %parallel_loop3A_258 = vector.shape_cast %parallel_loop3A_257 : vector<16xf32> to vector<16xf32>
      %parallel_loop3A_259 = arith.addf %parallel_loop3A_244, %parallel_loop3A_258 : vector<16xf32>
      %parallel_loop3A_260 = arith.constant 16 : i32
      %parallel_loop3A_261 = arith.addi %parallel_loop3A_252, %parallel_loop3A_260 : i32
      %parallel_loop3A_262 = arith.index_cast %parallel_loop3A_261 : i32 to index
      %parallel_loop3A_263 = tpu.vector_load %arg7[%parallel_loop3A_262] {strides = array<i32>} : memref<48000xf32, #tpu.memory_space<vmem>>, vector<16xf32>,
      %parallel_loop3A_264 = vector.shape_cast %parallel_loop3A_263 : vector<16xf32> to vector<16xf32>
      %parallel_loop3A_265 = arith.addf %parallel_loop3A_250, %parallel_loop3A_264 : vector<16xf32>
      %parallel_loop3A_266 = vector.extract_strided_slice %parallel_loop3A_39 {offsets = [15], sizes = [1], strides = [1]} : vector<16xi32> to vector<1xi32>
      %parallel_loop3A_267 = vector.extract %parallel_loop3A_266[0] : i32 from vector<1xi32>
      %parallel_loop3A_268 = arith.constant 1 : i32
      %parallel_loop3A_269 = arith.minsi %parallel_loop3A_267, %parallel_loop3A_268 : i32
      %parallel_loop3A_270 = arith.addi %parallel_loop3A_255, %parallel_loop3A_269 : i32
      %parallel_loop3A_271 = arith.index_cast %parallel_loop3A_267 : i32 to index
      %parallel_loop3A_272 = tpu.vector_load %arg7[%parallel_loop3A_271] {strides = array<i32>} : memref<48000xf32, #tpu.memory_space<vmem>>, vector<16xf32>,
      %parallel_loop3A_273 = vector.shape_cast %parallel_loop3A_272 : vector<16xf32> to vector<16xf32>
      %parallel_loop3A_274 = arith.addf %parallel_loop3A_259, %parallel_loop3A_273 : vector<16xf32>
      %parallel_loop3A_275 = arith.constant 16 : i32
      %parallel_loop3A_276 = arith.addi %parallel_loop3A_267, %parallel_loop3A_275 : i32
      %parallel_loop3A_277 = arith.index_cast %parallel_loop3A_276 : i32 to index
      %parallel_loop3A_278 = tpu.vector_load %arg7[%parallel_loop3A_277] {strides = array<i32>} : memref<48000xf32, #tpu.memory_space<vmem>>, vector<16xf32>,
      %parallel_loop3A_279 = vector.shape_cast %parallel_loop3A_278 : vector<16xf32> to vector<16xf32>
      %parallel_loop3A_280 = arith.addf %parallel_loop3A_265, %parallel_loop3A_279 : vector<16xf32>
      %parallel_loop3A_281 = arith.constant 16 : i32
      %parallel_loop3A_282 = arith.addi %parallel_loop3A_34, %parallel_loop3A_281 : i32
      %parallel_loop3A_283 = arith.index_cast %parallel_loop3A_282 : i32 to index
      %parallel_loop3A_284 = tpu.vector_load %arg8[%parallel_loop3A_283] {strides = array<i32>} : memref<32768xi32, #tpu.memory_space<vmem>>, vector<16xi32>,
      %parallel_loop3A_285 = vector.shape_cast %parallel_loop3A_284 : vector<16xi32> to vector<16xi32>
      %parallel_loop3A_286 = vector.extract_strided_slice %parallel_loop3A_285 {offsets = [0], sizes = [1], strides = [1]} : vector<16xi32> to vector<1xi32>
      %parallel_loop3A_287 = vector.extract %parallel_loop3A_286[0] : i32 from vector<1xi32>
      %parallel_loop3A_288 = arith.constant 1 : i32
      %parallel_loop3A_289 = arith.minsi %parallel_loop3A_287, %parallel_loop3A_288 : i32
      %parallel_loop3A_290 = arith.addi %parallel_loop3A_270, %parallel_loop3A_289 : i32
      %parallel_loop3A_291 = arith.index_cast %parallel_loop3A_287 : i32 to index
      %parallel_loop3A_292 = tpu.vector_load %arg7[%parallel_loop3A_291] {strides = array<i32>} : memref<48000xf32, #tpu.memory_space<vmem>>, vector<16xf32>,
      %parallel_loop3A_293 = vector.shape_cast %parallel_loop3A_292 : vector<16xf32> to vector<16xf32>
      %parallel_loop3A_294 = arith.addf %parallel_loop3A_274, %parallel_loop3A_293 : vector<16xf32>
      %parallel_loop3A_295 = arith.constant 16 : i32
      %parallel_loop3A_296 = arith.addi %parallel_loop3A_287, %parallel_loop3A_295 : i32
      %parallel_loop3A_297 = arith.index_cast %parallel_loop3A_296 : i32 to index
      %parallel_loop3A_298 = tpu.vector_load %arg7[%parallel_loop3A_297] {strides = array<i32>} : memref<48000xf32, #tpu.memory_space<vmem>>, vector<16xf32>,
      %parallel_loop3A_299 = vector.shape_cast %parallel_loop3A_298 : vector<16xf32> to vector<16xf32>
      %parallel_loop3A_300 = arith.addf %parallel_loop3A_280, %parallel_loop3A_299 : vector<16xf32>
      %parallel_loop3A_301 = vector.extract_strided_slice %parallel_loop3A_285 {offsets = [1], sizes = [1], strides = [1]} : vector<16xi32> to vector<1xi32>
      %parallel_loop3A_302 = vector.extract %parallel_loop3A_301[0] : i32 from vector<1xi32>
      %parallel_loop3A_303 = arith.constant 1 : i32
      %parallel_loop3A_304 = arith.minsi %parallel_loop3A_302, %parallel_loop3A_303 : i32
      %parallel_loop3A_305 = arith.addi %parallel_loop3A_290, %parallel_loop3A_304 : i32
      %parallel_loop3A_306 = arith.index_cast %parallel_loop3A_302 : i32 to index
      %parallel_loop3A_307 = tpu.vector_load %arg7[%parallel_loop3A_306] {strides = array<i32>} : memref<48000xf32, #tpu.memory_space<vmem>>, vector<16xf32>,
      %parallel_loop3A_308 = vector.shape_cast %parallel_loop3A_307 : vector<16xf32> to vector<16xf32>
      %parallel_loop3A_309 = arith.addf %parallel_loop3A_294, %parallel_loop3A_308 : vector<16xf32>
      %parallel_loop3A_310 = arith.constant 16 : i32
      %parallel_loop3A_311 = arith.addi %parallel_loop3A_302, %parallel_loop3A_310 : i32
      %parallel_loop3A_312 = arith.index_cast %parallel_loop3A_311 : i32 to index
      %parallel_loop3A_313 = tpu.vector_load %arg7[%parallel_loop3A_312] {strides = array<i32>} : memref<48000xf32, #tpu.memory_space<vmem>>, vector<16xf32>,
      %parallel_loop3A_314 = vector.shape_cast %parallel_loop3A_313 : vector<16xf32> to vector<16xf32>
      %parallel_loop3A_315 = arith.addf %parallel_loop3A_300, %parallel_loop3A_314 : vector<16xf32>
      %parallel_loop3A_316 = vector.extract_strided_slice %parallel_loop3A_285 {offsets = [2], sizes = [1], strides = [1]} : vector<16xi32> to vector<1xi32>
      %parallel_loop3A_317 = vector.extract %parallel_loop3A_316[0] : i32 from vector<1xi32>
      %parallel_loop3A_318 = arith.constant 1 : i32
      %parallel_loop3A_319 = arith.minsi %parallel_loop3A_317, %parallel_loop3A_318 : i32
      %parallel_loop3A_320 = arith.addi %parallel_loop3A_305, %parallel_loop3A_319 : i32
      %parallel_loop3A_321 = arith.index_cast %parallel_loop3A_317 : i32 to index
      %parallel_loop3A_322 = tpu.vector_load %arg7[%parallel_loop3A_321] {strides = array<i32>} : memref<48000xf32, #tpu.memory_space<vmem>>, vector<16xf32>,
      %parallel_loop3A_323 = vector.shape_cast %parallel_loop3A_322 : vector<16xf32> to vector<16xf32>
      %parallel_loop3A_324 = arith.addf %parallel_loop3A_309, %parallel_loop3A_323 : vector<16xf32>
      %parallel_loop3A_325 = arith.constant 16 : i32
      %parallel_loop3A_326 = arith.addi %parallel_loop3A_317, %parallel_loop3A_325 : i32
      %parallel_loop3A_327 = arith.index_cast %parallel_loop3A_326 : i32 to index
      %parallel_loop3A_328 = tpu.vector_load %arg7[%parallel_loop3A_327] {strides = array<i32>} : memref<48000xf32, #tpu.memory_space<vmem>>, vector<16xf32>,
      %parallel_loop3A_329 = vector.shape_cast %parallel_loop3A_328 : vector<16xf32> to vector<16xf32>
      %parallel_loop3A_330 = arith.addf %parallel_loop3A_315, %parallel_loop3A_329 : vector<16xf32>
      %parallel_loop3A_331 = vector.extract_strided_slice %parallel_loop3A_285 {offsets = [3], sizes = [1], strides = [1]} : vector<16xi32> to vector<1xi32>
      %parallel_loop3A_332 = vector.extract %parallel_loop3A_331[0] : i32 from vector<1xi32>
      %parallel_loop3A_333 = arith.constant 1 : i32
      %parallel_loop3A_334 = arith.minsi %parallel_loop3A_332, %parallel_loop3A_333 : i32
      %parallel_loop3A_335 = arith.addi %parallel_loop3A_320, %parallel_loop3A_334 : i32
      %parallel_loop3A_336 = arith.index_cast %parallel_loop3A_332 : i32 to index
      %parallel_loop3A_337 = tpu.vector_load %arg7[%parallel_loop3A_336] {strides = array<i32>} : memref<48000xf32, #tpu.memory_space<vmem>>, vector<16xf32>,
      %parallel_loop3A_338 = vector.shape_cast %parallel_loop3A_337 : vector<16xf32> to vector<16xf32>
      %parallel_loop3A_339 = arith.addf %parallel_loop3A_324, %parallel_loop3A_338 : vector<16xf32>
      %parallel_loop3A_340 = arith.constant 16 : i32
      %parallel_loop3A_341 = arith.addi %parallel_loop3A_332, %parallel_loop3A_340 : i32
      %parallel_loop3A_342 = arith.index_cast %parallel_loop3A_341 : i32 to index
      %parallel_loop3A_343 = tpu.vector_load %arg7[%parallel_loop3A_342] {strides = array<i32>} : memref<48000xf32, #tpu.memory_space<vmem>>, vector<16xf32>,
      %parallel_loop3A_344 = vector.shape_cast %parallel_loop3A_343 : vector<16xf32> to vector<16xf32>
      %parallel_loop3A_345 = arith.addf %parallel_loop3A_330, %parallel_loop3A_344 : vector<16xf32>
      %parallel_loop3A_346 = vector.extract_strided_slice %parallel_loop3A_285 {offsets = [4], sizes = [1], strides = [1]} : vector<16xi32> to vector<1xi32>
      %parallel_loop3A_347 = vector.extract %parallel_loop3A_346[0] : i32 from vector<1xi32>
      %parallel_loop3A_348 = arith.constant 1 : i32
      %parallel_loop3A_349 = arith.minsi %parallel_loop3A_347, %parallel_loop3A_348 : i32
      %parallel_loop3A_350 = arith.addi %parallel_loop3A_335, %parallel_loop3A_349 : i32
      %parallel_loop3A_351 = arith.index_cast %parallel_loop3A_347 : i32 to index
      %parallel_loop3A_352 = tpu.vector_load %arg7[%parallel_loop3A_351] {strides = array<i32>} : memref<48000xf32, #tpu.memory_space<vmem>>, vector<16xf32>,
      %parallel_loop3A_353 = vector.shape_cast %parallel_loop3A_352 : vector<16xf32> to vector<16xf32>
      %parallel_loop3A_354 = arith.addf %parallel_loop3A_339, %parallel_loop3A_353 : vector<16xf32>
      %parallel_loop3A_355 = arith.constant 16 : i32
      %parallel_loop3A_356 = arith.addi %parallel_loop3A_347, %parallel_loop3A_355 : i32
      %parallel_loop3A_357 = arith.index_cast %parallel_loop3A_356 : i32 to index
      %parallel_loop3A_358 = tpu.vector_load %arg7[%parallel_loop3A_357] {strides = array<i32>} : memref<48000xf32, #tpu.memory_space<vmem>>, vector<16xf32>,
      %parallel_loop3A_359 = vector.shape_cast %parallel_loop3A_358 : vector<16xf32> to vector<16xf32>
      %parallel_loop3A_360 = arith.addf %parallel_loop3A_345, %parallel_loop3A_359 : vector<16xf32>
      %parallel_loop3A_361 = vector.extract_strided_slice %parallel_loop3A_285 {offsets = [5], sizes = [1], strides = [1]} : vector<16xi32> to vector<1xi32>
      %parallel_loop3A_362 = vector.extract %parallel_loop3A_361[0] : i32 from vector<1xi32>
      %parallel_loop3A_363 = arith.constant 1 : i32
      %parallel_loop3A_364 = arith.minsi %parallel_loop3A_362, %parallel_loop3A_363 : i32
      %parallel_loop3A_365 = arith.addi %parallel_loop3A_350, %parallel_loop3A_364 : i32
      %parallel_loop3A_366 = arith.index_cast %parallel_loop3A_362 : i32 to index
      %parallel_loop3A_367 = tpu.vector_load %arg7[%parallel_loop3A_366] {strides = array<i32>} : memref<48000xf32, #tpu.memory_space<vmem>>, vector<16xf32>,
      %parallel_loop3A_368 = vector.shape_cast %parallel_loop3A_367 : vector<16xf32> to vector<16xf32>
      %parallel_loop3A_369 = arith.addf %parallel_loop3A_354, %parallel_loop3A_368 : vector<16xf32>
      %parallel_loop3A_370 = arith.constant 16 : i32
      %parallel_loop3A_371 = arith.addi %parallel_loop3A_362, %parallel_loop3A_370 : i32
      %parallel_loop3A_372 = arith.index_cast %parallel_loop3A_371 : i32 to index
      %parallel_loop3A_373 = tpu.vector_load %arg7[%parallel_loop3A_372] {strides = array<i32>} : memref<48000xf32, #tpu.memory_space<vmem>>, vector<16xf32>,
      %parallel_loop3A_374 = vector.shape_cast %parallel_loop3A_373 : vector<16xf32> to vector<16xf32>
      %parallel_loop3A_375 = arith.addf %parallel_loop3A_360, %parallel_loop3A_374 : vector<16xf32>
      %parallel_loop3A_376 = vector.extract_strided_slice %parallel_loop3A_285 {offsets = [6], sizes = [1], strides = [1]} : vector<16xi32> to vector<1xi32>
      %parallel_loop3A_377 = vector.extract %parallel_loop3A_376[0] : i32 from vector<1xi32>
      %parallel_loop3A_378 = arith.constant 1 : i32
      %parallel_loop3A_379 = arith.minsi %parallel_loop3A_377, %parallel_loop3A_378 : i32
      %parallel_loop3A_380 = arith.addi %parallel_loop3A_365, %parallel_loop3A_379 : i32
      %parallel_loop3A_381 = arith.index_cast %parallel_loop3A_377 : i32 to index
      %parallel_loop3A_382 = tpu.vector_load %arg7[%parallel_loop3A_381] {strides = array<i32>} : memref<48000xf32, #tpu.memory_space<vmem>>, vector<16xf32>,
      %parallel_loop3A_383 = vector.shape_cast %parallel_loop3A_382 : vector<16xf32> to vector<16xf32>
      %parallel_loop3A_384 = arith.addf %parallel_loop3A_369, %parallel_loop3A_383 : vector<16xf32>
      %parallel_loop3A_385 = arith.constant 16 : i32
      %parallel_loop3A_386 = arith.addi %parallel_loop3A_377, %parallel_loop3A_385 : i32
      %parallel_loop3A_387 = arith.index_cast %parallel_loop3A_386 : i32 to index
      %parallel_loop3A_388 = tpu.vector_load %arg7[%parallel_loop3A_387] {strides = array<i32>} : memref<48000xf32, #tpu.memory_space<vmem>>, vector<16xf32>,
      %parallel_loop3A_389 = vector.shape_cast %parallel_loop3A_388 : vector<16xf32> to vector<16xf32>
      %parallel_loop3A_390 = arith.addf %parallel_loop3A_375, %parallel_loop3A_389 : vector<16xf32>
      %parallel_loop3A_391 = vector.extract_strided_slice %parallel_loop3A_285 {offsets = [7], sizes = [1], strides = [1]} : vector<16xi32> to vector<1xi32>
      %parallel_loop3A_392 = vector.extract %parallel_loop3A_391[0] : i32 from vector<1xi32>
      %parallel_loop3A_393 = arith.constant 1 : i32
      %parallel_loop3A_394 = arith.minsi %parallel_loop3A_392, %parallel_loop3A_393 : i32
      %parallel_loop3A_395 = arith.addi %parallel_loop3A_380, %parallel_loop3A_394 : i32
      %parallel_loop3A_396 = arith.index_cast %parallel_loop3A_392 : i32 to index
      %parallel_loop3A_397 = tpu.vector_load %arg7[%parallel_loop3A_396] {strides = array<i32>} : memref<48000xf32, #tpu.memory_space<vmem>>, vector<16xf32>,
      %parallel_loop3A_398 = vector.shape_cast %parallel_loop3A_397 : vector<16xf32> to vector<16xf32>
      %parallel_loop3A_399 = arith.addf %parallel_loop3A_384, %parallel_loop3A_398 : vector<16xf32>
      %parallel_loop3A_400 = arith.constant 16 : i32
      %parallel_loop3A_401 = arith.addi %parallel_loop3A_392, %parallel_loop3A_400 : i32
      %parallel_loop3A_402 = arith.index_cast %parallel_loop3A_401 : i32 to index
      %parallel_loop3A_403 = tpu.vector_load %arg7[%parallel_loop3A_402] {strides = array<i32>} : memref<48000xf32, #tpu.memory_space<vmem>>, vector<16xf32>,
      %parallel_loop3A_404 = vector.shape_cast %parallel_loop3A_403 : vector<16xf32> to vector<16xf32>
      %parallel_loop3A_405 = arith.addf %parallel_loop3A_390, %parallel_loop3A_404 : vector<16xf32>
      %parallel_loop3A_406 = vector.extract_strided_slice %parallel_loop3A_285 {offsets = [8], sizes = [1], strides = [1]} : vector<16xi32> to vector<1xi32>
      %parallel_loop3A_407 = vector.extract %parallel_loop3A_406[0] : i32 from vector<1xi32>
      %parallel_loop3A_408 = arith.constant 1 : i32
      %parallel_loop3A_409 = arith.minsi %parallel_loop3A_407, %parallel_loop3A_408 : i32
      %parallel_loop3A_410 = arith.addi %parallel_loop3A_395, %parallel_loop3A_409 : i32
      %parallel_loop3A_411 = arith.index_cast %parallel_loop3A_407 : i32 to index
      %parallel_loop3A_412 = tpu.vector_load %arg7[%parallel_loop3A_411] {strides = array<i32>} : memref<48000xf32, #tpu.memory_space<vmem>>, vector<16xf32>,
      %parallel_loop3A_413 = vector.shape_cast %parallel_loop3A_412 : vector<16xf32> to vector<16xf32>
      %parallel_loop3A_414 = arith.addf %parallel_loop3A_399, %parallel_loop3A_413 : vector<16xf32>
      %parallel_loop3A_415 = arith.constant 16 : i32
      %parallel_loop3A_416 = arith.addi %parallel_loop3A_407, %parallel_loop3A_415 : i32
      %parallel_loop3A_417 = arith.index_cast %parallel_loop3A_416 : i32 to index
      %parallel_loop3A_418 = tpu.vector_load %arg7[%parallel_loop3A_417] {strides = array<i32>} : memref<48000xf32, #tpu.memory_space<vmem>>, vector<16xf32>,
      %parallel_loop3A_419 = vector.shape_cast %parallel_loop3A_418 : vector<16xf32> to vector<16xf32>
      %parallel_loop3A_420 = arith.addf %parallel_loop3A_405, %parallel_loop3A_419 : vector<16xf32>
      %parallel_loop3A_421 = vector.extract_strided_slice %parallel_loop3A_285 {offsets = [9], sizes = [1], strides = [1]} : vector<16xi32> to vector<1xi32>
      %parallel_loop3A_422 = vector.extract %parallel_loop3A_421[0] : i32 from vector<1xi32>
      %parallel_loop3A_423 = arith.constant 1 : i32
      %parallel_loop3A_424 = arith.minsi %parallel_loop3A_422, %parallel_loop3A_423 : i32
      %parallel_loop3A_425 = arith.addi %parallel_loop3A_410, %parallel_loop3A_424 : i32
      %parallel_loop3A_426 = arith.index_cast %parallel_loop3A_422 : i32 to index
      %parallel_loop3A_427 = tpu.vector_load %arg7[%parallel_loop3A_426] {strides = array<i32>} : memref<48000xf32, #tpu.memory_space<vmem>>, vector<16xf32>,
      %parallel_loop3A_428 = vector.shape_cast %parallel_loop3A_427 : vector<16xf32> to vector<16xf32>
      %parallel_loop3A_429 = arith.addf %parallel_loop3A_414, %parallel_loop3A_428 : vector<16xf32>
      %parallel_loop3A_430 = arith.constant 16 : i32
      %parallel_loop3A_431 = arith.addi %parallel_loop3A_422, %parallel_loop3A_430 : i32
      %parallel_loop3A_432 = arith.index_cast %parallel_loop3A_431 : i32 to index
      %parallel_loop3A_433 = tpu.vector_load %arg7[%parallel_loop3A_432] {strides = array<i32>} : memref<48000xf32, #tpu.memory_space<vmem>>, vector<16xf32>,
      %parallel_loop3A_434 = vector.shape_cast %parallel_loop3A_433 : vector<16xf32> to vector<16xf32>
      %parallel_loop3A_435 = arith.addf %parallel_loop3A_420, %parallel_loop3A_434 : vector<16xf32>
      %parallel_loop3A_436 = vector.extract_strided_slice %parallel_loop3A_285 {offsets = [10], sizes = [1], strides = [1]} : vector<16xi32> to vector<1xi32>
      %parallel_loop3A_437 = vector.extract %parallel_loop3A_436[0] : i32 from vector<1xi32>
      %parallel_loop3A_438 = arith.constant 1 : i32
      %parallel_loop3A_439 = arith.minsi %parallel_loop3A_437, %parallel_loop3A_438 : i32
      %parallel_loop3A_440 = arith.addi %parallel_loop3A_425, %parallel_loop3A_439 : i32
      %parallel_loop3A_441 = arith.index_cast %parallel_loop3A_437 : i32 to index
      %parallel_loop3A_442 = tpu.vector_load %arg7[%parallel_loop3A_441] {strides = array<i32>} : memref<48000xf32, #tpu.memory_space<vmem>>, vector<16xf32>,
      %parallel_loop3A_443 = vector.shape_cast %parallel_loop3A_442 : vector<16xf32> to vector<16xf32>
      %parallel_loop3A_444 = arith.addf %parallel_loop3A_429, %parallel_loop3A_443 : vector<16xf32>
      %parallel_loop3A_445 = arith.constant 16 : i32
      %parallel_loop3A_446 = arith.addi %parallel_loop3A_437, %parallel_loop3A_445 : i32
      %parallel_loop3A_447 = arith.index_cast %parallel_loop3A_446 : i32 to index
      %parallel_loop3A_448 = tpu.vector_load %arg7[%parallel_loop3A_447] {strides = array<i32>} : memref<48000xf32, #tpu.memory_space<vmem>>, vector<16xf32>,
      %parallel_loop3A_449 = vector.shape_cast %parallel_loop3A_448 : vector<16xf32> to vector<16xf32>
      %parallel_loop3A_450 = arith.addf %parallel_loop3A_435, %parallel_loop3A_449 : vector<16xf32>
      %parallel_loop3A_451 = vector.extract_strided_slice %parallel_loop3A_285 {offsets = [11], sizes = [1], strides = [1]} : vector<16xi32> to vector<1xi32>
      %parallel_loop3A_452 = vector.extract %parallel_loop3A_451[0] : i32 from vector<1xi32>
      %parallel_loop3A_453 = arith.constant 1 : i32
      %parallel_loop3A_454 = arith.minsi %parallel_loop3A_452, %parallel_loop3A_453 : i32
      %parallel_loop3A_455 = arith.addi %parallel_loop3A_440, %parallel_loop3A_454 : i32
      %parallel_loop3A_456 = arith.index_cast %parallel_loop3A_452 : i32 to index
      %parallel_loop3A_457 = tpu.vector_load %arg7[%parallel_loop3A_456] {strides = array<i32>} : memref<48000xf32, #tpu.memory_space<vmem>>, vector<16xf32>,
      %parallel_loop3A_458 = vector.shape_cast %parallel_loop3A_457 : vector<16xf32> to vector<16xf32>
      %parallel_loop3A_459 = arith.addf %parallel_loop3A_444, %parallel_loop3A_458 : vector<16xf32>
      %parallel_loop3A_460 = arith.constant 16 : i32
      %parallel_loop3A_461 = arith.addi %parallel_loop3A_452, %parallel_loop3A_460 : i32
      %parallel_loop3A_462 = arith.index_cast %parallel_loop3A_461 : i32 to index
      %parallel_loop3A_463 = tpu.vector_load %arg7[%parallel_loop3A_462] {strides = array<i32>} : memref<48000xf32, #tpu.memory_space<vmem>>, vector<16xf32>,
      %parallel_loop3A_464 = vector.shape_cast %parallel_loop3A_463 : vector<16xf32> to vector<16xf32>
      %parallel_loop3A_465 = arith.addf %parallel_loop3A_450, %parallel_loop3A_464 : vector<16xf32>
      %parallel_loop3A_466 = vector.extract_strided_slice %parallel_loop3A_285 {offsets = [12], sizes = [1], strides = [1]} : vector<16xi32> to vector<1xi32>
      %parallel_loop3A_467 = vector.extract %parallel_loop3A_466[0] : i32 from vector<1xi32>
      %parallel_loop3A_468 = arith.constant 1 : i32
      %parallel_loop3A_469 = arith.minsi %parallel_loop3A_467, %parallel_loop3A_468 : i32
      %parallel_loop3A_470 = arith.addi %parallel_loop3A_455, %parallel_loop3A_469 : i32
      %parallel_loop3A_471 = arith.index_cast %parallel_loop3A_467 : i32 to index
      %parallel_loop3A_472 = tpu.vector_load %arg7[%parallel_loop3A_471] {strides = array<i32>} : memref<48000xf32, #tpu.memory_space<vmem>>, vector<16xf32>,
      %parallel_loop3A_473 = vector.shape_cast %parallel_loop3A_472 : vector<16xf32> to vector<16xf32>
      %parallel_loop3A_474 = arith.addf %parallel_loop3A_459, %parallel_loop3A_473 : vector<16xf32>
      %parallel_loop3A_475 = arith.constant 16 : i32
      %parallel_loop3A_476 = arith.addi %parallel_loop3A_467, %parallel_loop3A_475 : i32
      %parallel_loop3A_477 = arith.index_cast %parallel_loop3A_476 : i32 to index
      %parallel_loop3A_478 = tpu.vector_load %arg7[%parallel_loop3A_477] {strides = array<i32>} : memref<48000xf32, #tpu.memory_space<vmem>>, vector<16xf32>,
      %parallel_loop3A_479 = vector.shape_cast %parallel_loop3A_478 : vector<16xf32> to vector<16xf32>
      %parallel_loop3A_480 = arith.addf %parallel_loop3A_465, %parallel_loop3A_479 : vector<16xf32>
      %parallel_loop3A_481 = vector.extract_strided_slice %parallel_loop3A_285 {offsets = [13], sizes = [1], strides = [1]} : vector<16xi32> to vector<1xi32>
      %parallel_loop3A_482 = vector.extract %parallel_loop3A_481[0] : i32 from vector<1xi32>
      %parallel_loop3A_483 = arith.constant 1 : i32
      %parallel_loop3A_484 = arith.minsi %parallel_loop3A_482, %parallel_loop3A_483 : i32
      %parallel_loop3A_485 = arith.addi %parallel_loop3A_470, %parallel_loop3A_484 : i32
      %parallel_loop3A_486 = arith.index_cast %parallel_loop3A_482 : i32 to index
      %parallel_loop3A_487 = tpu.vector_load %arg7[%parallel_loop3A_486] {strides = array<i32>} : memref<48000xf32, #tpu.memory_space<vmem>>, vector<16xf32>,
      %parallel_loop3A_488 = vector.shape_cast %parallel_loop3A_487 : vector<16xf32> to vector<16xf32>
      %parallel_loop3A_489 = arith.addf %parallel_loop3A_474, %parallel_loop3A_488 : vector<16xf32>
      %parallel_loop3A_490 = arith.constant 16 : i32
      %parallel_loop3A_491 = arith.addi %parallel_loop3A_482, %parallel_loop3A_490 : i32
      %parallel_loop3A_492 = arith.index_cast %parallel_loop3A_491 : i32 to index
      %parallel_loop3A_493 = tpu.vector_load %arg7[%parallel_loop3A_492] {strides = array<i32>} : memref<48000xf32, #tpu.memory_space<vmem>>, vector<16xf32>,
      %parallel_loop3A_494 = vector.shape_cast %parallel_loop3A_493 : vector<16xf32> to vector<16xf32>
      %parallel_loop3A_495 = arith.addf %parallel_loop3A_480, %parallel_loop3A_494 : vector<16xf32>
      %parallel_loop3A_496 = vector.extract_strided_slice %parallel_loop3A_285 {offsets = [14], sizes = [1], strides = [1]} : vector<16xi32> to vector<1xi32>
      %parallel_loop3A_497 = vector.extract %parallel_loop3A_496[0] : i32 from vector<1xi32>
      %parallel_loop3A_498 = arith.constant 1 : i32
      %parallel_loop3A_499 = arith.minsi %parallel_loop3A_497, %parallel_loop3A_498 : i32
      %parallel_loop3A_500 = arith.addi %parallel_loop3A_485, %parallel_loop3A_499 : i32
      %parallel_loop3A_501 = arith.index_cast %parallel_loop3A_497 : i32 to index
      %parallel_loop3A_502 = tpu.vector_load %arg7[%parallel_loop3A_501] {strides = array<i32>} : memref<48000xf32, #tpu.memory_space<vmem>>, vector<16xf32>,
      %parallel_loop3A_503 = vector.shape_cast %parallel_loop3A_502 : vector<16xf32> to vector<16xf32>
      %parallel_loop3A_504 = arith.addf %parallel_loop3A_489, %parallel_loop3A_503 : vector<16xf32>
      %parallel_loop3A_505 = arith.constant 16 : i32
      %parallel_loop3A_506 = arith.addi %parallel_loop3A_497, %parallel_loop3A_505 : i32
      %parallel_loop3A_507 = arith.index_cast %parallel_loop3A_506 : i32 to index
      %parallel_loop3A_508 = tpu.vector_load %arg7[%parallel_loop3A_507] {strides = array<i32>} : memref<48000xf32, #tpu.memory_space<vmem>>, vector<16xf32>,
      %parallel_loop3A_509 = vector.shape_cast %parallel_loop3A_508 : vector<16xf32> to vector<16xf32>
      %parallel_loop3A_510 = arith.addf %parallel_loop3A_495, %parallel_loop3A_509 : vector<16xf32>
      %parallel_loop3A_511 = vector.extract_strided_slice %parallel_loop3A_285 {offsets = [15], sizes = [1], strides = [1]} : vector<16xi32> to vector<1xi32>
      %parallel_loop3A_512 = vector.extract %parallel_loop3A_511[0] : i32 from vector<1xi32>
      %parallel_loop3A_513 = arith.constant 1 : i32
      %parallel_loop3A_514 = arith.minsi %parallel_loop3A_512, %parallel_loop3A_513 : i32
      %parallel_loop3A_515 = arith.addi %parallel_loop3A_500, %parallel_loop3A_514 : i32
      %parallel_loop3A_516 = arith.index_cast %parallel_loop3A_512 : i32 to index
      %parallel_loop3A_517 = tpu.vector_load %arg7[%parallel_loop3A_516] {strides = array<i32>} : memref<48000xf32, #tpu.memory_space<vmem>>, vector<16xf32>,
      %parallel_loop3A_518 = vector.shape_cast %parallel_loop3A_517 : vector<16xf32> to vector<16xf32>
      %parallel_loop3A_519 = arith.addf %parallel_loop3A_504, %parallel_loop3A_518 : vector<16xf32>
      %parallel_loop3A_520 = arith.constant 16 : i32
      %parallel_loop3A_521 = arith.addi %parallel_loop3A_512, %parallel_loop3A_520 : i32
      %parallel_loop3A_522 = arith.index_cast %parallel_loop3A_521 : i32 to index
      %parallel_loop3A_523 = tpu.vector_load %arg7[%parallel_loop3A_522] {strides = array<i32>} : memref<48000xf32, #tpu.memory_space<vmem>>, vector<16xf32>,
      %parallel_loop3A_524 = vector.shape_cast %parallel_loop3A_523 : vector<16xf32> to vector<16xf32>
      %parallel_loop3A_525 = arith.addf %parallel_loop3A_510, %parallel_loop3A_524 : vector<16xf32>
      %parallel_loop3A_526 = arith.constant 32 : i32
      %parallel_loop3A_527 = arith.addi %parallel_loop3A_34, %parallel_loop3A_526 : i32
      %parallel_loop3A_528 = arith.index_cast %parallel_loop3A_527 : i32 to index
      %parallel_loop3A_529 = tpu.vector_load %arg8[%parallel_loop3A_528] {strides = array<i32>} : memref<32768xi32, #tpu.memory_space<vmem>>, vector<16xi32>,
      %parallel_loop3A_530 = vector.shape_cast %parallel_loop3A_529 : vector<16xi32> to vector<16xi32>
      %parallel_loop3A_531 = vector.extract_strided_slice %parallel_loop3A_530 {offsets = [0], sizes = [1], strides = [1]} : vector<16xi32> to vector<1xi32>
      %parallel_loop3A_532 = vector.extract %parallel_loop3A_531[0] : i32 from vector<1xi32>
      %parallel_loop3A_533 = arith.constant 1 : i32
      %parallel_loop3A_534 = arith.minsi %parallel_loop3A_532, %parallel_loop3A_533 : i32
      %parallel_loop3A_535 = arith.addi %parallel_loop3A_515, %parallel_loop3A_534 : i32
      %parallel_loop3A_536 = arith.index_cast %parallel_loop3A_532 : i32 to index
      %parallel_loop3A_537 = tpu.vector_load %arg7[%parallel_loop3A_536] {strides = array<i32>} : memref<48000xf32, #tpu.memory_space<vmem>>, vector<16xf32>,
      %parallel_loop3A_538 = vector.shape_cast %parallel_loop3A_537 : vector<16xf32> to vector<16xf32>
      %parallel_loop3A_539 = arith.addf %broadcast_in_dim3A_8, %parallel_loop3A_538 : vector<16xf32>
      %parallel_loop3A_540 = arith.constant 16 : i32
      %parallel_loop3A_541 = arith.addi %parallel_loop3A_532, %parallel_loop3A_540 : i32
      %parallel_loop3A_542 = arith.index_cast %parallel_loop3A_541 : i32 to index
      %parallel_loop3A_543 = tpu.vector_load %arg7[%parallel_loop3A_542] {strides = array<i32>} : memref<48000xf32, #tpu.memory_space<vmem>>, vector<16xf32>,
      %parallel_loop3A_544 = vector.shape_cast %parallel_loop3A_543 : vector<16xf32> to vector<16xf32>
      %parallel_loop3A_545 = arith.addf %broadcast_in_dim3A_8, %parallel_loop3A_544 : vector<16xf32>
      %parallel_loop3A_546 = vector.extract_strided_slice %parallel_loop3A_530 {offsets = [1], sizes = [1], strides = [1]} : vector<16xi32> to vector<1xi32>
      %parallel_loop3A_547 = vector.extract %parallel_loop3A_546[0] : i32 from vector<1xi32>
      %parallel_loop3A_548 = arith.constant 1 : i32
      %parallel_loop3A_549 = arith.minsi %parallel_loop3A_547, %parallel_loop3A_548 : i32
      %parallel_loop3A_550 = arith.addi %parallel_loop3A_535, %parallel_loop3A_549 : i32
      %parallel_loop3A_551 = arith.index_cast %parallel_loop3A_547 : i32 to index
      %parallel_loop3A_552 = tpu.vector_load %arg7[%parallel_loop3A_551] {strides = array<i32>} : memref<48000xf32, #tpu.memory_space<vmem>>, vector<16xf32>,
      %parallel_loop3A_553 = vector.shape_cast %parallel_loop3A_552 : vector<16xf32> to vector<16xf32>
      %parallel_loop3A_554 = arith.addf %parallel_loop3A_539, %parallel_loop3A_553 : vector<16xf32>
      %parallel_loop3A_555 = arith.constant 16 : i32
      %parallel_loop3A_556 = arith.addi %parallel_loop3A_547, %parallel_loop3A_555 : i32
      %parallel_loop3A_557 = arith.index_cast %parallel_loop3A_556 : i32 to index
      %parallel_loop3A_558 = tpu.vector_load %arg7[%parallel_loop3A_557] {strides = array<i32>} : memref<48000xf32, #tpu.memory_space<vmem>>, vector<16xf32>,
      %parallel_loop3A_559 = vector.shape_cast %parallel_loop3A_558 : vector<16xf32> to vector<16xf32>
      %parallel_loop3A_560 = arith.addf %parallel_loop3A_545, %parallel_loop3A_559 : vector<16xf32>
      %parallel_loop3A_561 = vector.extract_strided_slice %parallel_loop3A_530 {offsets = [2], sizes = [1], strides = [1]} : vector<16xi32> to vector<1xi32>
      %parallel_loop3A_562 = vector.extract %parallel_loop3A_561[0] : i32 from vector<1xi32>
      %parallel_loop3A_563 = arith.constant 1 : i32
      %parallel_loop3A_564 = arith.minsi %parallel_loop3A_562, %parallel_loop3A_563 : i32
      %parallel_loop3A_565 = arith.addi %parallel_loop3A_550, %parallel_loop3A_564 : i32
      %parallel_loop3A_566 = arith.index_cast %parallel_loop3A_562 : i32 to index
      %parallel_loop3A_567 = tpu.vector_load %arg7[%parallel_loop3A_566] {strides = array<i32>} : memref<48000xf32, #tpu.memory_space<vmem>>, vector<16xf32>,
      %parallel_loop3A_568 = vector.shape_cast %parallel_loop3A_567 : vector<16xf32> to vector<16xf32>
      %parallel_loop3A_569 = arith.addf %parallel_loop3A_554, %parallel_loop3A_568 : vector<16xf32>
      %parallel_loop3A_570 = arith.constant 16 : i32
      %parallel_loop3A_571 = arith.addi %parallel_loop3A_562, %parallel_loop3A_570 : i32
      %parallel_loop3A_572 = arith.index_cast %parallel_loop3A_571 : i32 to index
      %parallel_loop3A_573 = tpu.vector_load %arg7[%parallel_loop3A_572] {strides = array<i32>} : memref<48000xf32, #tpu.memory_space<vmem>>, vector<16xf32>,
      %parallel_loop3A_574 = vector.shape_cast %parallel_loop3A_573 : vector<16xf32> to vector<16xf32>
      %parallel_loop3A_575 = arith.addf %parallel_loop3A_560, %parallel_loop3A_574 : vector<16xf32>
      %parallel_loop3A_576 = vector.extract_strided_slice %parallel_loop3A_530 {offsets = [3], sizes = [1], strides = [1]} : vector<16xi32> to vector<1xi32>
      %parallel_loop3A_577 = vector.extract %parallel_loop3A_576[0] : i32 from vector<1xi32>
      %parallel_loop3A_578 = arith.constant 1 : i32
      %parallel_loop3A_579 = arith.minsi %parallel_loop3A_577, %parallel_loop3A_578 : i32
      %parallel_loop3A_580 = arith.addi %parallel_loop3A_565, %parallel_loop3A_579 : i32
      %parallel_loop3A_581 = arith.index_cast %parallel_loop3A_577 : i32 to index
      %parallel_loop3A_582 = tpu.vector_load %arg7[%parallel_loop3A_581] {strides = array<i32>} : memref<48000xf32, #tpu.memory_space<vmem>>, vector<16xf32>,
      %parallel_loop3A_583 = vector.shape_cast %parallel_loop3A_582 : vector<16xf32> to vector<16xf32>
      %parallel_loop3A_584 = arith.addf %parallel_loop3A_569, %parallel_loop3A_583 : vector<16xf32>
      %parallel_loop3A_585 = arith.constant 16 : i32
      %parallel_loop3A_586 = arith.addi %parallel_loop3A_577, %parallel_loop3A_585 : i32
      %parallel_loop3A_587 = arith.index_cast %parallel_loop3A_586 : i32 to index
      %parallel_loop3A_588 = tpu.vector_load %arg7[%parallel_loop3A_587] {strides = array<i32>} : memref<48000xf32, #tpu.memory_space<vmem>>, vector<16xf32>,
      %parallel_loop3A_589 = vector.shape_cast %parallel_loop3A_588 : vector<16xf32> to vector<16xf32>
      %parallel_loop3A_590 = arith.addf %parallel_loop3A_575, %parallel_loop3A_589 : vector<16xf32>
      %parallel_loop3A_591 = vector.extract_strided_slice %parallel_loop3A_530 {offsets = [4], sizes = [1], strides = [1]} : vector<16xi32> to vector<1xi32>
      %parallel_loop3A_592 = vector.extract %parallel_loop3A_591[0] : i32 from vector<1xi32>
      %parallel_loop3A_593 = arith.constant 1 : i32
      %parallel_loop3A_594 = arith.minsi %parallel_loop3A_592, %parallel_loop3A_593 : i32
      %parallel_loop3A_595 = arith.addi %parallel_loop3A_580, %parallel_loop3A_594 : i32
      %parallel_loop3A_596 = arith.index_cast %parallel_loop3A_592 : i32 to index
      %parallel_loop3A_597 = tpu.vector_load %arg7[%parallel_loop3A_596] {strides = array<i32>} : memref<48000xf32, #tpu.memory_space<vmem>>, vector<16xf32>,
      %parallel_loop3A_598 = vector.shape_cast %parallel_loop3A_597 : vector<16xf32> to vector<16xf32>
      %parallel_loop3A_599 = arith.addf %parallel_loop3A_584, %parallel_loop3A_598 : vector<16xf32>
      %parallel_loop3A_600 = arith.constant 16 : i32
      %parallel_loop3A_601 = arith.addi %parallel_loop3A_592, %parallel_loop3A_600 : i32
      %parallel_loop3A_602 = arith.index_cast %parallel_loop3A_601 : i32 to index
      %parallel_loop3A_603 = tpu.vector_load %arg7[%parallel_loop3A_602] {strides = array<i32>} : memref<48000xf32, #tpu.memory_space<vmem>>, vector<16xf32>,
      %parallel_loop3A_604 = vector.shape_cast %parallel_loop3A_603 : vector<16xf32> to vector<16xf32>
      %parallel_loop3A_605 = arith.addf %parallel_loop3A_590, %parallel_loop3A_604 : vector<16xf32>
      %parallel_loop3A_606 = vector.extract_strided_slice %parallel_loop3A_530 {offsets = [5], sizes = [1], strides = [1]} : vector<16xi32> to vector<1xi32>
      %parallel_loop3A_607 = vector.extract %parallel_loop3A_606[0] : i32 from vector<1xi32>
      %parallel_loop3A_608 = arith.constant 1 : i32
      %parallel_loop3A_609 = arith.minsi %parallel_loop3A_607, %parallel_loop3A_608 : i32
      %parallel_loop3A_610 = arith.addi %parallel_loop3A_595, %parallel_loop3A_609 : i32
      %parallel_loop3A_611 = arith.index_cast %parallel_loop3A_607 : i32 to index
      %parallel_loop3A_612 = tpu.vector_load %arg7[%parallel_loop3A_611] {strides = array<i32>} : memref<48000xf32, #tpu.memory_space<vmem>>, vector<16xf32>,
      %parallel_loop3A_613 = vector.shape_cast %parallel_loop3A_612 : vector<16xf32> to vector<16xf32>
      %parallel_loop3A_614 = arith.addf %parallel_loop3A_599, %parallel_loop3A_613 : vector<16xf32>
      %parallel_loop3A_615 = arith.constant 16 : i32
      %parallel_loop3A_616 = arith.addi %parallel_loop3A_607, %parallel_loop3A_615 : i32
      %parallel_loop3A_617 = arith.index_cast %parallel_loop3A_616 : i32 to index
      %parallel_loop3A_618 = tpu.vector_load %arg7[%parallel_loop3A_617] {strides = array<i32>} : memref<48000xf32, #tpu.memory_space<vmem>>, vector<16xf32>,
      %parallel_loop3A_619 = vector.shape_cast %parallel_loop3A_618 : vector<16xf32> to vector<16xf32>
      %parallel_loop3A_620 = arith.addf %parallel_loop3A_605, %parallel_loop3A_619 : vector<16xf32>
      %parallel_loop3A_621 = vector.extract_strided_slice %parallel_loop3A_530 {offsets = [6], sizes = [1], strides = [1]} : vector<16xi32> to vector<1xi32>
      %parallel_loop3A_622 = vector.extract %parallel_loop3A_621[0] : i32 from vector<1xi32>
      %parallel_loop3A_623 = arith.constant 1 : i32
      %parallel_loop3A_624 = arith.minsi %parallel_loop3A_622, %parallel_loop3A_623 : i32
      %parallel_loop3A_625 = arith.addi %parallel_loop3A_610, %parallel_loop3A_624 : i32
      %parallel_loop3A_626 = arith.index_cast %parallel_loop3A_622 : i32 to index
      %parallel_loop3A_627 = tpu.vector_load %arg7[%parallel_loop3A_626] {strides = array<i32>} : memref<48000xf32, #tpu.memory_space<vmem>>, vector<16xf32>,
      %parallel_loop3A_628 = vector.shape_cast %parallel_loop3A_627 : vector<16xf32> to vector<16xf32>
      %parallel_loop3A_629 = arith.addf %parallel_loop3A_614, %parallel_loop3A_628 : vector<16xf32>
      %parallel_loop3A_630 = arith.constant 16 : i32
      %parallel_loop3A_631 = arith.addi %parallel_loop3A_622, %parallel_loop3A_630 : i32
      %parallel_loop3A_632 = arith.index_cast %parallel_loop3A_631 : i32 to index
      %parallel_loop3A_633 = tpu.vector_load %arg7[%parallel_loop3A_632] {strides = array<i32>} : memref<48000xf32, #tpu.memory_space<vmem>>, vector<16xf32>,
      %parallel_loop3A_634 = vector.shape_cast %parallel_loop3A_633 : vector<16xf32> to vector<16xf32>
      %parallel_loop3A_635 = arith.addf %parallel_loop3A_620, %parallel_loop3A_634 : vector<16xf32>
      %parallel_loop3A_636 = vector.extract_strided_slice %parallel_loop3A_530 {offsets = [7], sizes = [1], strides = [1]} : vector<16xi32> to vector<1xi32>
      %parallel_loop3A_637 = vector.extract %parallel_loop3A_636[0] : i32 from vector<1xi32>
      %parallel_loop3A_638 = arith.constant 1 : i32
      %parallel_loop3A_639 = arith.minsi %parallel_loop3A_637, %parallel_loop3A_638 : i32
      %parallel_loop3A_640 = arith.addi %parallel_loop3A_625, %parallel_loop3A_639 : i32
      %parallel_loop3A_641 = arith.index_cast %parallel_loop3A_637 : i32 to index
      %parallel_loop3A_642 = tpu.vector_load %arg7[%parallel_loop3A_641] {strides = array<i32>} : memref<48000xf32, #tpu.memory_space<vmem>>, vector<16xf32>,
      %parallel_loop3A_643 = vector.shape_cast %parallel_loop3A_642 : vector<16xf32> to vector<16xf32>
      %parallel_loop3A_644 = arith.addf %parallel_loop3A_629, %parallel_loop3A_643 : vector<16xf32>
      %parallel_loop3A_645 = arith.constant 16 : i32
      %parallel_loop3A_646 = arith.addi %parallel_loop3A_637, %parallel_loop3A_645 : i32
      %parallel_loop3A_647 = arith.index_cast %parallel_loop3A_646 : i32 to index
      %parallel_loop3A_648 = tpu.vector_load %arg7[%parallel_loop3A_647] {strides = array<i32>} : memref<48000xf32, #tpu.memory_space<vmem>>, vector<16xf32>,
      %parallel_loop3A_649 = vector.shape_cast %parallel_loop3A_648 : vector<16xf32> to vector<16xf32>
      %parallel_loop3A_650 = arith.addf %parallel_loop3A_635, %parallel_loop3A_649 : vector<16xf32>
      %parallel_loop3A_651 = vector.extract_strided_slice %parallel_loop3A_530 {offsets = [8], sizes = [1], strides = [1]} : vector<16xi32> to vector<1xi32>
      %parallel_loop3A_652 = vector.extract %parallel_loop3A_651[0] : i32 from vector<1xi32>
      %parallel_loop3A_653 = arith.constant 1 : i32
      %parallel_loop3A_654 = arith.minsi %parallel_loop3A_652, %parallel_loop3A_653 : i32
      %parallel_loop3A_655 = arith.addi %parallel_loop3A_640, %parallel_loop3A_654 : i32
      %parallel_loop3A_656 = arith.index_cast %parallel_loop3A_652 : i32 to index
      %parallel_loop3A_657 = tpu.vector_load %arg7[%parallel_loop3A_656] {strides = array<i32>} : memref<48000xf32, #tpu.memory_space<vmem>>, vector<16xf32>,
      %parallel_loop3A_658 = vector.shape_cast %parallel_loop3A_657 : vector<16xf32> to vector<16xf32>
      %parallel_loop3A_659 = arith.addf %parallel_loop3A_644, %parallel_loop3A_658 : vector<16xf32>
      %parallel_loop3A_660 = arith.constant 16 : i32
      %parallel_loop3A_661 = arith.addi %parallel_loop3A_652, %parallel_loop3A_660 : i32
      %parallel_loop3A_662 = arith.index_cast %parallel_loop3A_661 : i32 to index
      %parallel_loop3A_663 = tpu.vector_load %arg7[%parallel_loop3A_662] {strides = array<i32>} : memref<48000xf32, #tpu.memory_space<vmem>>, vector<16xf32>,
      %parallel_loop3A_664 = vector.shape_cast %parallel_loop3A_663 : vector<16xf32> to vector<16xf32>
      %parallel_loop3A_665 = arith.addf %parallel_loop3A_650, %parallel_loop3A_664 : vector<16xf32>
      %parallel_loop3A_666 = vector.extract_strided_slice %parallel_loop3A_530 {offsets = [9], sizes = [1], strides = [1]} : vector<16xi32> to vector<1xi32>
      %parallel_loop3A_667 = vector.extract %parallel_loop3A_666[0] : i32 from vector<1xi32>
      %parallel_loop3A_668 = arith.constant 1 : i32
      %parallel_loop3A_669 = arith.minsi %parallel_loop3A_667, %parallel_loop3A_668 : i32
      %parallel_loop3A_670 = arith.addi %parallel_loop3A_655, %parallel_loop3A_669 : i32
      %parallel_loop3A_671 = arith.index_cast %parallel_loop3A_667 : i32 to index
      %parallel_loop3A_672 = tpu.vector_load %arg7[%parallel_loop3A_671] {strides = array<i32>} : memref<48000xf32, #tpu.memory_space<vmem>>, vector<16xf32>,
      %parallel_loop3A_673 = vector.shape_cast %parallel_loop3A_672 : vector<16xf32> to vector<16xf32>
      %parallel_loop3A_674 = arith.addf %parallel_loop3A_659, %parallel_loop3A_673 : vector<16xf32>
      %parallel_loop3A_675 = arith.constant 16 : i32
      %parallel_loop3A_676 = arith.addi %parallel_loop3A_667, %parallel_loop3A_675 : i32
      %parallel_loop3A_677 = arith.index_cast %parallel_loop3A_676 : i32 to index
      %parallel_loop3A_678 = tpu.vector_load %arg7[%parallel_loop3A_677] {strides = array<i32>} : memref<48000xf32, #tpu.memory_space<vmem>>, vector<16xf32>,
      %parallel_loop3A_679 = vector.shape_cast %parallel_loop3A_678 : vector<16xf32> to vector<16xf32>
      %parallel_loop3A_680 = arith.addf %parallel_loop3A_665, %parallel_loop3A_679 : vector<16xf32>
      %parallel_loop3A_681 = vector.extract_strided_slice %parallel_loop3A_530 {offsets = [10], sizes = [1], strides = [1]} : vector<16xi32> to vector<1xi32>
      %parallel_loop3A_682 = vector.extract %parallel_loop3A_681[0] : i32 from vector<1xi32>
      %parallel_loop3A_683 = arith.constant 1 : i32
      %parallel_loop3A_684 = arith.minsi %parallel_loop3A_682, %parallel_loop3A_683 : i32
      %parallel_loop3A_685 = arith.addi %parallel_loop3A_670, %parallel_loop3A_684 : i32
      %parallel_loop3A_686 = arith.index_cast %parallel_loop3A_682 : i32 to index
      %parallel_loop3A_687 = tpu.vector_load %arg7[%parallel_loop3A_686] {strides = array<i32>} : memref<48000xf32, #tpu.memory_space<vmem>>, vector<16xf32>,
      %parallel_loop3A_688 = vector.shape_cast %parallel_loop3A_687 : vector<16xf32> to vector<16xf32>
      %parallel_loop3A_689 = arith.addf %parallel_loop3A_674, %parallel_loop3A_688 : vector<16xf32>
      %parallel_loop3A_690 = arith.constant 16 : i32
      %parallel_loop3A_691 = arith.addi %parallel_loop3A_682, %parallel_loop3A_690 : i32
      %parallel_loop3A_692 = arith.index_cast %parallel_loop3A_691 : i32 to index
      %parallel_loop3A_693 = tpu.vector_load %arg7[%parallel_loop3A_692] {strides = array<i32>} : memref<48000xf32, #tpu.memory_space<vmem>>, vector<16xf32>,
      %parallel_loop3A_694 = vector.shape_cast %parallel_loop3A_693 : vector<16xf32> to vector<16xf32>
      %parallel_loop3A_695 = arith.addf %parallel_loop3A_680, %parallel_loop3A_694 : vector<16xf32>
      %parallel_loop3A_696 = vector.extract_strided_slice %parallel_loop3A_530 {offsets = [11], sizes = [1], strides = [1]} : vector<16xi32> to vector<1xi32>
      %parallel_loop3A_697 = vector.extract %parallel_loop3A_696[0] : i32 from vector<1xi32>
      %parallel_loop3A_698 = arith.constant 1 : i32
      %parallel_loop3A_699 = arith.minsi %parallel_loop3A_697, %parallel_loop3A_698 : i32
      %parallel_loop3A_700 = arith.addi %parallel_loop3A_685, %parallel_loop3A_699 : i32
      %parallel_loop3A_701 = arith.index_cast %parallel_loop3A_697 : i32 to index
      %parallel_loop3A_702 = tpu.vector_load %arg7[%parallel_loop3A_701] {strides = array<i32>} : memref<48000xf32, #tpu.memory_space<vmem>>, vector<16xf32>,
      %parallel_loop3A_703 = vector.shape_cast %parallel_loop3A_702 : vector<16xf32> to vector<16xf32>
      %parallel_loop3A_704 = arith.addf %parallel_loop3A_689, %parallel_loop3A_703 : vector<16xf32>
      %parallel_loop3A_705 = arith.constant 16 : i32
      %parallel_loop3A_706 = arith.addi %parallel_loop3A_697, %parallel_loop3A_705 : i32
      %parallel_loop3A_707 = arith.index_cast %parallel_loop3A_706 : i32 to index
      %parallel_loop3A_708 = tpu.vector_load %arg7[%parallel_loop3A_707] {strides = array<i32>} : memref<48000xf32, #tpu.memory_space<vmem>>, vector<16xf32>,
      %parallel_loop3A_709 = vector.shape_cast %parallel_loop3A_708 : vector<16xf32> to vector<16xf32>
      %parallel_loop3A_710 = arith.addf %parallel_loop3A_695, %parallel_loop3A_709 : vector<16xf32>
      %parallel_loop3A_711 = vector.extract_strided_slice %parallel_loop3A_530 {offsets = [12], sizes = [1], strides = [1]} : vector<16xi32> to vector<1xi32>
      %parallel_loop3A_712 = vector.extract %parallel_loop3A_711[0] : i32 from vector<1xi32>
      %parallel_loop3A_713 = arith.constant 1 : i32
      %parallel_loop3A_714 = arith.minsi %parallel_loop3A_712, %parallel_loop3A_713 : i32
      %parallel_loop3A_715 = arith.addi %parallel_loop3A_700, %parallel_loop3A_714 : i32
      %parallel_loop3A_716 = arith.index_cast %parallel_loop3A_712 : i32 to index
      %parallel_loop3A_717 = tpu.vector_load %arg7[%parallel_loop3A_716] {strides = array<i32>} : memref<48000xf32, #tpu.memory_space<vmem>>, vector<16xf32>,
      %parallel_loop3A_718 = vector.shape_cast %parallel_loop3A_717 : vector<16xf32> to vector<16xf32>
      %parallel_loop3A_719 = arith.addf %parallel_loop3A_704, %parallel_loop3A_718 : vector<16xf32>
      %parallel_loop3A_720 = arith.constant 16 : i32
      %parallel_loop3A_721 = arith.addi %parallel_loop3A_712, %parallel_loop3A_720 : i32
      %parallel_loop3A_722 = arith.index_cast %parallel_loop3A_721 : i32 to index
      %parallel_loop3A_723 = tpu.vector_load %arg7[%parallel_loop3A_722] {strides = array<i32>} : memref<48000xf32, #tpu.memory_space<vmem>>, vector<16xf32>,
      %parallel_loop3A_724 = vector.shape_cast %parallel_loop3A_723 : vector<16xf32> to vector<16xf32>
      %parallel_loop3A_725 = arith.addf %parallel_loop3A_710, %parallel_loop3A_724 : vector<16xf32>
      %parallel_loop3A_726 = vector.extract_strided_slice %parallel_loop3A_530 {offsets = [13], sizes = [1], strides = [1]} : vector<16xi32> to vector<1xi32>
      %parallel_loop3A_727 = vector.extract %parallel_loop3A_726[0] : i32 from vector<1xi32>
      %parallel_loop3A_728 = arith.constant 1 : i32
      %parallel_loop3A_729 = arith.minsi %parallel_loop3A_727, %parallel_loop3A_728 : i32
      %parallel_loop3A_730 = arith.addi %parallel_loop3A_715, %parallel_loop3A_729 : i32
      %parallel_loop3A_731 = arith.index_cast %parallel_loop3A_727 : i32 to index
      %parallel_loop3A_732 = tpu.vector_load %arg7[%parallel_loop3A_731] {strides = array<i32>} : memref<48000xf32, #tpu.memory_space<vmem>>, vector<16xf32>,
      %parallel_loop3A_733 = vector.shape_cast %parallel_loop3A_732 : vector<16xf32> to vector<16xf32>
      %parallel_loop3A_734 = arith.addf %parallel_loop3A_719, %parallel_loop3A_733 : vector<16xf32>
      %parallel_loop3A_735 = arith.constant 16 : i32
      %parallel_loop3A_736 = arith.addi %parallel_loop3A_727, %parallel_loop3A_735 : i32
      %parallel_loop3A_737 = arith.index_cast %parallel_loop3A_736 : i32 to index
      %parallel_loop3A_738 = tpu.vector_load %arg7[%parallel_loop3A_737] {strides = array<i32>} : memref<48000xf32, #tpu.memory_space<vmem>>, vector<16xf32>,
      %parallel_loop3A_739 = vector.shape_cast %parallel_loop3A_738 : vector<16xf32> to vector<16xf32>
      %parallel_loop3A_740 = arith.addf %parallel_loop3A_725, %parallel_loop3A_739 : vector<16xf32>
      %parallel_loop3A_741 = vector.extract_strided_slice %parallel_loop3A_530 {offsets = [14], sizes = [1], strides = [1]} : vector<16xi32> to vector<1xi32>
      %parallel_loop3A_742 = vector.extract %parallel_loop3A_741[0] : i32 from vector<1xi32>
      %parallel_loop3A_743 = arith.constant 1 : i32
      %parallel_loop3A_744 = arith.minsi %parallel_loop3A_742, %parallel_loop3A_743 : i32
      %parallel_loop3A_745 = arith.addi %parallel_loop3A_730, %parallel_loop3A_744 : i32
      %parallel_loop3A_746 = arith.index_cast %parallel_loop3A_742 : i32 to index
      %parallel_loop3A_747 = tpu.vector_load %arg7[%parallel_loop3A_746] {strides = array<i32>} : memref<48000xf32, #tpu.memory_space<vmem>>, vector<16xf32>,
      %parallel_loop3A_748 = vector.shape_cast %parallel_loop3A_747 : vector<16xf32> to vector<16xf32>
      %parallel_loop3A_749 = arith.addf %parallel_loop3A_734, %parallel_loop3A_748 : vector<16xf32>
      %parallel_loop3A_750 = arith.constant 16 : i32
      %parallel_loop3A_751 = arith.addi %parallel_loop3A_742, %parallel_loop3A_750 : i32
      %parallel_loop3A_752 = arith.index_cast %parallel_loop3A_751 : i32 to index
      %parallel_loop3A_753 = tpu.vector_load %arg7[%parallel_loop3A_752] {strides = array<i32>} : memref<48000xf32, #tpu.memory_space<vmem>>, vector<16xf32>,
      %parallel_loop3A_754 = vector.shape_cast %parallel_loop3A_753 : vector<16xf32> to vector<16xf32>
      %parallel_loop3A_755 = arith.addf %parallel_loop3A_740, %parallel_loop3A_754 : vector<16xf32>
      %parallel_loop3A_756 = vector.extract_strided_slice %parallel_loop3A_530 {offsets = [15], sizes = [1], strides = [1]} : vector<16xi32> to vector<1xi32>
      %parallel_loop3A_757 = vector.extract %parallel_loop3A_756[0] : i32 from vector<1xi32>
      %parallel_loop3A_758 = arith.constant 1 : i32
      %parallel_loop3A_759 = arith.minsi %parallel_loop3A_757, %parallel_loop3A_758 : i32
      %parallel_loop3A_760 = arith.addi %parallel_loop3A_745, %parallel_loop3A_759 : i32
      %parallel_loop3A_761 = arith.index_cast %parallel_loop3A_757 : i32 to index
      %parallel_loop3A_762 = tpu.vector_load %arg7[%parallel_loop3A_761] {strides = array<i32>} : memref<48000xf32, #tpu.memory_space<vmem>>, vector<16xf32>,
      %parallel_loop3A_763 = vector.shape_cast %parallel_loop3A_762 : vector<16xf32> to vector<16xf32>
      %parallel_loop3A_764 = arith.addf %parallel_loop3A_749, %parallel_loop3A_763 : vector<16xf32>
      %parallel_loop3A_765 = arith.constant 16 : i32
      %parallel_loop3A_766 = arith.addi %parallel_loop3A_757, %parallel_loop3A_765 : i32
      %parallel_loop3A_767 = arith.index_cast %parallel_loop3A_766 : i32 to index
      %parallel_loop3A_768 = tpu.vector_load %arg7[%parallel_loop3A_767] {strides = array<i32>} : memref<48000xf32, #tpu.memory_space<vmem>>, vector<16xf32>,
      %parallel_loop3A_769 = vector.shape_cast %parallel_loop3A_768 : vector<16xf32> to vector<16xf32>
      %parallel_loop3A_770 = arith.addf %parallel_loop3A_755, %parallel_loop3A_769 : vector<16xf32>
      %parallel_loop3A_771 = arith.constant 48 : i32
      %parallel_loop3A_772 = arith.addi %parallel_loop3A_34, %parallel_loop3A_771 : i32
      %parallel_loop3A_773 = arith.index_cast %parallel_loop3A_772 : i32 to index
      %parallel_loop3A_774 = tpu.vector_load %arg8[%parallel_loop3A_773] {strides = array<i32>} : memref<32768xi32, #tpu.memory_space<vmem>>, vector<16xi32>,
      %parallel_loop3A_775 = vector.shape_cast %parallel_loop3A_774 : vector<16xi32> to vector<16xi32>
      %parallel_loop3A_776 = vector.extract_strided_slice %parallel_loop3A_775 {offsets = [0], sizes = [1], strides = [1]} : vector<16xi32> to vector<1xi32>
      %parallel_loop3A_777 = vector.extract %parallel_loop3A_776[0] : i32 from vector<1xi32>
      %parallel_loop3A_778 = arith.constant 1 : i32
      %parallel_loop3A_779 = arith.minsi %parallel_loop3A_777, %parallel_loop3A_778 : i32
      %parallel_loop3A_780 = arith.addi %parallel_loop3A_760, %parallel_loop3A_779 : i32
      %parallel_loop3A_781 = arith.index_cast %parallel_loop3A_777 : i32 to index
      %parallel_loop3A_782 = tpu.vector_load %arg7[%parallel_loop3A_781] {strides = array<i32>} : memref<48000xf32, #tpu.memory_space<vmem>>, vector<16xf32>,
      %parallel_loop3A_783 = vector.shape_cast %parallel_loop3A_782 : vector<16xf32> to vector<16xf32>
      %parallel_loop3A_784 = arith.addf %parallel_loop3A_764, %parallel_loop3A_783 : vector<16xf32>
      %parallel_loop3A_785 = arith.constant 16 : i32
      %parallel_loop3A_786 = arith.addi %parallel_loop3A_777, %parallel_loop3A_785 : i32
      %parallel_loop3A_787 = arith.index_cast %parallel_loop3A_786 : i32 to index
      %parallel_loop3A_788 = tpu.vector_load %arg7[%parallel_loop3A_787] {strides = array<i32>} : memref<48000xf32, #tpu.memory_space<vmem>>, vector<16xf32>,
      %parallel_loop3A_789 = vector.shape_cast %parallel_loop3A_788 : vector<16xf32> to vector<16xf32>
      %parallel_loop3A_790 = arith.addf %parallel_loop3A_770, %parallel_loop3A_789 : vector<16xf32>
      %parallel_loop3A_791 = vector.extract_strided_slice %parallel_loop3A_775 {offsets = [1], sizes = [1], strides = [1]} : vector<16xi32> to vector<1xi32>
      %parallel_loop3A_792 = vector.extract %parallel_loop3A_791[0] : i32 from vector<1xi32>
      %parallel_loop3A_793 = arith.constant 1 : i32
      %parallel_loop3A_794 = arith.minsi %parallel_loop3A_792, %parallel_loop3A_793 : i32
      %parallel_loop3A_795 = arith.addi %parallel_loop3A_780, %parallel_loop3A_794 : i32
      %parallel_loop3A_796 = arith.index_cast %parallel_loop3A_792 : i32 to index
      %parallel_loop3A_797 = tpu.vector_load %arg7[%parallel_loop3A_796] {strides = array<i32>} : memref<48000xf32, #tpu.memory_space<vmem>>, vector<16xf32>,
      %parallel_loop3A_798 = vector.shape_cast %parallel_loop3A_797 : vector<16xf32> to vector<16xf32>
      %parallel_loop3A_799 = arith.addf %parallel_loop3A_784, %parallel_loop3A_798 : vector<16xf32>
      %parallel_loop3A_800 = arith.constant 16 : i32
      %parallel_loop3A_801 = arith.addi %parallel_loop3A_792, %parallel_loop3A_800 : i32
      %parallel_loop3A_802 = arith.index_cast %parallel_loop3A_801 : i32 to index
      %parallel_loop3A_803 = tpu.vector_load %arg7[%parallel_loop3A_802] {strides = array<i32>} : memref<48000xf32, #tpu.memory_space<vmem>>, vector<16xf32>,
      %parallel_loop3A_804 = vector.shape_cast %parallel_loop3A_803 : vector<16xf32> to vector<16xf32>
      %parallel_loop3A_805 = arith.addf %parallel_loop3A_790, %parallel_loop3A_804 : vector<16xf32>
      %parallel_loop3A_806 = arith.sitofp %parallel_loop3A_795 : i32 to f32
      %parallel_loop3A_807 = vector.broadcast %parallel_loop3A_806 : f32 to vector<16xf32>
      %parallel_loop3A_808 = arith.constant 1.000000e+00 : f32
      %parallel_loop3A_809 = vector.broadcast %parallel_loop3A_808 : f32 to vector<16xf32>
      %parallel_loop3A_810 = arith.maximumf %parallel_loop3A_807, %parallel_loop3A_809 : vector<16xf32>
      %parallel_loop3A_811 = arith.constant 1.000000e+00 : f32
      %parallel_loop3A_812 = vector.broadcast %parallel_loop3A_811 : f32 to vector<16xf32>
      %parallel_loop3A_813 = arith.divf %parallel_loop3A_812, %parallel_loop3A_810 : vector<16xf32>
      %parallel_loop3A_814 = arith.constant 2 : i32
      %parallel_loop3A_815 = arith.muli %parallel_loop3A_32, %parallel_loop3A_814 : i32
      %parallel_loop3A_816 = arith.constant 32 : i32
      %parallel_loop3A_817 = arith.muli %parallel_loop3A_815, %parallel_loop3A_816 : i32
      %parallel_loop3A_818 = arith.addf %parallel_loop3A_519, %parallel_loop3A_799 : vector<16xf32>
      %parallel_loop3A_819 = arith.mulf %parallel_loop3A_818, %parallel_loop3A_813 : vector<16xf32>
      %parallel_loop3A_820 = arith.constant 32 : i32
      %parallel_loop3A_821 = arith.addi %parallel_loop3A_817, %parallel_loop3A_820 : i32
      %parallel_loop3A_822 = arith.index_cast %parallel_loop3A_821 : i32 to index
      %parallel_loop3A_823 = tpu.vector_load %arg10[%parallel_loop3A_822] {strides = array<i32>} : memref<32768xf32, #tpu.memory_space<vmem>>, vector<16xf32>,
      %parallel_loop3A_824 = vector.shape_cast %parallel_loop3A_823 : vector<16xf32> to vector<16xf32>
      %parallel_loop3A_825 = vector.shape_cast %parallel_loop3A_819 : vector<16xf32> to vector<16xf32>
      tpu.vector_store %arg10[%parallel_loop3A_822], %parallel_loop3A_825 {strides = array<i32>} : memref<32768xf32, #tpu.memory_space<vmem>>, vector<16xf32>,
      %parallel_loop3A_826 = arith.addf %parallel_loop3A_525, %parallel_loop3A_805 : vector<16xf32>
      %parallel_loop3A_827 = arith.mulf %parallel_loop3A_826, %parallel_loop3A_813 : vector<16xf32>
      %parallel_loop3A_828 = arith.constant 48 : i32
      %parallel_loop3A_829 = arith.addi %parallel_loop3A_817, %parallel_loop3A_828 : i32
      %parallel_loop3A_830 = arith.index_cast %parallel_loop3A_829 : i32 to index
      %parallel_loop3A_831 = tpu.vector_load %arg10[%parallel_loop3A_830] {strides = array<i32>} : memref<32768xf32, #tpu.memory_space<vmem>>, vector<16xf32>,
      %parallel_loop3A_832 = vector.shape_cast %parallel_loop3A_831 : vector<16xf32> to vector<16xf32>
      %parallel_loop3A_833 = vector.shape_cast %parallel_loop3A_827 : vector<16xf32> to vector<16xf32>
      tpu.vector_store %arg10[%parallel_loop3A_830], %parallel_loop3A_833 {strides = array<i32>} : memref<32768xf32, #tpu.memory_space<vmem>>, vector<16xf32>,
    } {sc.loop_unroll_factor = 2 : i64, sc.parallel_access}
    %dma_wait3A_20 = arith.constant 0 : i32
    %dma_wait3A_21 = tpu.memref_slice %arg10[%dma_wait3A_20] : memref<32768xf32, #tpu.memory_space<vmem>> -> memref<16384xf32, #tpu.memory_space<vmem>>
    %dma_wait3A_22 = arith.constant 0 : i32
    %dma_wait3A_23 = tpu.memref_slice %arg4[%dma_wait3A_22] : memref<3200032xf32, #tpu.memory_space<hbm>> -> memref<16384xf32, #tpu.memory_space<hbm>>
    %dma_wait3A_24 = arith.constant 0 : i32
    %dma_wait3A_25 = tpu.memref_slice %arg10[%dma_wait3A_24] : memref<32768xf32, #tpu.memory_space<vmem>> -> memref<16384xf32, #tpu.memory_space<vmem>>
    %dma_wait3A_26 = arith.constant 0 : i32
    %dma_wait3A_27 = tpu.memref_slice %arg4[%dma_wait3A_26] : memref<3200032xf32, #tpu.memory_space<hbm>> -> memref<16384xf32, #tpu.memory_space<hbm>>
    tpu.wait_dma2 semaphore(%arg13 : memref<!tpu.dma_semaphore, #tpu.memory_space<semaphore_mem>>) src(%dma_wait3A_27 : memref<16384xf32, #tpu.memory_space<hbm>>) dst(%dma_wait3A_25 : memref<16384xf32, #tpu.memory_space<vmem>>)
    %mul3A_28 = arith.constant 2 : i32
    %mul3A_29 = arith.muli %mul3A_2, %mul3A_28 : i32
    %mul3A_30 = arith.constant 32 : i32
    %mul3A_31 = arith.muli %mul3A_29, %mul3A_30 : i32
    "tpu.region"() ({
      %run_scoped3A = tpu.sem_alloc : memref<!tpu.dma_semaphore, #tpu.memory_space<semaphore_mem>>
      %dma_start3A_32 = tpu.memref_slice %arg6[%mul3A_31] : memref<1048576xf32, #tpu.memory_space<hbm>> -> memref<32768xf32, #tpu.memory_space<hbm>>
      %dma_start3A_33 = tpu.memref_slice %arg6[%mul3A_31] : memref<1048576xf32, #tpu.memory_space<hbm>> -> memref<32768xf32, #tpu.memory_space<hbm>>
      tpu.enqueue_dma source(%arg10 : memref<32768xf32, #tpu.memory_space<vmem>>) target(%dma_start3A_33 : memref<32768xf32, #tpu.memory_space<hbm>>) target_semaphore(%run_scoped3A : memref<!tpu.dma_semaphore, #tpu.memory_space<semaphore_mem>>)
      %dma_wait3A_34 = tpu.memref_slice %arg6[%mul3A_31] : memref<1048576xf32, #tpu.memory_space<hbm>> -> memref<32768xf32, #tpu.memory_space<hbm>>
      %dma_wait3A_35 = tpu.memref_slice %arg6[%mul3A_31] : memref<1048576xf32, #tpu.memory_space<hbm>> -> memref<32768xf32, #tpu.memory_space<hbm>>
      tpu.wait_dma2 semaphore(%run_scoped3A : memref<!tpu.dma_semaphore, #tpu.memory_space<semaphore_mem>>) src(%arg10 : memref<32768xf32, #tpu.memory_space<vmem>>) dst(%dma_wait3A_35 : memref<32768xf32, #tpu.memory_space<hbm>>)
      tpu.yield
    }) : () -> ()
    return
  }
}

</mosaic_0001>

<sc_bundles>
// kernel: kernel.3.cloned.1.call-start
scs
__scs_entry_jumppad:
0x0: {  	(pc) =	sbr.rel $0x88, $3  }
0x1: {  	(tag) =	ssettag $0x0;
	lr =	simm.s32 $0x1  }
0x2: {  	[smem:$0x3F9D] =	sst lr;
	_ =	strace $0xD0000000  }
0x3: {  	_ = 	snop  }
0x4: {  	_ = 	snop  }
0x5: {  	_ = 	snop  }
0x6: {  	_ = 	snop  }
0x7: {  	_ = 	snop  }
__scs_overlays_trampoline_lowered:
0x8: {  	[smem:$0x3FAC] =	sst s0  }
0x9: {  	[smem:$0x3FAD] =	sst s1  }
0xa: {  	[smem:$0x3FAE] =	sst s2  }
0xb: {  	[smem:$0x3FAF] =	sst s3  }
0xc: {  	[smem:$0x3FB0] =	sst s4  }
0xd: {  	[smem:$0x3FB1] =	sst s5  }
0xe: {  	[smem:$0x3FB2] =	sst s6  }
0xf: {  	[smem:$0x3FB3] =	sst s7  }
0x10: {  	[smem:$0x3FB4] =	sst s8  }
0x11: {  	[smem:$0x3FB5] =	sst s9;
	s0 =	simm.s32 @!p0 $0x0  }
0x12: {  	s1 =	sld [smem:$0x3F9B];
	s0 =	simm.s32 @p0 $0x1  }
0x13: {  	[smem:$0x3FB6] =	sst s0;
	s0 =	simm.s32 @!p1 $0x0  }
0x14: {  	s2 =	sld [smem:$0x3F9A];
	s0 =	simm.s32 @p1 $0x1  }
0x15: {  	[smem:$0x3FB7] =	sst s0;
	s0 =	simm.s32 @!p2 $0x0  }
0x16: {  	s3 =	sld [smem:$0x3FDB];
	s0 =	simm.s32 @p2 $0x1  }
0x17: {  	s4 =	simm.s32 $0x1BF5;
	[smem:$0x3FB9] =	sst s0  }
0x18: {  	s0 =	sld [smem:$0x3F9C];
	_ =	swait.ge [sflag:s4], $0x0  }
0x19: {  	s7 =	sld [smem:$0x3F9D]  }
0x1a: {  	s8 =	sadd.s32 $0xFFFFE003, lr  }
0x1b: {  	s9 =	sadd.s32 $0xFFFFFEF7, lr;
	s5 =	simm.s32 $0xFFFFFFFF;
	p2 =	slt.u32 s8, $0xFFFFF086  }
0x1c: {  	p1 =	slt.u32 s9, $0xF7A;
	s5 =	simm.s32 @!p2 $0x0  }
0x1d: {  	s5 =	simm.s32 @p1 $0x1;
	p0 =	seq.s32 s7, s2  }
0x1e: {  	s7 =	smul.u32 @!p0 $0xF7A, s2;
	p2 =	seq.s32 @!p0 s5, $0x0  }
0x1f: {  	s9 =	smul.u32 $0xF7A, s1;
	s8 =	simm.s32 @!p0 $0x1BF5;
	p2 =	por !p2, p0  }
0x20: {  	[sflag:s8] =	ssyncset.s32 @!p0 $0xFFFFF086;
	s6 =	sadd.s32 @!p0 s3, s7;
	s7 =	simm.s32 @!p0 $0x108  }
0x21: {  	s3 =	sadd.s32 s3, s9;
	s6 =	sadd.s32 @!p0 $0x88, s6;
	s7 =	simm.s32 @p2 $0x1082  }
0x22: {  	[simem:s7], [sflag:s8] =	dma.local @!p0 [hbm:s6], $0xF7A  }
0x23: {  	s9 =	sor.u32 $0xD0000000, s2;
	s6 =	simm.s32 $0x108;
	_ =	swait.ge @!p0 [sflag:s8], $0x0  }
0x24: {  	s3 =	sadd.s32 $0x88, s3;
	s6 =	simm.s32 @!p1 $0x1082;
	[sflag:s4] =	ssyncset.s32 $0xFFFFF086  }
0x25: {  	[simem:s6], [sflag:s4] =	dma.local [hbm:s3], $0xF7A  }
0x26: {  	[smem:$0x3F9D] =	sst s1;
	(tag) =	ssettag s2;
	_ =	strace s9  }
0x27: {  	s1 =	sld [smem:$0x3FAD]  }
0x28: {  	s2 =	sld [smem:$0x3FAE]  }
0x29: {  	s4 =	sld [smem:$0x3FB0]  }
0x2a: {  	p0 =	seq.s32 s5, $0x0;
	s5 =	sld [smem:$0x3FB1]  }
0x2b: {  	s6 =	sld [smem:$0x3FB2]  }
0x2c: {  	s7 =	sld [smem:$0x3FB3]  }
0x2d: {  	s3 =	simm.s32 $0x108;
	s8 =	sld [smem:$0x3FB4]  }
0x2e: {  	s3 =	simm.s32 @!p0 $0x1082;
	s9 =	sld [smem:$0x3FB5]  }
0x2f: {  	lr =	sadd.s32 s0, s3;
	s0 =	sld [smem:$0x3FAC]  }
0x30: {  	s3 =	sld [smem:$0x3FAF]  }
0x31: {  	[smem:$0x3FB8] =	sst s10  }
0x32: {  	s10 =	sld [smem:$0x3FB6];
	_ =	sdelay $0x3  }
0x33: {  	p0 =	seq.s32 s10, $0x1;
	s10 =	sld [smem:$0x3FB8];
	_ =	sdelay $0x3  }
0x34: {  	[smem:$0x3FB8] =	sst s10  }
0x35: {  	s10 =	sld [smem:$0x3FB7];
	_ =	sdelay $0x3  }
0x36: {  	p1 =	seq.s32 s10, $0x1;
	s10 =	sld [smem:$0x3FB8];
	_ =	sdelay $0x3  }
0x37: {  	[smem:$0x3FB8] =	sst s10  }
0x38: {  	s10 =	sld [smem:$0x3FB9]  }
0x39: {  	_ = 	snop;
	(pc) =	sbr.ind lr, $3  }
0x3a: {  	_ = 	snop  }
0x3b: {  	_ = 	snop  }
0x3c: {  	p2 =	seq.s32 s10, $0x1;
	s10 =	sld [smem:$0x3FB8]  }
0x3d: {  	_ =	shalt  }
0x3e: {  	_ =	shalt  }
0x3f: {  	_ =	shalt  }
0x40: {  	_ =	shalt  }
0x41: {  	_ =	shalt  }
0x42: {  	_ =	shalt  }
0x43: {  	_ =	shalt  }
0x44: {  	_ =	shalt  }
0x45: {  	_ =	shalt  }
0x46: {  	_ =	shalt  }
0x47: {  	_ =	shalt  }
0x48: {  	_ =	shalt  }
0x49: {  	_ =	shalt  }
0x4a: {  	_ =	shalt  }
0x4b: {  	_ =	shalt  }
0x4c: {  	_ =	shalt  }
0x4d: {  	_ =	shalt  }
0x4e: {  	_ =	shalt  }
0x4f: {  	_ =	shalt  }
0x50: {  	_ =	shalt  }
0x51: {  	_ =	shalt  }
0x52: {  	_ =	shalt  }
0x53: {  	_ =	shalt  }
0x54: {  	_ =	shalt  }
0x55: {  	_ =	shalt  }
0x56: {  	_ =	shalt  }
0x57: {  	_ =	shalt  }
0x58: {  	_ =	shalt  }
0x59: {  	_ =	shalt  }
0x5a: {  	_ =	shalt  }
0x5b: {  	_ =	shalt  }
0x5c: {  	_ =	shalt  }
0x5d: {  	_ =	shalt  }
0x5e: {  	_ =	shalt  }
0x5f: {  	_ =	shalt  }
0x60: {  	_ =	shalt  }
0x61: {  	_ =	shalt  }
0x62: {  	_ =	shalt  }
0x63: {  	_ =	shalt  }
0x64: {  	_ =	shalt  }
0x65: {  	_ =	shalt  }
0x66: {  	_ =	shalt  }
0x67: {  	_ =	shalt  }
0x68: {  	_ =	shalt  }
0x69: {  	_ =	shalt  }
0x6a: {  	_ =	shalt  }
0x6b: {  	_ =	shalt  }
0x6c: {  	_ =	shalt  }
0x6d: {  	_ =	shalt  }
0x6e: {  	_ =	shalt  }
0x6f: {  	_ =	shalt  }
0x70: {  	_ =	shalt  }
0x71: {  	_ =	shalt  }
0x72: {  	_ =	shalt  }
0x73: {  	_ =	shalt  }
0x74: {  	_ =	shalt  }
0x75: {  	_ =	shalt  }
0x76: {  	_ =	shalt  }
0x77: {  	_ =	shalt  }
0x78: {  	_ =	shalt  }
0x79: {  	_ =	shalt  }
0x7a: {  	_ =	shalt  }
0x7b: {  	_ =	shalt  }
0x7c: {  	_ =	shalt  }
0x7d: {  	_ =	shalt  }
0x7e: {  	_ =	shalt  }
0x7f: {  	_ =	shalt  }
0x80: {  	_ =	shalt  }
0x81: {  	_ =	shalt  }
0x82: {  	_ =	shalt  }
0x83: {  	_ =	shalt  }
0x84: {  	_ =	shalt  }
0x85: {  	_ =	shalt  }
0x86: {  	_ =	shalt  }
0x87: {  	_ =	shalt  }
.Lfunc_end0:
.L_simem_size_0:
called_computation_lowered:
.L_overlay_start_0:
0x88: {  	s2 =	sld [smem:$0x3FD9]  }
0x89: {  	s3 =	sld [smem:$0x3FFE];
	_ =	sdelay $0x1  }
0x8a: {  	s1 =	srdreg.scid  }
0x8b: {  	s0 =	sand.u32 $0x1, s1  }
0x8c: {  	s17 =	sshll.u32 s0, $0xA;
	s2 =	sadd.s32 s3, s2  }
0x8d: {  	s2 =	sadd.s32 s2, s17  }
0x8e: {  	[smem:$0x3FC4] =	sst s2  }
0x8f: {  	_ = 	snop  }
0x90: {  	s2 =	sld [smem:$0x3FC9]  }
0x91: {  	s18 =	sld [smem:$0x3FD0];
	(tm) =	ssettm $0x1  }
0x92: {  	s4 =	sld [smem:$0x3FFB];
	_ =	sdelay $0x3  }
0x93: {  	_ =	strace s4  }
0x94: {  	s4 =	sld [smem:$0x3FFC];
	_ =	sdelay $0x3  }
0x95: {  	_ =	strace s4  }
0x96: {  	s4 =	sld [smem:$0x3FFD];
	_ =	sdelay $0x3  }
0x97: {  	_ =	strace s4  }
0x98: {  	_ =	strace $0x8FFFFFFF  }
0x99: {  	s19 =	sld [smem:$0x3FDB];
	_ =	sdelay $0x1  }
0x9a: {  	s5 =	simm.s32 $_scs_section_size  }
0x9b: {  	s6 =	simm.s32 $_size__tile_overlayer_lowered;
	s7 =	simm.s32 $_tile_overlayer_lowered  }
0x9c: {  	s22 =	simm.s32 $0x1BFF;
	s21 =	sshll.u32 s7, $0x1;
	s4 =	sadd.s32 s5, s19  }
0x9d: {  	s8 =	simm.s32 $0x0;
	s20 =	sshll.u32 s6, $0x1;
	s6 =	sadd.s32 s21, s4  }
0x9e: {  	[timem:s8], [sflag:s22] =	dma.local [hbm:s6], s20  }
0x9f: {  	_ =	swait.ge [sflag:s22], s20  }
0xa0: {  	s5 =	ssub.s32 $0x0, s20;
	[sflag:s22] =	ssyncset.done $0x0  }
0xa1: {  	[sflag:s22] =	ssyncadd.s32 s5;
	_ =	sdelay $0x1  }
0xa2: {  	s23 =	simm.s32 $0x1B8B  }
0xa3: {  	_ =	swait.ge [sflag:s23], $0x1  }
0xa4: {  	[sflag:s23] =	ssyncset.done $0x0  }
0xa5: {  	s25 =	simm.s32 $0x1B8E;
	s24 =	sld [smem:$0x3FFE];
	[sflag:s23] =	ssyncadd.s32 $0xFFFFFFFF  }
0xa6: {  	s26 =	simm.s32 $execute0_lowered;
	[smem:$0x3FD2] =	sst s25  }
0xa7: {  	s6 =	sshll.u32 s26, $0x1;
	_ =	strace $0x80000046;
	[dreg:$0x1] =	wrdreg $0xFFFFFFFF  }
0xa8: {  	s28 =	simm.s32 $_size_execute0_lowered;
	s4 =	sadd.s32 s4, s6;
	[dreg:$0x0] =	wrdreg $0x0  }
0xa9: {  	s6 =	sshll.u32 s28, $0x1;
	[dreg:$0x2] =	wrdreg s4  }
0xaa: {  	[dreg:$0x3] =	wrdreg s6  }
0xab: {  	[dreg:$0x4] =	wrdreg $0xC0  }
0xac: {  	_ =	task [dreg:s8], $0x5FFFF  }
0xad: {  	[dreg:$0x1] =	wrdreg $0xFFFFFFFF  }
0xae: {  	[dreg:$0x0] =	wrdreg $0x60  }
0xaf: {  	[dreg:$0x2] =	wrdreg s2  }
0xb0: {  	[dreg:$0x3] =	wrdreg s18  }
0xb1: {  	[dreg:$0x4] =	wrdreg s24  }
0xb2: {  	[dreg:$0x5] =	wrdreg $0x9  }
0xb3: {  	_ =	task.clear_ibuf [dreg:s8], $0x6FFFF;
	_ =	strace $0x90000046  }
0xb4: {  	s29 =	simm.s32 $0x9;
	_ =	strace $0x80000048  }
0xb5: {  	_ =	swait.ge [sflag:s29], $0x1  }
0xb6: {  	[sflag:s29] =	ssyncadd.s32 $0xFFFFFFFF  }
0xb7: {  	_ =	strace $0x90000048  }
0xb8: {  	_ =	sfence  }
0xb9: {  	s30 =	sld [smem:$0x0];
	_ =	sdelay $0x2  }
0xba: {  	s31 =	sshll.u32 s1, $0xD;
	s1 =	sshrl.u32 s1, $0x2  }
0xbb: {  	s3 =	sand.u32 $0x4000, s31;
	s1 =	sadd.s32 s1, s30  }
0xbc: {  	s0 =	sor.u32 s3, s0;
	s1 =	sshll.u32 s1, $0x11  }
0xbd: {  	s0 =	sor.u32 s1, s0  }
0xbe: {  	s0 =	sadd.s32 $0x8F2B, s0  }
0xbf: {  	[sflag:s0] =	ssyncadd.remote.s32 $0x1  }
0xc0: {  	_ =	sfence.sel $0xFFFF  }
0xc1: {  	[dreg:$0x0] =	wrdreg $0xFFFFFFFF;
	(pc) =	sbr.abs _section_cstart, $3  }
0xc2: {  	[dreg:$0x1] =	wrdreg $0xFFFFFFFF  }
0xc3: {  	_ =	task.clear_ibuf [dreg:s8], $0x2FFFF;
	_ =	strace $0x9FFFFFFF  }
0xc4: {  	(tm) =	ssettm $0x7FFFFFFF  }
0xc5: {  	_ =	shalt  }
tec
execute0_lowered:
.L_overlay_start_1:
0x0: {  	(tag) =	ssettag $0x1  }
0x1: {  	s0 =	rddreg [dreg:$0x0]  }
0x2: {  	s1 =	rddreg [dreg:$0x1]  }
0x3: {  	s2 =	rddreg [dreg:$0x2];
	s17 =	simm.s32 $0x0;
	s3 =	srdreg.scid  }
0x4: {  	s4 =	stileid.u32;
	[smem:$0x7FF] =	sst s17;
	s3 =	sand.u32 $0x1, s3  }
0x5: {  	s4 =	sshll.u32 s4, $0x1;
	s18 =	sadd.s32 $0x187400, s2;
	s5 =	sadd.s32 $0x800, s2  }
0x6: {  	_ =	strace $0x80000047;
	s4 =	sor.u32 s3, s4;
	[smem:$0x7F8] =	sst s5  }
0x7: {  	s3 =	ssub.s32 $0x2, s3;
	s28 =	sshll.u32 s4, $0xC;
	s4 =	sshll.u32 s4, $0x6  }
0x8: {  	[smem:$0x7FD] =	sst s18;
	s6 =	sshrl.u32 s3, $0x1;
	s0 =	sadd.s32 s0, s4  }
0x9: {  	s2 =	sadd.s32 s28, s2;
	s29 =	sadd.s32 s1, s28;
	[smem:$0x7F9] =	sst s0  }
0xa: {  	s3 =	ssub.s32 s3, s6;
	[smem:$0x7FA] =	sst s29;
	s30 =	sadd.s32 $0x2000, s2  }
0xb: {  	s31 =	smax.u32 s3, $0x1;
	[smem:$0x7FB] =	sst s30  }
0xc: {  	v0 =	vimm.f32 $0.0e+00;
	s1 =	simm.s32 $0x0;
	s2 =	simm.s32 $0x4;
	[smem:$0x7FC] =	sst s31  }
.LBB2_1:
0xd: {  	s24 =	sld [smem:$0x7F9];
	_ =	sdelay $0x1  }
0xe: {  	[smem:$0x7F7] =	sst s1;
	s0 =	simm.s32 $0x13B80  }
0xf: {  	[tilespmem:s0], [sflag:$0x4] =	stream.linear.gather [hbm4b:s24+s17], $0x200, $0x38;
	[tilespmem:$0x1BD80] =	vst v63  }
0x10: {  	_ =	swait.ge [sflag:s2], $0x200  }
0x11: {  	s25 =	sld [smem:$0x7FA]  }
0x12: {  	[sflag:s2] =	ssyncset.done $0x0  }
0x13: {  	s26 =	simm.s32 $0xBB80;
	s28 =	sld [smem:$0x7F8];
	[sflag:s2] =	ssyncadd.s32 $0xFFFFFE00  }
0x14: {  	[tilespmem:s26], [sflag:$0x2] =	stream.linear.gather [hbm4b:s25+s17], $0x8000, $0x38;
	[tilespmem:$0x1BD80] =	vst v63  }
0x15: {  	_ = 	snop  }
0x16: {  	[tilespmem:s17], [sflag:$0x1] =	stream.linear.gather [hbm4b:s28+s17], $0xBB80, $0x38;
	[tilespmem:$0x1BD80] =	vst v63  }
0x17: {  	v1 =	vld [tilespmem:s0+$0x0];
	_ =	sdelay $0x4  }
0x18: {  	v1 =	vshll.u32 v1, $0x2  }
0x19: {  	(v2sf) =	vpush v1, $0x0  }
0x1a: {  	(v2sf) =	vpush v1, $0x1  }
0x1b: {  	(v2sf) =	vpush v1, $0x2;
	_ =	sdelay $0x1  }
0x1c: {  	(v2sf) =	vpush v1, $0x3  }
0x1d: {  	(v2sf) =	vpush v1, $0x4;
	_ =	sdelay $0x1  }
0x1e: {  	(v2sf) =	vpush v1, $0x5;
	_ =	sdelay $0x3  }
0x1f: {  	(v2sf) =	vpush v1, $0x6  }
0x20: {  	s1 =	simm.s32 $0x1000  }
0x21: {  	s3 =	simm.s32 $0x13F00;
	s4 =	simm.s32 $0x13E40;
	s5 =	simm.s32 $0x13E80;
	(v2sf) =	vpush v1, $0x7  }
0x22: {  	s6 =	simm.s32 $0x13EC0;
	s7 =	simm.s32 $0x13DC0;
	s8 =	simm.s32 $0x13E00  }
0x23: {  	s10 =	simm.s32 $0x13D80;
	s2 =	simm.s32 $0x140C0;
	(v2sf) =	vpush v1, $0x8;
	s9 =	spop (v2sf)  }
0x24: {  	s28 =	simm.s32 $0x13F40;
	s9 =	sand.u32 $0x1FFFFFFC, s9;
	s11 =	spop (v2sf)  }
0x25: {  	s0 =	simm.s32 $0x0;
	s9 =	sadd.s32 s18, s9;
	s12 =	spop (v2sf)  }
0x26: {  	[tilespmem:s10], [sflag:$0x3] =	stream.linear.gather [hbm4b:s9+s17], $0x20, $0x38;
	[tilespmem:$0x1BD80] =	vst v63  }
0x27: {  	s11 =	sand.u32 $0x1FFFFFFC, s11;
	s30 =	sand.u32 $0x1FFFFFFC, s12;
	s31 =	spop (v2sf)  }
0x28: {  	s29 =	sadd.s32 s18, s11;
	s10 =	sadd.s32 s18, s30;
	s12 =	spop (v2sf)  }
0x29: {  	(v2sf) =	vpush v1, $0x9;
	[tilespmem:s7], [sflag:$0x3] =	stream.linear.gather [hbm4b:s29+s17], $0x20, $0x38;
	[tilespmem:$0x1BD80] =	vst v63  }
0x2a: {  	s11 =	sand.u32 $0x1FFFFFFC, s31;
	(v2sf) =	vpush v1, $0xA;
	s31 =	simm.s32 $0x13F80;
	s15 =	spop (v2sf)  }
0x2b: {  	(v2sf) =	vpush v1, $0xB;
	[tilespmem:s8], [sflag:$0x3] =	stream.linear.gather [hbm4b:s10+s17], $0x20, $0x38;
	[tilespmem:$0x1BD80] =	vst v63  }
0x2c: {  	s13 =	sadd.s32 s18, s11;
	s14 =	sand.u32 $0x1FFFFFFC, s12;
	s7 =	simm.s32 $0x14000  }
0x2d: {  	(v2sf) =	vpush v1, $0xC;
	[tilespmem:s4], [sflag:$0x3] =	stream.linear.gather [hbm4b:s13+s17], $0x20, $0x38;
	[tilespmem:$0x1BD80] =	vst v63  }
0x2e: {  	s16 =	sadd.s32 s18, s14;
	s19 =	sand.u32 $0x1FFFFFFC, s15;
	s20 =	spop (v2sf)  }
0x2f: {  	(v2sf) =	vpush v1, $0xD;
	[tilespmem:s5], [sflag:$0x3] =	stream.linear.gather [hbm4b:s16+s17], $0x20, $0x38;
	[tilespmem:$0x1BD80] =	vst v63  }
0x30: {  	s21 =	sadd.s32 s18, s19;
	s22 =	sand.u32 $0x1FFFFFFC, s20;
	s23 =	spop (v2sf)  }
0x31: {  	(v2sf) =	vpush v1, $0xE;
	[tilespmem:s6], [sflag:$0x3] =	stream.linear.gather [hbm4b:s21+s17], $0x20, $0x38;
	[tilespmem:$0x1BD80] =	vst v63  }
0x32: {  	s24 =	sadd.s32 s18, s22;
	s25 =	sand.u32 $0x1FFFFFFC, s23;
	s26 =	spop (v2sf)  }
0x33: {  	(v2sf) =	vpush v1, $0xF;
	[tilespmem:s3], [sflag:$0x3] =	stream.linear.gather [hbm4b:s24+s17], $0x20, $0x38;
	[tilespmem:$0x1BD80] =	vst v63  }
0x34: {  	s29 =	sadd.s32 s18, s25;
	s30 =	sand.u32 $0x1FFFFFFC, s26;
	s3 =	simm.s32 $0x13B90  }
0x35: {  	[tilespmem:s28], [sflag:$0x3] =	stream.linear.gather [hbm4b:s29+s17], $0x20, $0x38;
	[tilespmem:$0x1BD80] =	vst v63  }
0x36: {  	s8 =	simm.s32 $0x13FC0;
	s4 =	simm.s32 $0x2000;
	s5 =	sadd.s32 s18, s30;
	v1 =	vld [tilespmem:s3+$0x0]  }
0x37: {  	[tilespmem:s31], [sflag:$0x3] =	stream.linear.gather [hbm4b:s5+s17], $0x20, $0x38;
	[tilespmem:$0x1BD80] =	vst v63  }
0x38: {  	s9 =	spop (v2sf);
	s6 =	simm.s32 $0x14040;
	s5 =	simm.s32 $0x14080  }
.LBB2_2:
0x39: {  	p0 =	sne.s32 s4, $0x1F000;
	s9 =	sand.u32 $0x1FFFFFFC, s9;
	s10 =	spop (v2sf)  }
0x3a: {  	s9 =	sadd.s32 s18, s9;
	s10 =	sand.u32 $0x1FFFFFFC, s10;
	s11 =	spop (v2sf)  }
0x3b: {  	v1 =	vshll.u32 v1, $0x2;
	[tilespmem:s8], [sflag:$0x3] =	stream.linear.gather [hbm4b:s9+s17], $0x20, $0x38;
	[tilespmem:$0x1BD80] =	vst v63  }
0x3c: {  	s8 =	sadd.s32 s18, s10;
	s9 =	sand.u32 $0x1FFFFFFC, s11;
	(v2sf) =	vpush v1, $0x0;
	s10 =	spop (v2sf)  }
0x3d: {  	(v2sf) =	vpush v1, $0x1;
	[tilespmem:s7], [sflag:$0x3] =	stream.linear.gather [hbm4b:s8+s17], $0x20, $0x38;
	[tilespmem:$0x1BD80] =	vst v63  }
0x3e: {  	s7 =	sadd.s32 s18, s9;
	s8 =	sand.u32 $0x1FFFFFFC, s10;
	(v2sf) =	vpush v1, $0x2;
	s9 =	spop (v2sf)  }
0x3f: {  	[tilespmem:s6], [sflag:$0x3] =	stream.linear.gather [hbm4b:s7+s17], $0x20, $0x38;
	[tilespmem:$0x1BD80] =	vst v63  }
0x40: {  	s6 =	sadd.s32 s18, s8;
	s7 =	sand.u32 $0x1FFFFFFC, s9;
	(v2sf) =	vpush v1, $0x3;
	s8 =	spop (v2sf)  }
0x41: {  	[tilespmem:s5], [sflag:$0x3] =	stream.linear.gather [hbm4b:s6+s17], $0x20, $0x38;
	[tilespmem:$0x1BD80] =	vst v63  }
0x42: {  	s5 =	sadd.s32 s18, s7;
	s6 =	sand.u32 $0x1FFFFFFC, s8;
	(v2sf) =	vpush v1, $0x4;
	s7 =	spop (v2sf)  }
0x43: {  	[tilespmem:s2], [sflag:$0x3] =	stream.linear.gather [hbm4b:s5+s17], $0x20, $0x38;
	[tilespmem:$0x1BD80] =	vst v63  }
0x44: {  	s2 =	sadd.s32 $0x14100, s0;
	s5 =	sadd.s32 s18, s6;
	s6 =	sand.u32 $0x1FFFFFFC, s7;
	(v2sf) =	vpush v1, $0x5  }
0x45: {  	[tilespmem:s2], [sflag:$0x3] =	stream.linear.gather [hbm4b:s5+s17], $0x20, $0x38;
	[tilespmem:$0x1BD80] =	vst v63  }
0x46: {  	s2 =	sadd.s32 $0x14140, s0;
	s0 =	sshra.s32 s1, $0x2;
	s1 =	sadd.s32 s18, s6;
	(v2sf) =	vpush v1, $0x6  }
0x47: {  	[tilespmem:s2], [sflag:$0x3] =	stream.linear.gather [hbm4b:s1+s17], $0x20, $0x38;
	[tilespmem:$0x1BD80] =	vst v63  }
0x48: {  	s3 =	sadd.s32 $0x10, s3;
	s2 =	sadd.s32 $0x140C0, s0;
	s1 =	smov.u32 s4;
	(v2sf) =	vpush v1, $0x7  }
0x49: {  	s7 =	sadd.s32 $0x13F00, s0;
	s6 =	sadd.s32 $0x14040, s0;
	s5 =	sadd.s32 $0x14080, s0  }
0x4a: {  	s8 =	sadd.s32 $0x13E40, s0;
	s9 =	sadd.s32 $0x13E80, s0;
	s10 =	sadd.s32 $0x13EC0, s0;
	(v2sf) =	vpush v1, $0x8  }
0x4b: {  	s11 =	sadd.s32 $0x13DC0, s0;
	s12 =	sadd.s32 $0x13E00, s0;
	s13 =	spop (v2sf)  }
0x4c: {  	s14 =	sadd.s32 $0x13D80, s0;
	s13 =	sand.u32 $0x1FFFFFFC, s13;
	s15 =	spop (v2sf)  }
0x4d: {  	s13 =	sadd.s32 s18, s13;
	s15 =	sand.u32 $0x1FFFFFFC, s15;
	s16 =	spop (v2sf)  }
0x4e: {  	[tilespmem:s14], [sflag:$0x3] =	stream.linear.gather [hbm4b:s13+s17], $0x20, $0x38;
	[tilespmem:$0x1BD80] =	vst v63  }
0x4f: {  	s13 =	sadd.s32 s18, s15;
	s14 =	sand.u32 $0x1FFFFFFC, s16;
	s15 =	spop (v2sf)  }
0x50: {  	[tilespmem:s11], [sflag:$0x3] =	stream.linear.gather [hbm4b:s13+s17], $0x20, $0x38;
	(v2sf) =	vpush v1, $0x9;
	[tilespmem:$0x1BD80] =	vst v63  }
0x51: {  	s11 =	sadd.s32 s18, s14;
	s13 =	sand.u32 $0x1FFFFFFC, s15;
	s14 =	spop (v2sf);
	(v2sf) =	vpush v1, $0xA  }
0x52: {  	[tilespmem:s12], [sflag:$0x3] =	stream.linear.gather [hbm4b:s11+s17], $0x20, $0x38;
	(v2sf) =	vpush v1, $0xB;
	[tilespmem:$0x1BD80] =	vst v63  }
0x53: {  	s11 =	sadd.s32 s18, s13;
	s12 =	sand.u32 $0x1FFFFFFC, s14;
	s13 =	spop (v2sf)  }
0x54: {  	[tilespmem:s8], [sflag:$0x3] =	stream.linear.gather [hbm4b:s11+s17], $0x20, $0x38;
	(v2sf) =	vpush v1, $0xC;
	[tilespmem:$0x1BD80] =	vst v63  }
0x55: {  	s8 =	sadd.s32 s18, s12;
	s11 =	sand.u32 $0x1FFFFFFC, s13;
	s12 =	spop (v2sf)  }
0x56: {  	[tilespmem:s9], [sflag:$0x3] =	stream.linear.gather [hbm4b:s8+s17], $0x20, $0x38;
	(v2sf) =	vpush v1, $0xD;
	[tilespmem:$0x1BD80] =	vst v63  }
0x57: {  	s8 =	sadd.s32 s18, s11;
	s9 =	sand.u32 $0x1FFFFFFC, s12;
	s11 =	spop (v2sf)  }
0x58: {  	[tilespmem:s10], [sflag:$0x3] =	stream.linear.gather [hbm4b:s8+s17], $0x20, $0x38;
	(v2sf) =	vpush v1, $0xE;
	[tilespmem:$0x1BD80] =	vst v63  }
0x59: {  	s8 =	sadd.s32 s18, s9;
	s9 =	sand.u32 $0x1FFFFFFC, s11;
	s10 =	spop (v2sf)  }
0x5a: {  	[tilespmem:s7], [sflag:$0x3] =	stream.linear.gather [hbm4b:s8+s17], $0x20, $0x38;
	[tilespmem:$0x1BD80] =	vst v63  }
0x5b: {  	(v2sf) =	vpush v1, $0xF;
	s7 =	sadd.s32 $0x13F40, s0  }
.Ltmp0:
0x5c: {  	s8 =	sadd.s32 s18, s9;
	s9 =	sand.u32 $0x1FFFFFFC, s10;
	(pc) =	sbr.rel @p0 .LBB2_2-.Ltmp0, $4  }
0x5d: {  	[tilespmem:s7], [sflag:$0x3] =	stream.linear.gather [hbm4b:s8+s17], $0x20, $0x38;
	[tilespmem:$0x1BD80] =	vst v63  }
0x5e: {  	s9 =	sadd.s32 s18, s9;
	s8 =	sadd.s32 $0x13F80, s0;
	s7 =	sadd.s32 $0x14000, s0;
	v1 =	vld [tilespmem:s3+$0x0]  }
0x5f: {  	[tilespmem:s8], [sflag:$0x3] =	stream.linear.gather [hbm4b:s9+s17], $0x20, $0x38;
	[tilespmem:$0x1BD80] =	vst v63  }
0x60: {  	s4 =	sadd.s32 $0x1000, s4;
	s8 =	sadd.s32 $0x13FC0, s0;
	s9 =	spop (v2sf)  }
0x61: {  	_ = 	snop  }
0x62: {  	s3 =	sand.u32 $0x1FFFFFFC, s9;
	s4 =	spop (v2sf)  }
0x63: {  	s3 =	sadd.s32 s18, s3;
	s4 =	sand.u32 $0x1FFFFFFC, s4;
	s24 =	spop (v2sf);
	v1 =	vshll.u32 v1, $0x2  }
0x64: {  	[tilespmem:s8], [sflag:$0x3] =	stream.linear.gather [hbm4b:s3+s17], $0x20, $0x38;
	(v2sf) =	vpush v1, $0x0;
	[tilespmem:$0x1BD80] =	vst v63  }
0x65: {  	s25 =	sadd.s32 s18, s4;
	s26 =	sand.u32 $0x1FFFFFFC, s24;
	s28 =	spop (v2sf);
	(v2sf) =	vpush v1, $0x1  }
0x66: {  	[tilespmem:s7], [sflag:$0x3] =	stream.linear.gather [hbm4b:s25+s17], $0x20, $0x38;
	(v2sf) =	vpush v1, $0x2;
	[tilespmem:$0x1BD80] =	vst v63  }
0x67: {  	s29 =	sadd.s32 s18, s26;
	s30 =	sand.u32 $0x1FFFFFFC, s28;
	s31 =	spop (v2sf)  }
0x68: {  	[tilespmem:s6], [sflag:$0x3] =	stream.linear.gather [hbm4b:s29+s17], $0x20, $0x38;
	(v2sf) =	vpush v1, $0x3;
	[tilespmem:$0x1BD80] =	vst v63  }
0x69: {  	s4 =	sadd.s32 s18, s30;
	s7 =	spop (v2sf)  }
0x6a: {  	[tilespmem:s5], [sflag:$0x3] =	stream.linear.gather [hbm4b:s4+s17], $0x20, $0x38;
	[tilespmem:$0x1BD80] =	vst v63  }
0x6b: {  	s11 =	sadd.s32 $0x14100, s0;
	s1 =	sshra.s32 s1, $0x2;
	s14 =	sadd.s32 $0x14140, s0;
	(v2sf) =	vpush v1, $0x4  }
0x6c: {  	s0 =	sadd.s32 $0x140C0, s1;
	s16 =	sadd.s32 $0x13E40, s1;
	s6 =	sand.u32 $0x1FFFFFFC, s31  }
0x6d: {  	s8 =	sadd.s32 s18, s6;
	s9 =	sand.u32 $0x1FFFFFFC, s7;
	s10 =	spop (v2sf);
	(v2sf) =	vpush v1, $0x5  }
0x6e: {  	[tilespmem:s2], [sflag:$0x3] =	stream.linear.gather [hbm4b:s8+s17], $0x20, $0x38;
	[tilespmem:$0x1BD80] =	vst v63  }
0x6f: {  	s19 =	sadd.s32 $0x13E80, s1;
	s12 =	sadd.s32 s18, s9;
	s13 =	sand.u32 $0x1FFFFFFC, s10  }
0x70: {  	(v2sf) =	vpush v1, $0x6;
	[tilespmem:s11], [sflag:$0x3] =	stream.linear.gather [hbm4b:s12+s17], $0x20, $0x38;
	[tilespmem:$0x1BD80] =	vst v63  }
0x71: {  	s20 =	sadd.s32 $0x13EC0, s1;
	s21 =	sadd.s32 $0x13DC0, s1;
	s15 =	sadd.s32 s18, s13  }
0x72: {  	(v2sf) =	vpush v1, $0x7;
	[tilespmem:s14], [sflag:$0x3] =	stream.linear.gather [hbm4b:s15+s17], $0x20, $0x38;
	[tilespmem:$0x1BD80] =	vst v63  }
0x73: {  	s22 =	sadd.s32 $0x13E00, s1;
	s24 =	sadd.s32 $0x13D80, s1;
	s23 =	spop (v2sf)  }
0x74: {  	s2 =	sadd.s32 $0x13F00, s1;
	(v2sf) =	vpush v1, $0x8;
	s8 =	sand.u32 $0x1FFFFFFC, s23;
	s10 =	spop (v2sf)  }
0x75: {  	s8 =	sadd.s32 s18, s8;
	s10 =	sand.u32 $0x1FFFFFFC, s10;
	s11 =	spop (v2sf)  }
0x76: {  	(v2sf) =	vpush v1, $0x9;
	[tilespmem:s24], [sflag:$0x3] =	stream.linear.gather [hbm4b:s8+s17], $0x20, $0x38;
	[tilespmem:$0x1BD80] =	vst v63  }
0x77: {  	s25 =	sadd.s32 s18, s10;
	s26 =	sand.u32 $0x1FFFFFFC, s11;
	s28 =	spop (v2sf)  }
0x78: {  	(v2sf) =	vpush v1, $0xA;
	s29 =	sadd.s32 s18, s26;
	s30 =	sand.u32 $0x1FFFFFFC, s28;
	s26 =	sadd.s32 $0x13F80, s1  }
0x79: {  	[tilespmem:s21], [sflag:$0x3] =	stream.linear.gather [hbm4b:s25+s17], $0x20, $0x38;
	[tilespmem:$0x1BD80] =	vst v63  }
0x7a: {  	(v2sf) =	vpush v1, $0xB;
	s28 =	sadd.s32 $0x14080, s1;
	s8 =	sadd.s32 s18, s30;
	s31 =	spop (v2sf)  }
0x7b: {  	[tilespmem:s22], [sflag:$0x3] =	stream.linear.gather [hbm4b:s29+s17], $0x20, $0x38;
	[tilespmem:$0x1BD80] =	vst v63  }
0x7c: {  	(v2sf) =	vpush v1, $0xC;
	s25 =	sadd.s32 $0x14040, s1;
	s9 =	sand.u32 $0x1FFFFFFC, s31;
	s10 =	spop (v2sf)  }
0x7d: {  	s22 =	sadd.s32 $0x13F40, s1;
	s29 =	sadd.s32 $0x14000, s1;
	s31 =	sadd.s32 $0x13FC0, s1  }
0x7e: {  	(v2sf) =	vpush v1, $0xD;
	[tilespmem:s16], [sflag:$0x3] =	stream.linear.gather [hbm4b:s8+s17], $0x20, $0x38;
	[tilespmem:$0x1BD80] =	vst v63  }
0x7f: {  	s11 =	sadd.s32 s18, s9;
	s12 =	sand.u32 $0x1FFFFFFC, s10;
	s13 =	spop (v2sf)  }
0x80: {  	(v2sf) =	vpush v1, $0xE;
	[tilespmem:s19], [sflag:$0x3] =	stream.linear.gather [hbm4b:s11+s17], $0x20, $0x38;
	[tilespmem:$0x1BD80] =	vst v63  }
0x81: {  	s14 =	sadd.s32 s18, s12;
	s15 =	sand.u32 $0x1FFFFFFC, s13;
	s16 =	spop (v2sf)  }
0x82: {  	(v2sf) =	vpush v1, $0xF;
	[tilespmem:s20], [sflag:$0x3] =	stream.linear.gather [hbm4b:s14+s17], $0x20, $0x38;
	[tilespmem:$0x1BD80] =	vst v63  }
0x83: {  	s21 =	spop (v2sf);
	s19 =	sadd.s32 s18, s15;
	s20 =	sand.u32 $0x1FFFFFFC, s16  }
0x84: {  	[tilespmem:s2], [sflag:$0x3] =	stream.linear.gather [hbm4b:s19+s17], $0x20, $0x38;
	[tilespmem:$0x1BD80] =	vst v63  }
0x85: {  	s24 =	sand.u32 $0x1FFFFFFC, s21;
	s30 =	spop (v2sf);
	s23 =	sadd.s32 s18, s20  }
0x86: {  	[tilespmem:s22], [sflag:$0x3] =	stream.linear.gather [hbm4b:s23+s17], $0x20, $0x38;
	[tilespmem:$0x1BD80] =	vst v63  }
0x87: {  	s4 =	sadd.s32 s18, s24;
	s5 =	sand.u32 $0x1FFFFFFC, s30;
	s8 =	spop (v2sf)  }
0x88: {  	[tilespmem:s26], [sflag:$0x3] =	stream.linear.gather [hbm4b:s4+s17], $0x20, $0x38;
	[tilespmem:$0x1BD80] =	vst v63  }
0x89: {  	s5 =	sadd.s32 s18, s5;
	s7 =	sand.u32 $0x1FFFFFFC, s8;
	s9 =	spop (v2sf)  }
0x8a: {  	[tilespmem:s31], [sflag:$0x3] =	stream.linear.gather [hbm4b:s5+s17], $0x20, $0x38;
	[tilespmem:$0x1BD80] =	vst v63  }
0x8b: {  	s10 =	sadd.s32 s18, s7;
	s11 =	sand.u32 $0x1FFFFFFC, s9;
	s12 =	spop (v2sf)  }
0x8c: {  	[tilespmem:s29], [sflag:$0x3] =	stream.linear.gather [hbm4b:s10+s17], $0x20, $0x38;
	[tilespmem:$0x1BD80] =	vst v63  }
0x8d: {  	s13 =	sadd.s32 s18, s11;
	s14 =	sand.u32 $0x1FFFFFFC, s12;
	s15 =	spop (v2sf)  }
0x8e: {  	[tilespmem:s25], [sflag:$0x3] =	stream.linear.gather [hbm4b:s13+s17], $0x20, $0x38;
	[tilespmem:$0x1BD80] =	vst v63  }
0x8f: {  	s16 =	sadd.s32 s18, s14;
	s19 =	sand.u32 $0x1FFFFFFC, s15;
	s20 =	spop (v2sf)  }
0x90: {  	[tilespmem:s28], [sflag:$0x3] =	stream.linear.gather [hbm4b:s16+s17], $0x20, $0x38;
	[tilespmem:$0x1BD80] =	vst v63  }
0x91: {  	s21 =	sadd.s32 s18, s19;
	s22 =	sand.u32 $0x1FFFFFFC, s20;
	s23 =	spop (v2sf)  }
0x92: {  	[tilespmem:s0], [sflag:$0x3] =	stream.linear.gather [hbm4b:s21+s17], $0x20, $0x38;
	[tilespmem:$0x1BD80] =	vst v63  }
0x93: {  	s24 =	sadd.s32 $0x14100, s1;
	s26 =	sand.u32 $0x1FFFFFFC, s23;
	s25 =	sadd.s32 s18, s22  }
0x94: {  	[tilespmem:s24], [sflag:$0x3] =	stream.linear.gather [hbm4b:s25+s17], $0x20, $0x38;
	[tilespmem:$0x1BD80] =	vst v63  }
0x95: {  	s30 =	simm.s32 $0x1;
	s29 =	sadd.s32 s18, s26;
	s28 =	sadd.s32 $0x14140, s1  }
0x96: {  	[tilespmem:s28], [sflag:$0x3] =	stream.linear.gather [hbm4b:s29+s17], $0x20, $0x38;
	[tilespmem:$0x1BD80] =	vst v63  }
0x97: {  	_ =	swait.ge [sflag:s30], $0xBB80  }
0x98: {  	[sflag:s30] =	ssyncset.done $0x0  }
0x99: {  	[sflag:s30] =	ssyncadd.s32 $0xFFFF4480  }
0x9a: {  	[tilespmem:$0x0] =	vst v0  }
0x9b: {  	s31 =	simm.s32 $0x2;
	[tilespmem:$0x10] =	vst v0  }
0x9c: {  	_ =	swait.ge [sflag:s31], $0x8000  }
0x9d: {  	[sflag:s31] =	ssyncset.done $0x0  }
0x9e: {  	s1 =	simm.s32 $0xBBC0;
	[sflag:s31] =	ssyncadd.s32 $0xFFFF8000  }
0x9f: {  	v1 =	vld [tilespmem:s1+$0x30];
	_ =	sdelay $0x1  }
0xa0: {  	v2 =	vld [tilespmem:s1+$0x20];
	_ =	sdelay $0x2  }
0xa1: {  	(v2sf) =	vpush v1, $0x1  }
0xa2: {  	(v2sf) =	vpush v1, $0x0  }
0xa3: {  	(v2sf) =	vpush v2, $0xF  }
0xa4: {  	(v2sf) =	vpush v2, $0xE  }
0xa5: {  	(v2sf) =	vpush v2, $0xD  }
0xa6: {  	(v2sf) =	vpush v2, $0xC  }
0xa7: {  	(v2sf) =	vpush v2, $0xB  }
0xa8: {  	(v2sf) =	vpush v2, $0xA  }
0xa9: {  	(v2sf) =	vpush v2, $0x9  }
0xaa: {  	v1 =	vld [tilespmem:s1+$0x10];
	(v2sf) =	vpush v2, $0x8  }
0xab: {  	(v2sf) =	vpush v2, $0x7  }
0xac: {  	(v2sf) =	vpush v2, $0x6  }
0xad: {  	(v2sf) =	vpush v2, $0x5  }
0xae: {  	(v2sf) =	vpush v2, $0x4  }
0xaf: {  	(v2sf) =	vpush v1, $0xF  }
0xb0: {  	(v2sf) =	vpush v2, $0x3;
	s2 =	spop (v2sf)  }
0xb1: {  	(v2sf) =	vpush v1, $0xE;
	s3 =	spop (v2sf)  }
0xb2: {  	(v2sf) =	vpush v1, $0xD;
	s4 =	spop (v2sf)  }
0xb3: {  	(v2sf) =	vpush v2, $0x2;
	s9 =	spop (v2sf)  }
0xb4: {  	(v2sf) =	vpush v1, $0xC;
	s22 =	spop (v2sf)  }
0xb5: {  	(v2sf) =	vpush v1, $0xB;
	s26 =	spop (v2sf)  }
0xb6: {  	(v2sf) =	vpush v2, $0x1;
	s14 =	spop (v2sf)  }
0xb7: {  	s15 =	spop (v2sf)  }
0xb8: {  	[smem:$0x7DA] =	sst s14;
	(v2sf) =	vpush v1, $0xA;
	s16 =	spop (v2sf)  }
0xb9: {  	[smem:$0x7DD] =	sst s15;
	(v2sf) =	vpush v1, $0x9;
	s17 =	spop (v2sf)  }
0xba: {  	[smem:$0x7DF] =	sst s16;
	(v2sf) =	vpush v2, $0x0;
	s18 =	spop (v2sf)  }
0xbb: {  	[smem:$0x7DC] =	sst s17;
	s19 =	spop (v2sf)  }
0xbc: {  	(v2sf) =	vpush v1, $0x8;
	[smem:$0x7DB] =	sst s18;
	s20 =	spop (v2sf)  }
0xbd: {  	(v2sf) =	vpush v1, $0x7;
	[smem:$0x7D9] =	sst s19;
	s21 =	spop (v2sf)  }
0xbe: {  	(v2sf) =	vpush v1, $0x6;
	[smem:$0x7D8] =	sst s20;
	s23 =	spop (v2sf)  }
0xbf: {  	(v2sf) =	vpush v1, $0x5;
	[smem:$0x7E6] =	sst s21;
	s25 =	spop (v2sf)  }
0xc0: {  	(v2sf) =	vpush v1, $0x4;
	v8 =	vld [tilespmem:s1+$0x0];
	s28 =	spop (v2sf)  }
0xc1: {  	(v2sf) =	vpush v1, $0x3;
	[smem:$0x7E5] =	sst s25;
	s29 =	spop (v2sf)  }
0xc2: {  	(v2sf) =	vpush v1, $0x2;
	v36 =	vld [tilespmem:s1+$0xFFFFFFC0];
	s30 =	spop (v2sf)  }
0xc3: {  	(v2sf) =	vpush v1, $0x1;
	v19 =	vld [tilespmem:s1+$0xFFFFFFD0];
	[smem:$0x7E4] =	sst s30;
	s30 =	spop (v2sf)  }
0xc4: {  	(v2sf) =	vpush v1, $0x0;
	v18 =	vld [tilespmem:s1+$0xFFFFFFE0];
	s24 =	spop (v2sf)  }
0xc5: {  	(v2sf) =	vpush v8, $0xF;
	v16 =	vld [tilespmem:s1+$0xFFFFFFF0];
	[smem:$0x7E1] =	sst s23;
	s31 =	spop (v2sf)  }
0xc6: {  	(v2sf) =	vpush v8, $0xE;
	v1 =	vld [tilespmem:s23+$0x0];
	[smem:$0x7E3] =	sst s31  }
0xc7: {  	(v2sf) =	vpush v8, $0xD;
	s21 =	spop (v2sf);
	v35 =	vld [tilespmem:s23+$0x10];
	[smem:$0x7F1] =	sst s2  }
0xc8: {  	(v2sf) =	vpush v8, $0xC;
	s19 =	spop (v2sf);
	v4 =	vld [tilespmem:s2+$0x0]  }
0xc9: {  	(v2sf) =	vpush v8, $0xB;
	v33 =	vld [tilespmem:s2+$0x10];
	s20 =	spop (v2sf);
	[smem:$0x7E0] =	sst s28  }
0xca: {  	(v2sf) =	vpush v8, $0xA;
	[smem:$0x7E2] =	sst s20  }
0xcb: {  	s17 =	spop (v2sf);
	v2 =	vld [tilespmem:s28+$0x0];
	(v2sf) =	vpush v8, $0x9  }
0xcc: {  	v38 =	vld [tilespmem:s28+$0x10];
	s13 =	spop (v2sf);
	[smem:$0x7EE] =	sst s3;
	(v2sf) =	vpush v8, $0x8  }
0xcd: {  	v5 =	vld [tilespmem:s3+$0x0];
	s12 =	spop (v2sf);
	(v2sf) =	vpush v8, $0x7  }
0xce: {  	v37 =	vld [tilespmem:s3+$0x10];
	[smem:$0x7DE] =	sst s29;
	s31 =	spop (v2sf);
	(v2sf) =	vpush v8, $0x6  }
0xcf: {  	v3 =	vld [tilespmem:s29+$0x0];
	s28 =	spop (v2sf);
	(v2sf) =	vpush v8, $0x0  }
0xd0: {  	v39 =	vld [tilespmem:s29+$0x10];
	[smem:$0x7EC] =	sst s4;
	s23 =	spop (v2sf);
	(v2sf) =	vpush v8, $0x5  }
0xd1: {  	v7 =	vld [tilespmem:s4+$0x0];
	s16 =	spop (v2sf);
	(v2sf) =	vpush v8, $0x1  }
0xd2: {  	v40 =	vld [tilespmem:s4+$0x10];
	s15 =	spop (v2sf);
	(v2sf) =	vpush v8, $0x4  }
0xd3: {  	v6 =	vld [tilespmem:s30+$0x0];
	s11 =	spop (v2sf);
	(v2sf) =	vpush v8, $0x2  }
0xd4: {  	v41 =	vld [tilespmem:s30+$0x10];
	[smem:$0x7EA] =	sst s9;
	s10 =	spop (v2sf)  }
0xd5: {  	v10 =	vld [tilespmem:s9+$0x0];
	(v2sf) =	vpush v8, $0x3;
	s8 =	spop (v2sf)  }
0xd6: {  	v42 =	vld [tilespmem:s9+$0x10];
	s6 =	spop (v2sf)  }
0xd7: {  	v43 =	vld [tilespmem:s24+$0x10];
	s5 =	spop (v2sf)  }
0xd8: {  	v8 =	vld [tilespmem:s24+$0x0];
	[smem:$0x7E8] =	sst s22;
	s29 =	spop (v2sf)  }
0xd9: {  	v12 =	vld [tilespmem:s22+$0x0];
	s25 =	spop (v2sf)  }
0xda: {  	v44 =	vld [tilespmem:s22+$0x10];
	s18 =	spop (v2sf)  }
0xdb: {  	v9 =	vld [tilespmem:s21+$0x0];
	s14 =	spop (v2sf)  }
0xdc: {  	v45 =	vld [tilespmem:s21+$0x10];
	[smem:$0x7E7] =	sst s26;
	s9 =	spop (v2sf)  }
0xdd: {  	v14 =	vld [tilespmem:s26+$0x0];
	s7 =	spop (v2sf)  }
0xde: {  	v46 =	vld [tilespmem:s26+$0x10];
	s1 =	spop (v2sf)  }
0xdf: {  	v11 =	vld [tilespmem:s19+$0x0];
	s26 =	spop (v2sf)  }
0xe0: {  	v31 =	vld [tilespmem:s19+$0x10];
	s0 =	spop (v2sf)  }
0xe1: {  	v15 =	vld [tilespmem:s1+$0x10];
	[smem:$0x7F6] =	sst s1;
	s22 =	spop (v2sf)  }
0xe2: {  	v17 =	vld [tilespmem:s0+$0x10];
	[smem:$0x7F5] =	sst s0;
	s3 =	spop (v2sf)  }
0xe3: {  	v20 =	vld [tilespmem:s3+$0x10];
	[smem:$0x7F4] =	sst s3  }
0xe4: {  	s4 =	spop (v2sf);
	v13 =	vld [tilespmem:s17+$0x0]  }
0xe5: {  	v21 =	vld [tilespmem:s4+$0x10]  }
0xe6: {  	v32 =	vld [tilespmem:s17+$0x10]  }
0xe7: {  	v22 =	vld [tilespmem:s22+$0x10]  }
0xe8: {  	v23 =	vld [tilespmem:s26+$0x10]  }
0xe9: {  	v25 =	vld [tilespmem:s7+$0x10]  }
0xea: {  	v24 =	vadd.f32 $0.0e+00, v15;
	v15 =	vld [tilespmem:s13+$0x0]  }
0xeb: {  	v26 =	vld [tilespmem:s14+$0x10]  }
0xec: {  	v61 =	vld [tilespmem:s18+$0x10]  }
0xed: {  	v27 =	vld [tilespmem:s25+$0x10]  }
0xee: {  	v28 =	vld [tilespmem:s29+$0x10]  }
0xef: {  	v34 =	vld [tilespmem:s12+$0x10]  }
0xf0: {  	v62 =	vld [tilespmem:s5+$0x10];
	v17 =	vadd.f32 v17, v24  }
0xf1: {  	p0 =	slt.s32 s1, $0x1;
	p1 =	slt.s32 s0, $0x1;
	s0 =	smov.u32 s0;
	v63 =	vld [tilespmem:s6+$0x10]  }
0xf2: {  	s1 =	simm.s32 @!p0 $0x1;
	s0 =	simm.s32 @!p1 $0x1;
	p0 =	slt.s32 s3, $0x1;
	v47 =	vld [tilespmem:s8+$0x10];
	v17 =	vadd.f32 v20, v17  }
0xf3: {  	s2 =	smov.u32 s3;
	s0 =	sadd.s32 s0, s1;
	s1 =	sld [smem:$0x7E3];
	v48 =	vld [tilespmem:s20+$0x10]  }
0xf4: {  	s3 =	sld [smem:$0x7E4];
	v49 =	vld [tilespmem:s10+$0x10];
	s2 =	simm.s32 @!p0 $0x1;
	v21 =	vadd.f32 v21, v17  }
0xf5: {  	p0 =	slt.s32 s4, $0x1;
	s0 =	sadd.s32 s2, s0;
	s2 =	smov.u32 s22;
	v24 =	vld [tilespmem:s9+$0x10]  }
0xf6: {  	v17 =	vld [tilespmem:s12+$0x0];
	[smem:$0x7F3] =	sst s4;
	s4 =	simm.s32 @!p0 $0x1;
	p0 =	slt.s32 s22, $0x1;
	v21 =	vadd.f32 v22, v21  }
0xf7: {  	v50 =	vld [tilespmem:s1+$0x10];
	[smem:$0x7F2] =	sst s22;
	s0 =	sadd.s32 s4, s0;
	s2 =	simm.s32 @!p0 $0x1  }
0xf8: {  	p0 =	slt.s32 s26, $0x1;
	s1 =	smov.u32 s26;
	s4 =	sld [smem:$0x7E5];
	v21 =	vadd.f32 v23, v21  }
0xf9: {  	v51 =	vld [tilespmem:s11+$0x10];
	[smem:$0x7F0] =	sst s26;
	s0 =	sadd.s32 s2, s0;
	s1 =	simm.s32 @!p0 $0x1  }
0xfa: {  	p0 =	slt.s32 s7, $0x1;
	s2 =	smov.u32 s25;
	v52 =	vld [tilespmem:s3+$0x10];
	[smem:$0x7EF] =	sst s7;
	v21 =	vadd.f32 v25, v21  }
0xfb: {  	s0 =	sadd.s32 s1, s0;
	s7 =	simm.s32 @!p0 $0x1;
	p0 =	slt.s32 s9, $0x1  }
0xfc: {  	v53 =	vld [tilespmem:s15+$0x10];
	[smem:$0x7ED] =	sst s9;
	s0 =	sadd.s32 s7, s0;
	s9 =	simm.s32 @!p0 $0x1;
	v21 =	vadd.f32 v24, v21  }
0xfd: {  	p0 =	slt.s32 s14, $0x1;
	v54 =	vld [tilespmem:s4+$0x10];
	[smem:$0x7EB] =	sst s14;
	s0 =	sadd.s32 s9, s0  }
0xfe: {  	s14 =	simm.s32 @!p0 $0x1;
	p0 =	slt.s32 s18, $0x1;
	v55 =	vld [tilespmem:s16+$0x10];
	[smem:$0x7E9] =	sst s18;
	v21 =	vadd.f32 v26, v21  }
0xff: {  	s0 =	sadd.s32 s14, s0;
	s18 =	simm.s32 @!p0 $0x1;
	p0 =	slt.s32 s25, $0x1  }
0x100: {  	s0 =	sadd.s32 s18, s0;
	s2 =	simm.s32 @!p0 $0x1;
	v20 =	vadd.f32 v61, v21  }
0x101: {  	s1 =	smov.u32 s29;
	v56 =	vld [tilespmem:s23+$0x10];
	p0 =	slt.s32 s29, $0x1;
	s0 =	sadd.s32 s2, s0  }
0x102: {  	v57 =	vld [tilespmem:s28+$0x10];
	s1 =	simm.s32 @!p0 $0x1;
	p0 =	slt.s32 s5, $0x1;
	s2 =	smov.u32 s5;
	v20 =	vadd.f32 v27, v20  }
0x103: {  	v30 =	vld [tilespmem:s6+$0x0];
	s2 =	simm.s32 @!p0 $0x1;
	p0 =	slt.s32 s6, $0x1  }
0x104: {  	v29 =	vld [tilespmem:s8+$0x0];
	s6 =	simm.s32 @!p0 $0x1;
	p0 =	slt.s32 s8, $0x1;
	v20 =	vadd.f32 v28, v20  }
0x105: {  	v25 =	vld [tilespmem:s15+$0x0];
	s8 =	simm.s32 @!p0 $0x1;
	p0 =	slt.s32 s10, $0x1  }
0x106: {  	v28 =	vld [tilespmem:s10+$0x0];
	s10 =	simm.s32 @!p0 $0x1;
	p0 =	slt.s32 s11, $0x1;
	v20 =	vadd.f32 v62, v20  }
0x107: {  	v26 =	vld [tilespmem:s11+$0x0];
	s11 =	simm.s32 @!p0 $0x1;
	p0 =	slt.s32 s15, $0x1  }
0x108: {  	v23 =	vld [tilespmem:s23+$0x0];
	s15 =	simm.s32 @!p0 $0x1;
	p0 =	slt.s32 s16, $0x1;
	v20 =	vadd.f32 v63, v20  }
0x109: {  	s9 =	sld [smem:$0x7E6];
	v24 =	vld [tilespmem:s16+$0x0];
	s16 =	simm.s32 @!p0 $0x1;
	p0 =	slt.s32 s23, $0x1  }
0x10a: {  	v59 =	vadd.f32 $0.0e+00, v48;
	v48 =	vld [tilespmem:s31+$0x10];
	s0 =	sadd.s32 s1, s0;
	s23 =	simm.s32 @!p0 $0x1;
	p0 =	slt.s32 s28, $0x1;
	v20 =	vadd.f32 v47, v20  }
0x10b: {  	s1 =	sld [smem:$0x7DE];
	v21 =	vld [tilespmem:s28+$0x0];
	s28 =	simm.s32 @!p0 $0x1;
	p0 =	slt.s32 s31, $0x1  }
0x10c: {  	s0 =	sadd.s32 s2, s0;
	v60 =	vadd.f32 v49, v20;
	v20 =	vld [tilespmem:s31+$0x0];
	s31 =	simm.s32 @!p0 $0x1;
	p0 =	slt.s32 s12, $0x1  }
0x10d: {  	s0 =	sadd.s32 s6, s0;
	s12 =	simm.s32 @!p0 $0x1;
	p0 =	slt.s32 s13, $0x1  }
0x10e: {  	s0 =	sadd.s32 s8, s0;
	v63 =	vld [tilespmem:s13+$0x10];
	s13 =	simm.s32 @!p0 $0x1;
	p0 =	slt.s32 s17, $0x1  }
0x10f: {  	s0 =	sadd.s32 s10, s0;
	s17 =	simm.s32 @!p0 $0x1;
	p0 =	slt.s32 s19, $0x1  }
0x110: {  	s0 =	sadd.s32 s11, s0;
	s19 =	simm.s32 @!p0 $0x1;
	p0 =	slt.s32 s21, $0x1  }
0x111: {  	s0 =	sadd.s32 s15, s0;
	s21 =	simm.s32 @!p0 $0x1;
	p0 =	slt.s32 s24, $0x1  }
0x112: {  	s0 =	sadd.s32 s16, s0;
	s24 =	simm.s32 @!p0 $0x1;
	p0 =	slt.s32 s30, $0x1  }
0x113: {  	s0 =	sadd.s32 s23, s0;
	s30 =	simm.s32 @!p0 $0x1;
	p0 =	slt.s32 s1, $0x1  }
0x114: {  	s14 =	sld [smem:$0x7D8];
	s0 =	sadd.s32 s28, s0;
	s1 =	simm.s32 @!p0 $0x1  }
0x115: {  	v61 =	vadd.f32 v50, v59;
	s0 =	sadd.s32 s31, s0;
	s31 =	smov.u32 s1;
	s1 =	sld [smem:$0x7E0]  }
0x116: {  	v27 =	vld [tilespmem:s9+$0x10];
	s0 =	sadd.s32 s12, s0  }
0x117: {  	s15 =	sld [smem:$0x7D9];
	v47 =	vadd.f32 v52, v61;
	v22 =	vadd.f32 v51, v60;
	s0 =	sadd.s32 s13, s0  }
0x118: {  	v62 =	vld [tilespmem:s14+$0x10];
	s0 =	sadd.s32 s17, s0;
	p0 =	slt.s32 s1, $0x1  }
0x119: {  	s18 =	sld [smem:$0x7DB];
	v47 =	vadd.f32 v54, v47;
	v51 =	vadd.f32 v53, v22;
	s0 =	sadd.s32 s19, s0;
	s1 =	simm.s32 @!p0 $0x1  }
0x11a: {  	v58 =	vld [tilespmem:s15+$0x10];
	s0 =	sadd.s32 s21, s0;
	s10 =	smov.u32 s1;
	s1 =	sld [smem:$0x7E1]  }
0x11b: {  	v27 =	vadd.f32 v27, v47;
	v51 =	vadd.f32 v55, v51;
	s0 =	sadd.s32 s24, s0  }
0x11c: {  	v59 =	vld [tilespmem:s18+$0x10];
	s0 =	sadd.s32 s30, s0  }
0x11d: {  	s22 =	sld [smem:$0x7E2];
	v49 =	vadd.f32 v62, v27;
	v51 =	vadd.f32 v56, v51;
	s0 =	sadd.s32 s31, s0;
	p0 =	slt.s32 s1, $0x1  }
0x11e: {  	s26 =	sld [smem:$0x7E3];
	s0 =	sadd.s32 s10, s0;
	s1 =	simm.s32 @!p0 $0x1  }
0x11f: {  	v49 =	vadd.f32 v58, v49;
	v51 =	vadd.f32 v57, v51;
	s0 =	sadd.s32 s1, s0;
	s1 =	sld [smem:$0x7E4]  }
0x120: {  	p0 =	slt.s32 s22, $0x1  }
0x121: {  	v47 =	vadd.f32 v59, v49;
	v49 =	vld [tilespmem:s22+$0x0];
	v48 =	vadd.f32 v48, v51;
	s22 =	simm.s32 @!p0 $0x1;
	p0 =	slt.s32 s26, $0x1  }
0x122: {  	v51 =	vld [tilespmem:s26+$0x0];
	s0 =	sadd.s32 s22, s0;
	s26 =	simm.s32 @!p0 $0x1;
	p0 =	slt.s32 s1, $0x1  }
0x123: {  	s2 =	sld [smem:$0x7E5];
	v34 =	vadd.f32 v34, v48;
	s0 =	sadd.s32 s26, s0;
	v48 =	vld [tilespmem:s1+$0x0];
	s1 =	simm.s32 @!p0 $0x1  }
0x124: {  	s0 =	sadd.s32 s1, s0;
	s1 =	sld [smem:$0x7E6];
	_ =	sdelay $0x1  }
0x125: {  	s23 =	sld [smem:$0x7DC];
	p0 =	slt.s32 s2, $0x1  }
0x126: {  	s28 =	sld [smem:$0x7DD];
	v54 =	vld [tilespmem:s2+$0x0];
	s2 =	simm.s32 @!p0 $0x1;
	p0 =	slt.s32 s1, $0x1  }
0x127: {  	s30 =	sld [smem:$0x7DF];
	v34 =	vadd.f32 v63, v34;
	s0 =	sadd.s32 s2, s0;
	v63 =	vld [tilespmem:s1+$0x0];
	s1 =	simm.s32 @!p0 $0x1  }
0x128: {  	s2 =	smov.u32 s14;
	p0 =	slt.s32 s14, $0x1;
	s0 =	sadd.s32 s1, s0  }
0x129: {  	s2 =	simm.s32 @!p0 $0x1;
	s1 =	smov.u32 s15;
	p0 =	slt.s32 s15, $0x1  }
0x12a: {  	s3 =	smov.u32 s23;
	s0 =	sadd.s32 s2, s0;
	s1 =	simm.s32 @!p0 $0x1  }
0x12b: {  	s2 =	smov.u32 s18;
	p0 =	slt.s32 s18, $0x1;
	s0 =	sadd.s32 s1, s0  }
0x12c: {  	(v2sf) =	vpush v36, $0x0;
	s2 =	simm.s32 @!p0 $0x1;
	p0 =	slt.s32 s23, $0x1;
	s1 =	smov.u32 s30  }
0x12d: {  	(v2sf) =	vpush v36, $0x1;
	s0 =	sadd.s32 s2, s0;
	s3 =	simm.s32 @!p0 $0x1;
	p0 =	slt.s32 s30, $0x1  }
0x12e: {  	(v2sf) =	vpush v36, $0x2;
	s16 =	sld [smem:$0x7DA];
	v60 =	vld [tilespmem:s23+$0x10];
	s0 =	sadd.s32 s3, s0;
	s1 =	simm.s32 @!p0 $0x1  }
0x12f: {  	(v2sf) =	vpush v36, $0x3;
	p0 =	slt.s32 s28, $0x1;
	s11 =	smov.u32 s1;
	s1 =	smov.u32 s28  }
0x130: {  	(v2sf) =	vpush v36, $0x4;
	v61 =	vld [tilespmem:s30+$0x10];
	s0 =	sadd.s32 s11, s0;
	s1 =	simm.s32 @!p0 $0x1  }
0x131: {  	(v2sf) =	vpush v36, $0x5;
	p0 =	slt.s32 s16, $0x1;
	s12 =	smov.u32 s1;
	s1 =	smov.u32 s16  }
0x132: {  	(v2sf) =	vpush v36, $0x6;
	v62 =	vld [tilespmem:s28+$0x10];
	s2 =	sld [smem:$0x7E7];
	s0 =	sadd.s32 s12, s0;
	s1 =	simm.s32 @!p0 $0x1  }
0x133: {  	v47 =	vadd.f32 v60, v47;
	s0 =	sadd.s32 s1, s0;
	s1 =	sld [smem:$0x7E8]  }
0x134: {  	(v2sf) =	vpush v36, $0x7;
	s13 =	sld [smem:$0x7E9];
	v53 =	vld [tilespmem:s16+$0x10]  }
0x135: {  	(v2sf) =	vpush v36, $0x8;
	s17 =	sld [smem:$0x7ED];
	v47 =	vadd.f32 v61, v47;
	p0 =	slt.s32 s2, $0x1  }
0x136: {  	(v2sf) =	vpush v36, $0x9;
	s19 =	sld [smem:$0x7EF];
	v32 =	vadd.f32 v32, v34;
	s2 =	simm.s32 @!p0 $0x1;
	p0 =	slt.s32 s1, $0x1  }
0x137: {  	(v2sf) =	vpush v36, $0xA;
	v52 =	vld [tilespmem:s14+$0x0];
	s24 =	sld [smem:$0x7F3];
	v47 =	vadd.f32 v62, v47;
	s1 =	simm.s32 @!p0 $0x1  }
0x138: {  	v22 =	vld [tilespmem:s16+$0x0];
	v60 =	vadd.f32 v31, v32;
	s14 =	smov.u32 s1;
	s1 =	sld [smem:$0x7EA]  }
0x139: {  	v27 =	vld [tilespmem:s28+$0x0];
	v47 =	vadd.f32 v53, v47;
	s22 =	sld [smem:$0x7F2]  }
0x13a: {  	s20 =	smov.u32 s5;
	(v2sf) =	vpush v36, $0xB;
	v32 =	vld [tilespmem:s23+$0x0];
	s26 =	sld [smem:$0x7F4];
	v61 =	vadd.f32 v45, v60  }
0x13b: {  	s21 =	spop (v2sf);
	v46 =	vadd.f32 v46, v47;
	v45 =	vld [tilespmem:s20+$0x0];
	s20 =	sld [smem:$0x7F0];
	p0 =	slt.s32 s1, $0x1  }
0x13c: {  	v62 =	vadd.f32 v43, v61;
	v43 =	vld [tilespmem:s29+$0x0];
	s29 =	sld [smem:$0x7F5];
	s23 =	spop (v2sf);
	s1 =	simm.s32 @!p0 $0x1  }
0x13d: {  	v46 =	vadd.f32 v44, v46;
	v44 =	vld [tilespmem:s25+$0x0];
	s25 =	spop (v2sf);
	s16 =	smov.u32 s1;
	s1 =	sld [smem:$0x7EC]  }
0x13e: {  	v55 =	vld [tilespmem:s15+$0x0];
	s15 =	sld [smem:$0x7EB];
	s28 =	spop (v2sf)  }
0x13f: {  	(v2sf) =	vpush v36, $0xC;
	v31 =	vld [tilespmem:s30+$0x0];
	s4 =	smov.u32 s23;
	s30 =	sld [smem:$0x7F6];
	s31 =	spop (v2sf)  }
0x140: {  	s3 =	smov.u32 s21;
	s6 =	spop (v2sf);
	p0 =	slt.s32 s1, $0x1  }
0x141: {  	v47 =	vadd.f32 v41, v62;
	v41 =	vld [tilespmem:s13+$0x0];
	s5 =	smov.u32 s25;
	s13 =	spop (v2sf);
	s1 =	simm.s32 @!p0 $0x1  }
0x142: {  	(v2sf) =	vpush v36, $0xD;
	v34 =	vld [tilespmem:s18+$0x0];
	s0 =	sadd.s32 s2, s0;
	s18 =	smov.u32 s1;
	s1 =	sld [smem:$0x7EE]  }
0x143: {  	(v2sf) =	vpush v36, $0xE;
	v56 =	vld [tilespmem:s21+$0x0];
	v49 =	vadd.f32 $0.0e+00, v49;
	s12 =	sld [smem:$0x7F1];
	s0 =	sadd.s32 s14, s0;
	s14 =	spop (v2sf)  }
0x144: {  	(v2sf) =	vpush v36, $0xF;
	v57 =	vld [tilespmem:s21+$0x10];
	v47 =	vadd.f32 v39, v47;
	s10 =	smov.u32 s6;
	s0 =	sadd.s32 s16, s0;
	s16 =	spop (v2sf)  }
0x145: {  	v49 =	vadd.f32 v51, v49;
	v46 =	vadd.f32 v42, v46;
	v39 =	vld [tilespmem:s17+$0x0];
	s11 =	smov.u32 s14;
	s17 =	spop (v2sf);
	p0 =	slt.s32 s1, $0x1  }
0x146: {  	v47 =	vadd.f32 v38, v47;
	v38 =	vld [tilespmem:s20+$0x0];
	s20 =	spop (v2sf);
	s1 =	simm.s32 @!p0 $0x1;
	p0 =	slt.s32 s12, $0x1  }
0x147: {  	v48 =	vadd.f32 v48, v49;
	v49 =	vld [tilespmem:s26+$0x0];
	v46 =	vadd.f32 v40, v46;
	s8 =	smov.u32 s17;
	s12 =	simm.s32 @!p0 $0x1;
	p0 =	slt.s32 s21, $0x1  }
0x148: {  	(v2sf) =	vpush v19, $0x0;
	v40 =	vld [tilespmem:s19+$0x0];
	s0 =	sadd.s32 s18, s0;
	s3 =	simm.s32 @!p0 $0x1;
	p0 =	slt.s32 s23, $0x1  }
0x149: {  	(v2sf) =	vpush v19, $0x1;
	v37 =	vadd.f32 v37, v46;
	v46 =	vld [tilespmem:s24+$0x0];
	s1 =	sadd.s32 s1, s0;
	s21 =	spop (v2sf);
	s4 =	simm.s32 @!p0 $0x1  }
0x14a: {  	(v2sf) =	vpush v19, $0x2;
	v48 =	vadd.f32 v54, v48;
	v42 =	vld [tilespmem:s15+$0x0];
	s1 =	sadd.s32 s12, s1;
	p0 =	slt.s32 s25, $0x1;
	s3 =	sadd.s32 s4, s3  }
0x14b: {  	v35 =	vadd.f32 v35, v47;
	v47 =	vld [tilespmem:s29+$0x0];
	s5 =	simm.s32 @!p0 $0x1;
	p0 =	slt.s32 s28, $0x1;
	s4 =	smov.u32 s28  }
0x14c: {  	(v2sf) =	vpush v19, $0x3;
	v48 =	vadd.f32 v63, v48;
	v63 =	vld [tilespmem:s30+$0x0];
	s12 =	smov.u32 s20;
	s5 =	sadd.s32 s5, s3;
	s4 =	simm.s32 @!p0 $0x1  }
0x14d: {  	v58 =	vld [tilespmem:s23+$0x0];
	p0 =	slt.s32 s31, $0x1;
	s4 =	sadd.s32 s4, s5;
	s5 =	smov.u32 s31  }
0x14e: {  	v59 =	vld [tilespmem:s23+$0x10];
	s24 =	spop (v2sf);
	s5 =	simm.s32 @!p0 $0x1;
	p0 =	slt.s32 s6, $0x1  }
0x14f: {  	v51 =	vadd.f32 $0.0e+00, v57;
	v60 =	vld [tilespmem:s25+$0x0];
	s7 =	smov.u32 s24;
	s4 =	sadd.s32 s5, s4;
	s10 =	simm.s32 @!p0 $0x1  }
0x150: {  	(v2sf) =	vpush v19, $0x4;
	v33 =	vadd.f32 v33, v37;
	v62 =	vld [tilespmem:s28+$0x0];
	p0 =	slt.s32 s13, $0x1;
	s15 =	sadd.s32 s10, s4;
	s10 =	smov.u32 s13  }
0x151: {  	v48 =	vadd.f32 v52, v48;
	v50 =	vadd.f32 $0.0e+00, v63;
	v63 =	vld [tilespmem:s28+$0x10];
	s28 =	spop (v2sf);
	s10 =	simm.s32 @!p0 $0x1;
	p0 =	slt.s32 s14, $0x1  }
0x152: {  	v37 =	vadd.f32 $0.0e+00, v56;
	v61 =	vld [tilespmem:s25+$0x10];
	v33 =	vadd.f32 v33, v35;
	s29 =	spop (v2sf);
	s19 =	sadd.s32 s10, s15;
	s11 =	simm.s32 @!p0 $0x1  }
0x153: {  	(v2sf) =	vpush v19, $0x5;
	v35 =	vadd.f32 v55, v48;
	v56 =	vld [tilespmem:s31+$0x0];
	p0 =	slt.s32 s16, $0x1;
	s9 =	sadd.s32 s11, s19;
	s11 =	smov.u32 s16  }
0x154: {  	v57 =	vld [tilespmem:s31+$0x10];
	(v2sf) =	vpush v19, $0x6;
	v37 =	vadd.f32 v58, v37;
	s31 =	spop (v2sf);
	s11 =	simm.s32 @!p0 $0x1;
	p0 =	slt.s32 s17, $0x1  }
0x155: {  	v48 =	vadd.f32 v59, v51;
	v47 =	vadd.f32 v47, v50;
	s9 =	sadd.s32 s11, s9;
	s8 =	simm.s32 @!p0 $0x1;
	p0 =	slt.s32 s20, $0x1  }
0x156: {  	v36 =	vld [tilespmem:s22+$0x0];
	(v2sf) =	vpush v19, $0x7;
	v37 =	vadd.f32 v60, v37;
	s8 =	sadd.s32 s8, s9;
	s12 =	simm.s32 @!p0 $0x1;
	p0 =	slt.s32 s21, $0x1  }
0x157: {  	v48 =	vadd.f32 v61, v48;
	v47 =	vadd.f32 v49, v47;
	s9 =	spop (v2sf);
	s26 =	sadd.s32 s12, s8;
	s8 =	smov.u32 s21  }
0x158: {  	(v2sf) =	vpush v19, $0x8;
	v37 =	vadd.f32 v62, v37;
	v62 =	vld [tilespmem:s14+$0x0];
	s3 =	scvt.s32.f32 s1;
	s18 =	spop (v2sf);
	s8 =	simm.s32 @!p0 $0x1  }
0x159: {  	v48 =	vadd.f32 v63, v48;
	v63 =	vld [tilespmem:s14+$0x10];
	v46 =	vadd.f32 v46, v47;
	p0 =	slt.s32 s24, $0x1;
	s23 =	spop (v2sf);
	s14 =	smov.u32 s18  }
0x15a: {  	(v2sf) =	vpush v18, $0x0;
	v54 =	vld [tilespmem:s17+$0x0];
	s1 =	sadd.s32 s8, s26;
	s7 =	simm.s32 @!p0 $0x1;
	p0 =	slt.s32 s28, $0x1  }
0x15b: {  	v36 =	vadd.f32 v36, v46;
	v55 =	vld [tilespmem:s17+$0x10];
	s8 =	smov.u32 s28;
	s17 =	spop (v2sf);
	s1 =	sadd.s32 s7, s1  }
0x15c: {  	(v2sf) =	vpush v19, $0x9;
	s8 =	simm.s32 @!p0 $0x1;
	p0 =	slt.s32 s29, $0x1;
	s7 =	smov.u32 s29  }
0x15d: {  	v58 =	vld [tilespmem:s6+$0x0];
	(v2sf) =	vpush v19, $0xA;
	v36 =	vadd.f32 v38, v36;
	s4 =	smov.u32 s23;
	s30 =	sadd.s32 s8, s1;
	s7 =	simm.s32 @!p0 $0x1  }
0x15e: {  	v59 =	vld [tilespmem:s6+$0x10];
	p0 =	slt.s32 s31, $0x1;
	s8 =	smov.u32 s31;
	s6 =	sadd.s32 s7, s30  }
0x15f: {  	(v2sf) =	vpush v18, $0x1;
	v36 =	vadd.f32 v40, v36;
	s8 =	simm.s32 @!p0 $0x1;
	p0 =	slt.s32 s9, $0x1;
	s7 =	smov.u32 s9  }
0x160: {  	v60 =	vld [tilespmem:s13+$0x0];
	s15 =	smov.u32 s17;
	s22 =	sadd.s32 s8, s6;
	s7 =	simm.s32 @!p0 $0x1  }
0x161: {  	(v2sf) =	vpush v19, $0xB;
	v52 =	vld [tilespmem:s16+$0x0];
	v36 =	vadd.f32 v39, v36;
	p0 =	slt.s32 s18, $0x1;
	s6 =	spop (v2sf);
	s5 =	sadd.s32 s7, s22  }
0x162: {  	v37 =	vadd.f32 v56, v37;
	v53 =	vld [tilespmem:s16+$0x10];
	s14 =	simm.s32 @!p0 $0x1;
	p0 =	slt.s32 s23, $0x1;
	s16 =	smov.u32 s6  }
0x163: {  	v36 =	vadd.f32 v42, v36;
	(v2sf) =	vpush v19, $0xC;
	s14 =	sadd.s32 s14, s5;
	s4 =	simm.s32 @!p0 $0x1;
	s5 =	spop (v2sf)  }
0x164: {  	v37 =	vadd.f32 v58, v37;
	v48 =	vadd.f32 v57, v48;
	p0 =	slt.s32 s17, $0x1;
	s14 =	sadd.s32 s4, s14;
	s4 =	spop (v2sf)  }
0x165: {  	v61 =	vld [tilespmem:s13+$0x10];
	v36 =	vadd.f32 v41, v36;
	(v2sf) =	vpush v18, $0x2;
	s15 =	simm.s32 @!p0 $0x1;
	p0 =	slt.s32 s6, $0x1;
	s2 =	spop (v2sf)  }
0x166: {  	v37 =	vadd.f32 v60, v37;
	(v2sf) =	vpush v19, $0xD;
	s25 =	sadd.s32 s15, s14;
	s16 =	simm.s32 @!p0 $0x1;
	p0 =	slt.s32 s5, $0x1  }
0x167: {  	v36 =	vadd.f32 v44, v36;
	(v2sf) =	vpush v19, $0xE;
	s14 =	smov.u32 s5;
	s15 =	smov.u32 s4;
	s19 =	spop (v2sf)  }
0x168: {  	v47 =	vadd.f32 v59, v48;
	v37 =	vadd.f32 v62, v37;
	s10 =	sadd.s32 s16, s25;
	s14 =	simm.s32 @!p0 $0x1;
	p0 =	slt.s32 s4, $0x1  }
0x169: {  	v56 =	vld [tilespmem:s20+$0x0];
	v36 =	vadd.f32 v43, v36;
	(v2sf) =	vpush v18, $0x3;
	s26 =	spop (v2sf);
	s10 =	sadd.s32 s14, s10;
	s15 =	simm.s32 @!p0 $0x1  }
0x16a: {  	v46 =	vadd.f32 v61, v47;
	v59 =	vld [tilespmem:s21+$0x0];
	(v2sf) =	vpush v19, $0xF;
	p0 =	slt.s32 s2, $0x1;
	s14 =	smov.u32 s2;
	s12 =	smov.u32 s19  }
0x16b: {  	v60 =	vld [tilespmem:s21+$0x10];
	v36 =	vadd.f32 v45, v36;
	s21 =	spop (v2sf);
	s10 =	sadd.s32 s15, s10;
	s14 =	simm.s32 @!p0 $0x1  }
0x16c: {  	v57 =	vld [tilespmem:s20+$0x10];
	v38 =	vadd.f32 v63, v46;
	v37 =	vadd.f32 v52, v37;
	p0 =	slt.s32 s19, $0x1;
	s20 =	spop (v2sf);
	s10 =	sadd.s32 s14, s10  }
0x16d: {  	v61 =	vld [tilespmem:s24+$0x0];
	v30 =	vadd.f32 v30, v36;
	(v2sf) =	vpush v18, $0x4;
	p1 =	slt.s32 s21, $0x1;
	s12 =	simm.s32 @!p0 $0x1;
	s13 =	smov.u32 s21  }
0x16e: {  	v37 =	vadd.f32 v54, v37;
	v62 =	vld [tilespmem:s24+$0x10];
	(v2sf) =	vpush v18, $0x5;
	p0 =	slt.s32 s20, $0x1;
	s14 =	spop (v2sf);
	s12 =	sadd.s32 s12, s10  }
0x16f: {  	v63 =	vld [tilespmem:s28+$0x0];
	v29 =	vadd.f32 v29, v30;
	s13 =	simm.s32 @!p1 $0x1;
	s15 =	smov.u32 s20;
	s10 =	smov.u32 s26  }
0x170: {  	v58 =	vadd.f32 v53, v38;
	v37 =	vadd.f32 v56, v37;
	v46 =	vld [tilespmem:s28+$0x10];
	s15 =	simm.s32 @!p0 $0x1;
	p0 =	slt.s32 s26, $0x1;
	s24 =	spop (v2sf)  }
0x171: {  	v47 =	vld [tilespmem:s29+$0x0];
	v28 =	vadd.f32 v28, v29;
	(v2sf) =	vpush v18, $0x6;
	s28 =	sadd.s32 s13, s12;
	p1 =	slt.s32 s24, $0x1;
	s10 =	simm.s32 @!p0 $0x1  }
0x172: {  	v48 =	vld [tilespmem:s29+$0x10];
	v37 =	vadd.f32 v59, v37;
	v19 =	vadd.f32 v55, v58;
	s12 =	smov.u32 s24;
	s29 =	sadd.s32 s15, s28;
	s25 =	spop (v2sf)  }
0x173: {  	v26 =	vadd.f32 v26, v28;
	(v2sf) =	vpush v18, $0x7;
	v54 =	vld [tilespmem:s14+$0x0];
	p0 =	slt.s32 s14, $0x1;
	s12 =	simm.s32 @!p1 $0x1;
	p1 =	slt.s32 s25, $0x1  }
0x174: {  	v19 =	vadd.f32 v57, v19;
	(v2sf) =	vpush v18, $0x8;
	v55 =	vld [tilespmem:s14+$0x10];
	s11 =	smov.u32 s25;
	s13 =	spop (v2sf);
	s14 =	simm.s32 @!p0 $0x1  }
0x175: {  	v37 =	vadd.f32 v61, v37;
	v25 =	vadd.f32 v25, v26;
	s1 =	sadd.s32 s12, s29;
	s11 =	simm.s32 @!p1 $0x1;
	s22 =	spop (v2sf)  }
0x176: {  	v19 =	vadd.f32 v60, v19;
	(v2sf) =	vpush v18, $0x9;
	p0 =	slt.s32 s13, $0x1;
	v60 =	vld [tilespmem:s13+$0x0];
	s11 =	sadd.s32 s11, s1;
	s1 =	spop (v2sf)  }
0x177: {  	v24 =	vadd.f32 v24, v25;
	(v2sf) =	vpush v18, $0xA;
	v61 =	vld [tilespmem:s13+$0x10];
	p1 =	slt.s32 s22, $0x1;
	s12 =	smov.u32 s22;
	s13 =	simm.s32 @!p0 $0x1  }
0x178: {  	v51 =	vld [tilespmem:s31+$0x0];
	(v2sf) =	vpush v18, $0xB;
	s30 =	spop (v2sf);
	s12 =	simm.s32 @!p1 $0x1;
	p1 =	slt.s32 s1, $0x1  }
0x179: {  	v56 =	vld [tilespmem:s9+$0x0];
	v23 =	vadd.f32 v23, v24;
	s16 =	smov.u32 s1;
	s0 =	spop (v2sf);
	s11 =	sadd.s32 s12, s11  }
0x17a: {  	v37 =	vadd.f32 v63, v37;
	v59 =	vld [tilespmem:s9+$0x10];
	(v2sf) =	vpush v18, $0xC;
	s16 =	simm.s32 @!p1 $0x1;
	p0 =	slt.s32 s30, $0x1;
	s9 =	smov.u32 s30  }
0x17b: {  	v52 =	vld [tilespmem:s31+$0x10];
	v21 =	vadd.f32 v21, v23;
	p1 =	slt.s32 s0, $0x1;
	s12 =	smov.u32 s0;
	s11 =	sadd.s32 s16, s11  }
0x17c: {  	v53 =	vadd.f32 v47, v37;
	v63 =	vld [tilespmem:s18+$0x10];
	v19 =	vadd.f32 v62, v19;
	s31 =	spop (v2sf);
	s9 =	simm.s32 @!p0 $0x1;
	s12 =	simm.s32 @!p1 $0x1  }
0x17d: {  	v47 =	vld [tilespmem:s23+$0x0];
	v20 =	vadd.f32 v20, v21;
	(v2sf) =	vpush v18, $0xD;
	p0 =	slt.s32 s31, $0x1;
	s11 =	sadd.s32 s12, s11;
	s15 =	spop (v2sf)  }
0x17e: {  	v62 =	vld [tilespmem:s18+$0x0];
	v19 =	vadd.f32 v46, v19;
	s10 =	sadd.s32 s10, s11;
	s11 =	smov.u32 s31;
	s12 =	smov.u32 s15  }
0x17f: {  	v17 =	vadd.f32 v17, v20;
	v49 =	vld [tilespmem:s26+$0x0];
	(v2sf) =	vpush v18, $0xE;
	s11 =	simm.s32 @!p0 $0x1;
	s10 =	sadd.s32 s14, s10;
	p0 =	slt.s32 s15, $0x1  }
0x180: {  	v36 =	vadd.f32 v51, v53;
	v50 =	vld [tilespmem:s26+$0x10];
	(v2sf) =	vpush v18, $0xF;
	s10 =	sadd.s32 s13, s10;
	s18 =	spop (v2sf);
	s12 =	simm.s32 @!p0 $0x1  }
0x181: {  	v19 =	vadd.f32 v48, v19;
	v48 =	vld [tilespmem:s23+$0x10];
	v15 =	vadd.f32 v15, v17;
	s23 =	sadd.s32 s9, s10;
	p0 =	slt.s32 s18, $0x1;
	s9 =	smov.u32 s18  }
0x182: {  	v25 =	vld [tilespmem:s17+$0x0];
	v30 =	vadd.f32 v56, v36;
	(v2sf) =	vpush v16, $0x0;
	s26 =	spop (v2sf);
	s8 =	sadd.s32 s11, s23;
	s9 =	simm.s32 @!p0 $0x1  }
0x183: {  	v56 =	vld [tilespmem:s5+$0x0];
	v19 =	vadd.f32 v52, v19;
	v13 =	vadd.f32 v13, v15;
	p0 =	slt.s32 s26, $0x1;
	s10 =	smov.u32 s26;
	s28 =	spop (v2sf)  }
0x184: {  	v57 =	vadd.f32 $0.0e+00, v49;
	v44 =	vld [tilespmem:s30+$0x0];
	(v2sf) =	vpush v16, $0x1;
	s8 =	sadd.s32 s12, s8;
	s10 =	simm.s32 @!p0 $0x1;
	p0 =	slt.s32 s28, $0x1  }
0x185: {  	v43 =	vadd.f32 v59, v19;
	v58 =	vadd.f32 $0.0e+00, v50;
	v46 =	vld [tilespmem:s30+$0x10];
	s11 =	smov.u32 s28;
	s30 =	spop (v2sf);
	s8 =	sadd.s32 s9, s8  }
0x186: {  	v52 =	vld [tilespmem:s17+$0x10];
	v49 =	vadd.f32 v34, v35;
	v37 =	vadd.f32 v54, v57;
	s11 =	simm.s32 @!p0 $0x1;
	p0 =	slt.s32 s30, $0x1;
	s9 =	spop (v2sf)  }
0x187: {  	v39 =	vadd.f32 v55, v58;
	v26 =	vld [tilespmem:s31+$0x0];
	v16 =	vadd.f32 v62, v30;
	s29 =	sadd.s32 s10, s8;
	s8 =	smov.u32 s30;
	s7 =	spop (v2sf)  }
0x188: {  	v45 =	vadd.f32 v60, v37;
	v50 =	vld [tilespmem:s31+$0x10];
	v30 =	vadd.f32 v32, v49;
	s10 =	smov.u32 s9;
	s31 =	sadd.s32 s11, s29;
	s8 =	simm.s32 @!p0 $0x1  }
0x189: {  	v18 =	vadd.f32 v63, v43;
	v24 =	vld [tilespmem:s15+$0x0];
	v16 =	vadd.f32 v47, v16;
	p0 =	slt.s32 s9, $0x1;
	p1 =	slt.s32 s7, $0x1;
	s11 =	spop (v2sf)  }
0x18a: {  	v53 =	vmov s3;
	v54 =	vld [tilespmem:s6+$0x0];
	v19 =	vadd.f32 v44, v45;
	v30 =	vadd.f32 v31, v30;
	s3 =	sadd.s32 s8, s31;
	s10 =	simm.s32 @!p0 $0x1;
	s8 =	smov.u32 s7  }
0x18b: {  	v29 =	vmax.f32 v53, $1.000000000e+00;
	v39 =	vadd.f32 v61, v39;
	v16 =	vadd.f32 v25, v16;
	v25 =	vld [tilespmem:s6+$0x10];
	p0 =	slt.s32 s11, $0x1;
	s6 =	smov.u32 s11;
	s8 =	simm.s32 @!p1 $0x1  }
0x18c: {  	v29 =	vbroadcast v29, $0x0;
	v19 =	vadd.f32 v26, v19;
	v26 =	vld [tilespmem:s15+$0x10];
	v27 =	vadd.f32 v27, v30;
	s3 =	sadd.s32 s10, s3;
	s10 =	spop (v2sf);
	s6 =	simm.s32 @!p0 $0x1  }
0x18d: {  	v57 =	vld [tilespmem:s5+$0x10];
	v18 =	vadd.f32 v48, v18;
	v51 =	vadd.f32 v46, v39;
	s3 =	sadd.s32 s8, s3;
	p0 =	slt.s32 s10, $0x1;
	s15 =	smov.u32 s10  }
0x18e: {  	(erf) = vrcp.f32 v29;
	v19 =	vadd.f32 v24, v19;
	v24 =	vld [tilespmem:s18+$0x10];
	v22 =	vadd.f32 v22, v27;
	s8 =	spop (v2sf);
	s3 =	sadd.s32 s6, s3;
	s15 =	simm.s32 @!p0 $0x1  }
0x18f: {  	v15 =	vld [tilespmem:s4+$0x0];
	v18 =	vadd.f32 v52, v18;
	v28 =	vadd.f32 v50, v51;
	p0 =	slt.s32 s8, $0x1;
	s5 =	smov.u32 s8;
	s6 =	spop (v2sf)  }
0x190: {  	v11 =	vadd.f32 v11, v13;
	v55 =	vld [tilespmem:s18+$0x0];
	v14 =	vadd.f32 v14, v22;
	s3 =	sadd.s32 s15, s3;
	s5 =	simm.s32 @!p0 $0x1;
	p0 =	slt.s32 s6, $0x1  }
0x191: {  	v59 =	vld [tilespmem:s26+$0x10];
	v26 =	vadd.f32 v26, v28;
	v17 =	vadd.f32 v25, v18;
	s16 =	smov.u32 s6;
	s15 =	sadd.s32 s5, s3;
	s5 =	spop (v2sf)  }
0x192: {  	v58 =	vld [tilespmem:s26+$0x0];
	v16 =	vadd.f32 v54, v16;
	v12 =	vadd.f32 v12, v14;
	s16 =	simm.s32 @!p0 $0x1;
	p0 =	slt.s32 s5, $0x1  }
0x193: {  	v60 =	vadd.f32 v24, v26;
	v13 =	vadd.f32 v57, v17;
	v17 =	vld [tilespmem:s28+$0x0];
	s14 =	smov.u32 s5;
	s15 =	sadd.s32 s16, s15;
	s3 =	spop (v2sf)  }
0x194: {  	v10 =	vadd.f32 v10, v12;
	v12 =	vadd.f32 v56, v16;
	v16 =	vld [tilespmem:s4+$0x10];
	s14 =	simm.s32 @!p0 $0x1;
	p0 =	slt.s32 s3, $0x1;
	s4 =	smov.u32 s3  }
0x195: {  	v14 =	vadd.f32 v55, v19;
	s14 =	sadd.s32 s14, s15;
	s4 =	simm.s32 @!p0 $0x1  }
0x196: {  	v61 =	vld [tilespmem:s28+$0x10];
	v62 =	vadd.f32 v59, v60;
	v7 =	vadd.f32 v7, v10;
	s4 =	sadd.s32 s4, s14  }
0x197: {  	v25 =	vpop (erf);
	v14 =	vadd.f32 v58, v14;
	v10 =	vadd.f32 v9, v11;
	v9 =	vld [tilespmem:s2+$0x0];
	s4 =	scvt.s32.f32 s4  }
0x198: {  	v63 =	vmul.f32 v25, v33;
	v11 =	vadd.f32 v15, v12;
	v5 =	vadd.f32 v5, v7;
	v7 =	vld [tilespmem:s2+$0x10]  }
0x199: {  	v8 =	vadd.f32 v8, v10;
	v10 =	vld [tilespmem:s30+$0x0];
	v14 =	vadd.f32 v17, v14;
	v15 =	vmov s4  }
0x19a: {  	s26 =	simm.s32 $0x13DE0;
	v12 =	vadd.f32 v16, v13;
	v13 =	vld [tilespmem:s30+$0x10];
	v5 =	vadd.f32 v4, v5;
	v15 =	vmax.f32 v15, $1.000000000e+00  }
0x19b: {  	[tilespmem:s26+$0x10] =	vst v63;
	s2 =	simm.s32 $0x0;
	s4 =	simm.s32 $0xBC40;
	v4 =	vbroadcast v15, $0x0;
	v15 =	vadd.f32 v6, v8;
	v8 =	vld [tilespmem:s19+$0x0];
	v6 =	vadd.f32 v61, v62  }
.LBB2_4:
0x19c: {  	v16 =	vld [tilespmem:s4+$0x30];
	_ =	sdelay $0x1  }
0x19d: {  	v9 =	vadd.f32 v9, v11;
	v11 =	vld [tilespmem:s4+$0x20]  }
0x19e: {  	v3 =	vadd.f32 v3, v15;
	_ =	sdelay $0x1  }
0x19f: {  	v23 =	vld [tilespmem:s4+$0xFFFFFFC0];
	v2 =	vadd.f32 v2, v3;
	(v2sf) =	vpush v16, $0x1  }
0x1a0: {  	v15 =	vld [tilespmem:s4+$0xFFFFFFD0];
	(v2sf) =	vpush v16, $0x0  }
0x1a1: {  	(erf) = vrcp.f32 v4;
	v4 =	vld [tilespmem:s4+$0xFFFFFFF0];
	v1 =	vadd.f32 v1, v2;
	(v2sf) =	vpush v11, $0xF  }
0x1a2: {  	v7 =	vadd.f32 v7, v12;
	v2 =	vld [tilespmem:s19+$0x10];
	(v2sf) =	vpush v11, $0xE  }
0x1a3: {  	v12 =	vld [tilespmem:s9+$0x10];
	v1 =	vadd.f32 v5, v1;
	(v2sf) =	vpush v11, $0xD  }
0x1a4: {  	v3 =	vadd.f32 v13, v6;
	v13 =	vld [tilespmem:s21+$0x0];
	(v2sf) =	vpush v11, $0xC  }
0x1a5: {  	v5 =	vld [tilespmem:s9+$0x0];
	v1 =	vmul.f32 v25, v1;
	(v2sf) =	vpush v11, $0xB  }
0x1a6: {  	v10 =	vadd.f32 v10, v14;
	v14 =	vld [tilespmem:s21+$0x10];
	(v2sf) =	vpush v11, $0xA  }
0x1a7: {  	[tilespmem:s26+$0x0] =	vst v1;
	v1 =	vadd.f32 v2, v7;
	v2 =	vld [tilespmem:s7+$0x0];
	(v2sf) =	vpush v11, $0x9  }
0x1a8: {  	v3 =	vadd.f32 v12, v3;
	v12 =	vld [tilespmem:s4+$0x10];
	(v2sf) =	vpush v11, $0x8  }
0x1a9: {  	v9 =	vadd.f32 v8, v9;
	v7 =	vld [tilespmem:s7+$0x10];
	(v2sf) =	vpush v11, $0x7  }
0x1aa: {  	v5 =	vadd.f32 v5, v10;
	v10 =	vld [tilespmem:s20+$0x0];
	(v2sf) =	vpush v11, $0x6  }
0x1ab: {  	v6 =	vld [tilespmem:s4+$0xFFFFFFE0];
	v9 =	vadd.f32 v13, v9;
	(v2sf) =	vpush v11, $0x5  }
0x1ac: {  	v13 =	vld [tilespmem:s20+$0x10];
	v1 =	vadd.f32 v14, v1;
	(v2sf) =	vpush v11, $0x4  }
0x1ad: {  	v2 =	vadd.f32 v2, v5;
	v5 =	vld [tilespmem:s11+$0x0];
	(v2sf) =	vpush v12, $0xF  }
0x1ae: {  	v3 =	vadd.f32 v7, v3;
	v7 =	vld [tilespmem:s11+$0x10];
	s12 =	spop (v2sf);
	(v2sf) =	vpush v11, $0x3  }
0x1af: {  	v9 =	vadd.f32 v10, v9;
	v10 =	vld [tilespmem:s24+$0x0];
	s9 =	spop (v2sf);
	(v2sf) =	vpush v12, $0xE  }
0x1b0: {  	v14 =	vld [tilespmem:s24+$0x10];
	(v2sf) =	vpush v12, $0xD;
	s13 =	spop (v2sf)  }
0x1b1: {  	v1 =	vadd.f32 v13, v1;
	v13 =	vld [tilespmem:s10+$0x0];
	(v2sf) =	vpush v11, $0x2;
	s16 =	spop (v2sf)  }
0x1b2: {  	v2 =	vadd.f32 v5, v2;
	v5 =	vld [tilespmem:s10+$0x10];
	(v2sf) =	vpush v12, $0xC;
	s31 =	spop (v2sf)  }
0x1b3: {  	v16 =	vld [tilespmem:s25+$0x0];
	v3 =	vadd.f32 v7, v3;
	(v2sf) =	vpush v12, $0xB;
	s19 =	spop (v2sf)  }
0x1b4: {  	v7 =	vadd.f32 v10, v9;
	v9 =	vld [tilespmem:s25+$0x10];
	(v2sf) =	vpush v11, $0x1;
	s29 =	spop (v2sf)  }
0x1b5: {  	v1 =	vadd.f32 v14, v1;
	v10 =	vld [tilespmem:s8+$0x0];
	(v2sf) =	vpush v12, $0xA;
	s30 =	spop (v2sf)  }
0x1b6: {  	v14 =	vld [tilespmem:s22+$0x0];
	v2 =	vadd.f32 v13, v2;
	(v2sf) =	vpush v12, $0x9;
	s25 =	spop (v2sf)  }
0x1b7: {  	v13 =	vld [tilespmem:s8+$0x10];
	v3 =	vadd.f32 v5, v3;
	(v2sf) =	vpush v11, $0x0;
	s23 =	spop (v2sf)  }
0x1b8: {  	v5 =	vadd.f32 v16, v7;
	v7 =	vld [tilespmem:s22+$0x10];
	(v2sf) =	vpush v12, $0x8;
	s20 =	spop (v2sf)  }
0x1b9: {  	v1 =	vadd.f32 v9, v1;
	v9 =	vld [tilespmem:s6+$0x0];
	(v2sf) =	vpush v12, $0x7;
	s21 =	spop (v2sf)  }
0x1ba: {  	v2 =	vadd.f32 v10, v2;
	v10 =	vld [tilespmem:s6+$0x10];
	(v2sf) =	vpush v12, $0x6;
	s22 =	spop (v2sf)  }
0x1bb: {  	v5 =	vadd.f32 v14, v5;
	v14 =	vld [tilespmem:s4+$0x0];
	(v2sf) =	vpush v12, $0x5;
	s24 =	spop (v2sf)  }
0x1bc: {  	[smem:$0x7CF] =	sst s19;
	v3 =	vadd.f32 v13, v3;
	v11 =	vld [tilespmem:s1+$0x0];
	(v2sf) =	vpush v12, $0x4;
	s19 =	spop (v2sf)  }
0x1bd: {  	v1 =	vadd.f32 v7, v1;
	v7 =	vld [tilespmem:s5+$0x0];
	(v2sf) =	vpush v12, $0x3;
	s28 =	spop (v2sf)  }
0x1be: {  	v2 =	vadd.f32 v9, v2;
	v9 =	vld [tilespmem:s5+$0x10];
	(v2sf) =	vpush v12, $0x2;
	s18 =	spop (v2sf)  }
0x1bf: {  	v3 =	vadd.f32 v10, v3;
	v10 =	vld [tilespmem:s0+$0x0];
	(v2sf) =	vpush v12, $0x1;
	s17 =	spop (v2sf)  }
0x1c0: {  	v13 =	vld [tilespmem:s1+$0x10];
	(v2sf) =	vpush v12, $0x0;
	s1 =	spop (v2sf)  }
0x1c1: {  	v30 =	vld [tilespmem:s12+$0x10];
	v5 =	vadd.f32 v11, v5;
	(v2sf) =	vpush v14, $0xF;
	s15 =	spop (v2sf)  }
0x1c2: {  	v2 =	vadd.f32 v7, v2;
	v7 =	vld [tilespmem:s3+$0x0];
	(v2sf) =	vpush v14, $0xE;
	s14 =	spop (v2sf)  }
0x1c3: {  	[dreg:$0x6] =	wrdreg s4;
	v3 =	vadd.f32 v9, v3;
	v9 =	vld [tilespmem:s3+$0x10];
	(v2sf) =	vpush v14, $0xD;
	s4 =	spop (v2sf)  }
0x1c4: {  	[dreg:$0xa] =	wrdreg s12;
	v10 =	vadd.f32 v10, v5;
	v5 =	vld [tilespmem:s12+$0x0];
	(v2sf) =	vpush v14, $0xC;
	s12 =	spop (v2sf)  }
0x1c5: {  	[dreg:$0x4] =	wrdreg s26;
	s2 =	sadd.s32 $0x2, s2;
	(v2sf) =	vpush v14, $0xB;
	s11 =	spop (v2sf)  }
0x1c6: {  	[dreg:$0x5] =	wrdreg s2;
	v11 =	vadd.f32 v13, v1;
	(v2sf) =	vpush v14, $0xA;
	s5 =	spop (v2sf)  }
0x1c7: {  	[dreg:$0xe] =	wrdreg s9;
	v13 =	vld [tilespmem:s0+$0x10];
	v7 =	vadd.f32 v7, v2;
	(v2sf) =	vpush v14, $0x9;
	s10 =	spop (v2sf)  }
0x1c8: {  	[dreg:$0x12] =	wrdreg s13;
	v3 =	vadd.f32 v9, v3;
	(v2sf) =	vpush v14, $0x8;
	s8 =	spop (v2sf)  }
0x1c9: {  	[dreg:$0x15] =	wrdreg s16;
	v9 =	vadd.f32 v7, v10;
	(v2sf) =	vpush v14, $0x7;
	s7 =	spop (v2sf)  }
0x1ca: {  	v8 =	vpop (erf);
	v33 =	vld [tilespmem:s9+$0x10];
	[dreg:$0x17] =	wrdreg s28;
	(v2sf) =	vpush v14, $0x6;
	s28 =	spop (v2sf)  }
0x1cb: {  	v36 =	vld [tilespmem:s13+$0x10];
	[dreg:$0xb] =	wrdreg s20;
	v9 =	vmul.f32 v8, v9;
	(v2sf) =	vpush v14, $0x0;
	s6 =	spop (v2sf)  }
0x1cc: {  	[dreg:$0xf] =	wrdreg s21;
	v11 =	vadd.f32 v13, v11;
	v7 =	vld [tilespmem:s9+$0x0];
	(v2sf) =	vpush v14, $0x5;
	s9 =	spop (v2sf)  }
0x1cd: {  	[dreg:$0x11] =	wrdreg s22;
	[tilespmem:s26+$0xFFFFFFC0] =	vst v9;
	v9 =	vld [tilespmem:s13+$0x0];
	(v2sf) =	vpush v14, $0x1;
	s13 =	spop (v2sf)  }
0x1ce: {  	[dreg:$0x14] =	wrdreg s24;
	v10 =	vadd.f32 v3, v11;
	(v2sf) =	vpush v14, $0x4;
	s20 =	spop (v2sf)  }
0x1cf: {  	[dreg:$0x19] =	wrdreg s1;
	(v2sf) =	vpush v14, $0x2;
	s21 =	spop (v2sf)  }
0x1d0: {  	[dreg:$0x1c] =	wrdreg s4;
	v8 =	vmul.f32 v8, v10;
	s22 =	spop (v2sf)  }
0x1d1: {  	[dreg:$0x1e] =	wrdreg s5;
	(v2sf) =	vpush v14, $0x3;
	s24 =	spop (v2sf)  }
0x1d2: {  	[tilespmem:s26+$0xFFFFFFD0] =	vst v8;
	[smem:$0x7D5] =	sst s6;
	s26 =	spop (v2sf)  }
0x1d3: {  	[smem:$0x7D6] =	sst s24;
	s24 =	spop (v2sf)  }
0x1d4: {  	[smem:$0x7D0] =	sst s22;
	s22 =	spop (v2sf)  }
0x1d5: {  	[smem:$0x7D1] =	sst s21;
	s21 =	spop (v2sf)  }
0x1d6: {  	v39 =	vld [tilespmem:s16+$0x10];
	[smem:$0x7D2] =	sst s20;
	s20 =	spop (v2sf)  }
0x1d7: {  	v11 =	vld [tilespmem:s16+$0x0];
	[smem:$0x7D4] =	sst s9;
	s16 =	spop (v2sf)  }
0x1d8: {  	[smem:$0x7D3] =	sst s13;
	s13 =	spop (v2sf)  }
0x1d9: {  	[smem:$0x7D7] =	sst s26;
	s9 =	spop (v2sf)  }
0x1da: {  	s26 =	sld [smem:$0x7CF];
	s1 =	spop (v2sf)  }
0x1db: {  	p0 =	slt.u32 s2, $0x1FE;
	[dreg:$0x7] =	wrdreg s1;
	s6 =	spop (v2sf)  }
0x1dc: {  	v17 =	vld [tilespmem:s1+$0x10];
	p1 =	slt.s32 s1, $0x1;
	s1 =	smov.u32 s1;
	s3 =	spop (v2sf)  }
0x1dd: {  	[dreg:$0x1b] =	wrdreg s21;
	s1 =	simm.s32 @!p1 $0x1;
	s5 =	spop (v2sf)  }
0x1de: {  	p2 =	slt.s32 s3, $0x1;
	[dreg:$0x8] =	wrdreg s3;
	s2 =	spop (v2sf)  }
0x1df: {  	v19 =	vld [tilespmem:s3+$0x10];
	s3 =	simm.s32 @!p2 $0x1;
	[dreg:$0x9] =	wrdreg s2;
	p1 =	slt.s32 s2, $0x1  }
0x1e0: {  	v20 =	vld [tilespmem:s2+$0x10];
	s4 =	spop (v2sf);
	s1 =	sadd.s32 s3, s1;
	s2 =	simm.s32 @!p1 $0x1  }
0x1e1: {  	[dreg:$0xc] =	wrdreg s4;
	p1 =	slt.s32 s4, $0x1;
	s0 =	sadd.s32 s2, s1  }
0x1e2: {  	v22 =	vld [tilespmem:s4+$0x10];
	s4 =	simm.s32 @!p1 $0x1;
	p1 =	slt.s32 s5, $0x1;
	s1 =	smov.u32 s5  }
0x1e3: {  	[dreg:$0x1a] =	wrdreg s20;
	s0 =	sadd.s32 s4, s0;
	s1 =	simm.s32 @!p1 $0x1  }
0x1e4: {  	p1 =	slt.s32 s6, $0x1;
	s0 =	sadd.s32 s1, s0;
	s1 =	smov.u32 s6  }
0x1e5: {  	[dreg:$0x18] =	wrdreg s16;
	s1 =	simm.s32 @!p1 $0x1  }
0x1e6: {  	p1 =	slt.s32 s9, $0x1;
	s0 =	sadd.s32 s1, s0;
	s1 =	smov.u32 s9  }
0x1e7: {  	[dreg:$0x16] =	wrdreg s13;
	s1 =	simm.s32 @!p1 $0x1  }
0x1e8: {  	v42 =	vld [tilespmem:s31+$0x10];
	p1 =	slt.s32 s13, $0x1;
	s0 =	sadd.s32 s1, s0;
	s1 =	smov.u32 s13  }
0x1e9: {  	v18 =	vld [tilespmem:s29+$0x0];
	[dreg:$0x13] =	wrdreg s9;
	s1 =	simm.s32 @!p1 $0x1  }
0x1ea: {  	v45 =	vld [tilespmem:s29+$0x10];
	p1 =	slt.s32 s16, $0x1;
	s0 =	sadd.s32 s1, s0;
	s1 =	smov.u32 s16  }
0x1eb: {  	v46 =	vld [tilespmem:s30+$0x10];
	[dreg:$0x10] =	wrdreg s6;
	s1 =	simm.s32 @!p1 $0x1  }
0x1ec: {  	v1 =	vld [tilespmem:s19+$0x0];
	v21 =	vadd.f32 $0.0e+00, v17;
	p1 =	slt.s32 s20, $0x1;
	s0 =	sadd.s32 s1, s0;
	s1 =	smov.u32 s20  }
0x1ed: {  	v25 =	vld [tilespmem:s19+$0x10];
	[dreg:$0xd] =	wrdreg s5;
	s3 =	smov.u32 s22;
	s1 =	simm.s32 @!p1 $0x1  }
0x1ee: {  	v32 =	vld [tilespmem:s18+$0x10];
	v19 =	vadd.f32 v19, v21;
	p1 =	slt.s32 s21, $0x1;
	s0 =	sadd.s32 s1, s0;
	s1 =	smov.u32 s21  }
0x1ef: {  	v55 =	vld [tilespmem:s5+$0x10];
	[dreg:$0x1d] =	wrdreg s3;
	s1 =	simm.s32 @!p1 $0x1  }
0x1f0: {  	v56 =	vld [tilespmem:s9+$0x10];
	v19 =	vadd.f32 v20, v19;
	p1 =	slt.s32 s22, $0x1;
	s0 =	sadd.s32 s1, s0;
	s1 =	smov.u32 s22  }
0x1f1: {  	v24 =	vld [tilespmem:s6+$0x10];
	s9 =	smov.u32 s24;
	s1 =	simm.s32 @!p1 $0x1;
	p1 =	slt.s32 s24, $0x1  }
0x1f2: {  	v35 =	vld [tilespmem:s17+$0x10];
	v19 =	vadd.f32 v22, v19;
	s0 =	sadd.s32 s1, s0;
	s1 =	smov.u32 s24;
	s24 =	sld [smem:$0x7D7]  }
0x1f3: {  	v38 =	vld [tilespmem:s15+$0x10];
	s5 =	sld [smem:$0x7D6]  }
0x1f4: {  	v41 =	vld [tilespmem:s14+$0x10];
	s6 =	rddreg [dreg:$0x1c];
	v21 =	vadd.f32 v55, v19;
	s1 =	simm.s32 @!p1 $0x1  }
0x1f5: {  	v26 =	vld [tilespmem:s13+$0x10];
	s0 =	sadd.s32 s1, s0;
	p1 =	slt.s32 s24, $0x1;
	s1 =	smov.u32 s24  }
0x1f6: {  	v3 =	vld [tilespmem:s17+$0x0];
	v21 =	vadd.f32 v24, v21;
	s4 =	smov.u32 s24;
	s24 =	sld [smem:$0x7D0];
	s1 =	simm.s32 @!p1 $0x1  }
0x1f7: {  	v24 =	vld [tilespmem:s16+$0x10];
	p1 =	slt.s32 s5, $0x1;
	s0 =	sadd.s32 s1, s0;
	s1 =	smov.u32 s5  }
0x1f8: {  	v12 =	vld [tilespmem:s12+$0x0];
	v21 =	vadd.f32 v56, v21;
	s22 =	sld [smem:$0x7D1];
	s1 =	simm.s32 @!p1 $0x1  }
0x1f9: {  	v27 =	vld [tilespmem:s20+$0x10];
	p1 =	slt.s32 s24, $0x1;
	s0 =	sadd.s32 s1, s0;
	s1 =	smov.u32 s24  }
0x1fa: {  	v21 =	vadd.f32 v26, v21;
	v26 =	vld [tilespmem:s21+$0x10];
	s21 =	sld [smem:$0x7D2];
	s1 =	simm.s32 @!p1 $0x1  }
0x1fb: {  	v43 =	vld [tilespmem:s12+$0x10];
	p1 =	slt.s32 s22, $0x1;
	s0 =	sadd.s32 s1, s0;
	s1 =	smov.u32 s22  }
0x1fc: {  	v13 =	vld [tilespmem:s11+$0x0];
	s20 =	sld [smem:$0x7D3];
	v24 =	vadd.f32 v24, v21;
	s1 =	simm.s32 @!p1 $0x1  }
0x1fd: {  	v28 =	vld [tilespmem:s3+$0x10];
	p1 =	slt.s32 s21, $0x1;
	s0 =	sadd.s32 s1, s0;
	s1 =	smov.u32 s21  }
0x1fe: {  	v40 =	vld [tilespmem:s11+$0x10];
	s16 =	sld [smem:$0x7D4];
	v24 =	vadd.f32 v27, v24;
	s1 =	simm.s32 @!p1 $0x1  }
0x1ff: {  	v27 =	vld [tilespmem:s9+$0x10];
	p1 =	slt.s32 s20, $0x1;
	s0 =	sadd.s32 s1, s0;
	s1 =	smov.u32 s20  }
0x200: {  	v37 =	vld [tilespmem:s10+$0x10];
	s13 =	sld [smem:$0x7D5];
	v26 =	vadd.f32 v26, v24;
	s1 =	simm.s32 @!p1 $0x1  }
0x201: {  	v29 =	vld [tilespmem:s4+$0x10];
	p1 =	slt.s32 s16, $0x1;
	s0 =	sadd.s32 s1, s0;
	s1 =	smov.u32 s16  }
0x202: {  	v34 =	vld [tilespmem:s8+$0x10];
	[dreg:$0x1f] =	wrdreg s9;
	v26 =	vadd.f32 v28, v26;
	s1 =	simm.s32 @!p1 $0x1  }
0x203: {  	v57 =	vld [tilespmem:s5+$0x10];
	p1 =	slt.s32 s13, $0x1;
	s0 =	sadd.s32 s1, s0;
	s1 =	smov.u32 s13  }
0x204: {  	v31 =	vld [tilespmem:s7+$0x10];
	s9 =	rddreg [dreg:$0x1d];
	v26 =	vadd.f32 v27, v26;
	s1 =	simm.s32 @!p1 $0x1  }
0x205: {  	v27 =	vld [tilespmem:s24+$0x10];
	p1 =	slt.s32 s28, $0x1;
	s0 =	sadd.s32 s1, s0;
	s1 =	smov.u32 s28  }
0x206: {  	v21 =	vld [tilespmem:s7+$0x0];
	s4 =	rddreg [dreg:$0x1e];
	v26 =	vadd.f32 v29, v26;
	s1 =	simm.s32 @!p1 $0x1;
	p1 =	slt.s32 s7, $0x1  }
0x207: {  	v58 =	vld [tilespmem:s22+$0x10];
	s5 =	sld [smem:$0x7D7];
	s0 =	sadd.s32 s1, s0;
	s7 =	simm.s32 @!p1 $0x1  }
0x208: {  	v19 =	vld [tilespmem:s8+$0x0];
	v26 =	vadd.f32 v57, v26;
	p1 =	slt.s32 s8, $0x1;
	s1 =	smov.u32 s4;
	s0 =	sadd.s32 s7, s0  }
0x209: {  	v59 =	vld [tilespmem:s21+$0x10];
	s8 =	simm.s32 @!p1 $0x1;
	p1 =	slt.s32 s10, $0x1;
	s7 =	rddreg [dreg:$0x19]  }
0x20a: {  	v17 =	vld [tilespmem:s10+$0x0];
	v26 =	vadd.f32 v27, v26;
	s0 =	sadd.s32 s8, s0;
	s10 =	simm.s32 @!p1 $0x1;
	p1 =	slt.s32 s11, $0x1  }
0x20b: {  	v27 =	vld [tilespmem:s20+$0x10];
	s0 =	sadd.s32 s10, s0;
	s11 =	simm.s32 @!p1 $0x1;
	p1 =	slt.s32 s12, $0x1  }
0x20c: {  	v10 =	vld [tilespmem:s14+$0x0];
	v26 =	vadd.f32 v58, v26;
	s0 =	sadd.s32 s11, s0;
	s12 =	simm.s32 @!p1 $0x1;
	p1 =	slt.s32 s14, $0x1  }
0x20d: {  	v61 =	vld [tilespmem:s16+$0x10];
	s0 =	sadd.s32 s12, s0;
	s14 =	simm.s32 @!p1 $0x1;
	p1 =	slt.s32 s15, $0x1  }
0x20e: {  	v8 =	vld [tilespmem:s15+$0x0];
	v26 =	vadd.f32 v59, v26;
	s0 =	sadd.s32 s14, s0;
	s15 =	simm.s32 @!p1 $0x1;
	p1 =	slt.s32 s17, $0x1  }
0x20f: {  	v63 =	vld [tilespmem:s13+$0x10];
	s0 =	sadd.s32 s15, s0;
	s17 =	simm.s32 @!p1 $0x1;
	p1 =	slt.s32 s18, $0x1  }
0x210: {  	v2 =	vld [tilespmem:s18+$0x0];
	v26 =	vadd.f32 v27, v26;
	s0 =	sadd.s32 s17, s0;
	s18 =	simm.s32 @!p1 $0x1;
	p1 =	slt.s32 s19, $0x1  }
0x211: {  	v52 =	vld [tilespmem:s28+$0x10];
	s0 =	sadd.s32 s18, s0;
	s19 =	simm.s32 @!p1 $0x1;
	p1 =	slt.s32 s4, $0x1  }
0x212: {  	v47 =	vld [tilespmem:s25+$0x10];
	v29 =	vadd.f32 v61, v26;
	s10 =	rddreg [dreg:$0x17];
	s0 =	sadd.s32 s19, s0;
	s1 =	simm.s32 @!p1 $0x1  }
0x213: {  	v14 =	vld [tilespmem:s31+$0x0];
	p1 =	slt.s32 s6, $0x1;
	s0 =	sadd.s32 s1, s0;
	s1 =	smov.u32 s6  }
0x214: {  	v16 =	vld [tilespmem:s26+$0x0];
	v28 =	vadd.f32 v63, v29;
	s11 =	smov.u32 s4;
	s12 =	rddreg [dreg:$0x14];
	s1 =	simm.s32 @!p1 $0x1  }
0x215: {  	v48 =	vld [tilespmem:s4+$0x10];
	p1 =	slt.s32 s7, $0x1;
	s0 =	sadd.s32 s1, s0;
	s1 =	smov.u32 s7  }
0x216: {  	v52 =	vadd.f32 v52, v28;
	v53 =	vld [tilespmem:s11+$0x0];
	s11 =	rddreg [dreg:$0x1a];
	s1 =	simm.s32 @!p1 $0x1  }
0x217: {  	v49 =	vld [tilespmem:s6+$0x10];
	p1 =	slt.s32 s10, $0x1;
	s0 =	sadd.s32 s1, s0;
	s1 =	smov.u32 s10  }
0x218: {  	v52 =	vadd.f32 v31, v52;
	v31 =	vld [tilespmem:s20+$0x0];
	s20 =	rddreg [dreg:$0xc];
	s1 =	simm.s32 @!p1 $0x1  }
0x219: {  	v50 =	vld [tilespmem:s7+$0x10];
	p1 =	slt.s32 s12, $0x1;
	s0 =	sadd.s32 s1, s0;
	s1 =	smov.u32 s12  }
0x21a: {  	v44 =	vld [tilespmem:s26+$0x10];
	v48 =	vadd.f32 $0.0e+00, v48;
	s15 =	rddreg [dreg:$0x11];
	s1 =	simm.s32 @!p1 $0x1  }
0x21b: {  	v51 =	vld [tilespmem:s10+$0x10];
	p1 =	slt.s32 s15, $0x1;
	s0 =	sadd.s32 s1, s0;
	s1 =	smov.u32 s15  }
0x21c: {  	v22 =	vld [tilespmem:s25+$0x0];
	v48 =	vadd.f32 v49, v48;
	s18 =	rddreg [dreg:$0xf];
	s1 =	simm.s32 @!p1 $0x1  }
0x21d: {  	(v2sf) =	vpush v23, $0x0;
	v60 =	vld [tilespmem:s12+$0x10];
	p1 =	slt.s32 s18, $0x1;
	s0 =	sadd.s32 s1, s0;
	s1 =	smov.u32 s18  }
0x21e: {  	v24 =	vld [tilespmem:s23+$0x0];
	v48 =	vadd.f32 v50, v48;
	s19 =	rddreg [dreg:$0xb];
	s1 =	simm.s32 @!p1 $0x1  }
0x21f: {  	v62 =	vld [tilespmem:s15+$0x10];
	p1 =	slt.s32 s19, $0x1;
	s0 =	sadd.s32 s1, s0;
	s1 =	smov.u32 s19  }
0x220: {  	s14 =	smov.u32 s6;
	v52 =	vadd.f32 v34, v52;
	v34 =	vld [tilespmem:s21+$0x0];
	s21 =	rddreg [dreg:$0x9];
	v48 =	vadd.f32 v51, v48;
	s1 =	simm.s32 @!p1 $0x1  }
0x221: {  	(v2sf) =	vpush v23, $0x1;
	v56 =	vld [tilespmem:s18+$0x10];
	s6 =	rddreg [dreg:$0x12];
	p1 =	slt.s32 s23, $0x1;
	s0 =	sadd.s32 s1, s0  }
0x222: {  	(v2sf) =	vpush v23, $0x2;
	v58 =	vld [tilespmem:s23+$0x10];
	v27 =	vadd.f32 v60, v48;
	s23 =	simm.s32 @!p1 $0x1;
	p1 =	slt.s32 s25, $0x1;
	s1 =	rddreg [dreg:$0x15]  }
0x223: {  	(v2sf) =	vpush v23, $0x3;
	v57 =	vld [tilespmem:s19+$0x10];
	s0 =	sadd.s32 s23, s0;
	s25 =	simm.s32 @!p1 $0x1;
	p1 =	slt.s32 s30, $0x1  }
0x224: {  	(v2sf) =	vpush v23, $0x4;
	v20 =	vld [tilespmem:s30+$0x0];
	v27 =	vadd.f32 v62, v27;
	s0 =	sadd.s32 s25, s0;
	s30 =	simm.s32 @!p1 $0x1;
	p1 =	slt.s32 s29, $0x1  }
0x225: {  	(v2sf) =	vpush v23, $0x5;
	v26 =	vld [tilespmem:s28+$0x0];
	s0 =	sadd.s32 s30, s0;
	s29 =	simm.s32 @!p1 $0x1;
	p1 =	slt.s32 s26, $0x1  }
0x226: {  	v61 =	vld [tilespmem:s7+$0x0];
	v59 =	vadd.f32 v37, v52;
	v51 =	vadd.f32 v56, v27;
	s0 =	sadd.s32 s29, s0;
	s26 =	simm.s32 @!p1 $0x1;
	p1 =	slt.s32 s31, $0x1  }
0x227: {  	(v2sf) =	vpush v23, $0x6;
	v28 =	vld [tilespmem:s16+$0x0];
	s0 =	sadd.s32 s26, s0;
	s31 =	simm.s32 @!p1 $0x1;
	p1 =	slt.s32 s1, $0x1  }
0x228: {  	v60 =	vadd.f32 v40, v59;
	v40 =	vld [tilespmem:s24+$0x0];
	s24 =	rddreg [dreg:$0x7];
	v51 =	vadd.f32 v57, v51;
	s0 =	sadd.s32 s31, s0;
	s1 =	simm.s32 @!p1 $0x1  }
0x229: {  	(v2sf) =	vpush v23, $0x7;
	v63 =	vld [tilespmem:s14+$0x0];
	p1 =	slt.s32 s6, $0x1;
	s0 =	sadd.s32 s1, s0;
	s1 =	rddreg [dreg:$0xe]  }
0x22a: {  	v49 =	vld [tilespmem:s15+$0x0];
	s7 =	rddreg [dreg:$0x1f];
	v51 =	vadd.f32 v58, v51;
	s6 =	simm.s32 @!p1 $0x1;
	p1 =	slt.s32 s1, $0x1  }
0x22b: {  	s17 =	smov.u32 s12;
	v52 =	vld [tilespmem:s10+$0x0];
	s10 =	rddreg [dreg:$0x1b];
	s1 =	simm.s32 @!p1 $0x1  }
0x22c: {  	s28 =	spop (v2sf);
	(v2sf) =	vpush v23, $0x8;
	v50 =	vld [tilespmem:s17+$0x0];
	v47 =	vadd.f32 v47, v51;
	s25 =	smov.u32 s1;
	s1 =	rddreg [dreg:$0xa]  }
0x22d: {  	s3 =	smov.u32 s28;
	v37 =	vld [tilespmem:s22+$0x0];
	s12 =	rddreg [dreg:$0x18];
	p1 =	slt.s32 s1, $0x1  }
0x22e: {  	v29 =	vld [tilespmem:s19+$0x0];
	s15 =	rddreg [dreg:$0x13];
	v46 =	vadd.f32 v46, v47;
	s0 =	sadd.s32 s6, s0;
	s1 =	simm.s32 @!p1 $0x1  }
0x22f: {  	v48 =	vld [tilespmem:s18+$0x0];
	v62 =	vadd.f32 v43, v60;
	s18 =	rddreg [dreg:$0xd];
	s0 =	sadd.s32 s25, s0;
	s26 =	smov.u32 s1  }
0x230: {  	v27 =	vld [tilespmem:s13+$0x0];
	v45 =	vadd.f32 v45, v46;
	s23 =	rddreg [dreg:$0x8];
	p1 =	slt.s32 s28, $0x1;
	s0 =	sadd.s32 s26, s0  }
0x231: {  	v47 =	vld [tilespmem:s21+$0x0];
	v46 =	vadd.f32 v41, v62;
	s3 =	simm.s32 @!p1 $0x1;
	s2 =	scvt.s32.f32 s0;
	s0 =	spop (v2sf);
	(v2sf) =	vpush v23, $0x9  }
0x232: {  	v41 =	vld [tilespmem:s5+$0x0];
	p1 =	slt.s32 s0, $0x1;
	s4 =	smov.u32 s0;
	s8 =	spop (v2sf);
	(v2sf) =	vpush v23, $0xA  }
0x233: {  	v44 =	vadd.f32 v44, v45;
	v46 =	vadd.f32 v38, v46;
	v38 =	vld [tilespmem:s9+$0x0];
	s30 =	sld [smem:$0x7D6];
	s4 =	simm.s32 @!p1 $0x1;
	p1 =	slt.s32 s8, $0x1  }
0x234: {  	v62 =	vld [tilespmem:s23+$0x0];
	s31 =	spop (v2sf);
	(v2sf) =	vpush v23, $0xB;
	s29 =	sadd.s32 s4, s3;
	s3 =	smov.u32 s8  }
0x235: {  	v58 =	vadd.f32 $0.0e+00, v53;
	v44 =	vadd.f32 v42, v44;
	v42 =	vld [tilespmem:s7+$0x0];
	s7 =	spop (v2sf);
	s3 =	simm.s32 @!p1 $0x1;
	p1 =	slt.s32 s31, $0x1  }
0x236: {  	v57 =	vadd.f32 v35, v46;
	v35 =	vld [tilespmem:s11+$0x0];
	v56 =	vmov s2;
	(v2sf) =	vpush v23, $0xC;
	s5 =	spop (v2sf);
	s2 =	sadd.s32 s3, s29;
	s3 =	smov.u32 s31  }
0x237: {  	v46 =	vadd.f32 v63, v58;
	v63 =	vld [tilespmem:s24+$0x0];
	(v2sf) =	vpush v23, $0xD;
	s13 =	spop (v2sf);
	s3 =	simm.s32 @!p1 $0x1;
	p1 =	slt.s32 s7, $0x1  }
0x238: {  	v58 =	vld [tilespmem:s28+$0x10];
	(v2sf) =	vpush v23, $0xE;
	s16 =	spop (v2sf);
	s2 =	sadd.s32 s3, s2;
	s3 =	smov.u32 s7  }
0x239: {  	v44 =	vadd.f32 v39, v44;
	v39 =	vld [tilespmem:s10+$0x0];
	s9 =	smov.u32 s13;
	s10 =	smov.u32 s16;
	s3 =	simm.s32 @!p1 $0x1  }
0x23a: {  	v43 =	vld [tilespmem:s30+$0x0];
	v60 =	vadd.f32 v61, v46;
	p1 =	slt.s32 s5, $0x1;
	s2 =	sadd.s32 s3, s2;
	s3 =	smov.u32 s5  }
0x23b: {  	v46 =	vld [tilespmem:s18+$0x0];
	v44 =	vadd.f32 v36, v44;
	(v2sf) =	vpush v23, $0xF;
	s19 =	spop (v2sf);
	s3 =	simm.s32 @!p1 $0x1;
	p1 =	slt.s32 s13, $0x1  }
0x23c: {  	v36 =	vld [tilespmem:s12+$0x0];
	v45 =	vmax.f32 v56, $1.000000000e+00;
	(v2sf) =	vpush v15, $0x0;
	s2 =	sadd.s32 s3, s2;
	s9 =	simm.s32 @!p1 $0x1;
	p1 =	slt.s32 s16, $0x1  }
0x23d: {  	s17 =	rddreg [dreg:$0x10];
	v44 =	vadd.f32 v33, v44;
	v33 =	vld [tilespmem:s15+$0x0];
	v45 =	vbroadcast v45, $0x0;
	s9 =	sadd.s32 s9, s2;
	s10 =	simm.s32 @!p1 $0x1  }
0x23e: {  	v56 =	vld [tilespmem:s28+$0x0];
	(v2sf) =	vpush v15, $0x1;
	p1 =	slt.s32 s19, $0x1;
	s9 =	sadd.s32 s10, s9;
	s10 =	smov.u32 s19  }
0x23f: {  	s14 =	rddreg [dreg:$0x16];
	v44 =	vadd.f32 v30, v44;
	v30 =	vld [tilespmem:s17+$0x0];
	(erf) = vrcp.f32 v45;
	v45 =	vadd.f32 v32, v57;
	s10 =	simm.s32 @!p1 $0x1  }
0x240: {  	s6 =	rddreg [dreg:$0x4];
	v54 =	vld [tilespmem:s8+$0x10];
	s22 =	spop (v2sf);
	s9 =	sadd.s32 s10, s9  }
0x241: {  	v55 =	vld [tilespmem:s31+$0x0];
	v59 =	vadd.f32 v25, v45;
	(v2sf) =	vpush v15, $0x2;
	p1 =	slt.s32 s22, $0x1;
	s10 =	smov.u32 s22;
	s25 =	spop (v2sf)  }
0x242: {  	s26 =	sadd.s32 $0x80, s6;
	v32 =	vld [tilespmem:s14+$0x0];
	v45 =	vadd.f32 v52, v60;
	(v2sf) =	vpush v15, $0x3;
	s10 =	simm.s32 @!p1 $0x1;
	p1 =	slt.s32 s25, $0x1  }
0x243: {  	v60 =	vld [tilespmem:s0+$0x10];
	v52 =	vadd.f32 $0.0e+00, v56;
	(v2sf) =	vpush v15, $0x4;
	s1 =	smov.u32 s25;
	s28 =	spop (v2sf);
	s9 =	sadd.s32 s10, s9  }
0x244: {  	v61 =	vadd.f32 v44, v59;
	v59 =	vld [tilespmem:s0+$0x0];
	(v2sf) =	vpush v15, $0x5;
	s1 =	simm.s32 @!p1 $0x1;
	p1 =	slt.s32 s28, $0x1;
	s0 =	smov.u32 s28  }
0x245: {  	v56 =	vld [tilespmem:s7+$0x10];
	v45 =	vadd.f32 v50, v45;
	v50 =	vadd.f32 $0.0e+00, v63;
	s29 =	spop (v2sf);
	s1 =	sadd.s32 s1, s9;
	s0 =	simm.s32 @!p1 $0x1  }
0x246: {  	v44 =	vld [tilespmem:s20+$0x0];
	(v2sf) =	vpush v15, $0x6;
	p1 =	slt.s32 s29, $0x1;
	s30 =	spop (v2sf);
	s0 =	sadd.s32 s0, s1  }
0x247: {  	v50 =	vadd.f32 v62, v50;
	v62 =	vld [tilespmem:s31+$0x10];
	(v2sf) =	vpush v15, $0x7;
	s1 =	smov.u32 s29;
	s6 =	smov.u32 s30;
	s31 =	spop (v2sf)  }
0x248: {  	v63 =	vld [tilespmem:s7+$0x0];
	v57 =	vadd.f32 v49, v45;
	v25 =	vpop (erf);
	(v2sf) =	vpush v15, $0x8;
	s1 =	simm.s32 @!p1 $0x1;
	p1 =	slt.s32 s30, $0x1;
	s7 =	smov.u32 s31  }
0x249: {  	v49 =	vadd.f32 v59, v52;
	v59 =	vld [tilespmem:s5+$0x10];
	v23 =	vmul.f32 v25, v61;
	(v2sf) =	vpush v6, $0x0;
	s0 =	sadd.s32 s1, s0;
	s6 =	simm.s32 @!p1 $0x1;
	p1 =	slt.s32 s31, $0x1  }
0x24a: {  	v61 =	vld [tilespmem:s8+$0x0];
	s6 =	sadd.s32 s6, s0;
	s7 =	simm.s32 @!p1 $0x1;
	s0 =	spop (v2sf)  }
0x24b: {  	[tilespmem:s26+$0x10] =	vst v23;
	v23 =	vadd.f32 v48, v57;
	v57 =	vld [tilespmem:s5+$0x0];
	(v2sf) =	vpush v15, $0x9;
	p1 =	slt.s32 s0, $0x1;
	s9 =	spop (v2sf);
	s5 =	smov.u32 s0  }
0x24c: {  	v45 =	vadd.f32 $0.0e+00, v58;
	(v2sf) =	vpush v15, $0xA;
	s6 =	sadd.s32 s7, s6;
	s5 =	simm.s32 @!p1 $0x1;
	p1 =	slt.s32 s9, $0x1  }
0x24d: {  	(v2sf) =	vpush v6, $0x1;
	s8 =	spop (v2sf);
	s5 =	sadd.s32 s5, s6;
	s6 =	smov.u32 s9  }
0x24e: {  	v45 =	vadd.f32 v60, v45;
	s15 =	smov.u32 s8;
	s6 =	simm.s32 @!p1 $0x1;
	p1 =	slt.s32 s8, $0x1  }
0x24f: {  	v49 =	vadd.f32 v61, v49;
	(v2sf) =	vpush v15, $0xB;
	s17 =	sadd.s32 s6, s5;
	s15 =	simm.s32 @!p1 $0x1  }
0x250: {  	v47 =	vadd.f32 v47, v50;
	v45 =	vadd.f32 v54, v45;
	s4 =	sadd.s32 s15, s17;
	s7 =	spop (v2sf)  }
0x251: {  	v58 =	vadd.f32 v55, v49;
	s6 =	spop (v2sf);
	p1 =	slt.s32 s7, $0x1;
	s15 =	smov.u32 s7  }
0x252: {  	v53 =	vld [tilespmem:s16+$0x10];
	v44 =	vadd.f32 v44, v47;
	v45 =	vadd.f32 v62, v45;
	s5 =	spop (v2sf);
	s15 =	simm.s32 @!p1 $0x1  }
0x253: {  	v61 =	vadd.f32 v63, v58;
	v63 =	vld [tilespmem:s16+$0x0];
	(v2sf) =	vpush v15, $0xC;
	p1 =	slt.s32 s6, $0x1;
	s16 =	smov.u32 s6;
	s3 =	spop (v2sf)  }
0x254: {  	v60 =	vld [tilespmem:s13+$0x0];
	v44 =	vadd.f32 v46, v44;
	s15 =	sadd.s32 s15, s4;
	s16 =	simm.s32 @!p1 $0x1;
	p1 =	slt.s32 s5, $0x1  }
0x255: {  	v54 =	vld [tilespmem:s19+$0x0];
	v45 =	vadd.f32 v56, v45;
	s4 =	spop (v2sf);
	s15 =	sadd.s32 s16, s15;
	s16 =	smov.u32 s5  }
0x256: {  	v62 =	vld [tilespmem:s13+$0x10];
	v30 =	vadd.f32 v30, v44;
	(v2sf) =	vpush v6, $0x2;
	s2 =	spop (v2sf);
	s16 =	simm.s32 @!p1 $0x1;
	p1 =	slt.s32 s3, $0x1  }
0x257: {  	v56 =	vld [tilespmem:s19+$0x10];
	v45 =	vadd.f32 v59, v45;
	s19 =	spop (v2sf);
	s15 =	sadd.s32 s16, s15;
	s16 =	smov.u32 s3  }
0x258: {  	v30 =	vadd.f32 v33, v30;
	v59 =	vld [tilespmem:s22+$0x10];
	(v2sf) =	vpush v15, $0xD;
	s18 =	spop (v2sf);
	s16 =	simm.s32 @!p1 $0x1;
	p1 =	slt.s32 s4, $0x1  }
0x259: {  	v52 =	vadd.f32 v57, v61;
	v57 =	vld [tilespmem:s22+$0x0];
	(v2sf) =	vpush v15, $0xE;
	p2 =	slt.s32 s19, $0x1;
	s22 =	sadd.s32 s16, s15;
	s15 =	smov.u32 s4  }
0x25a: {  	s21 =	spop (v2sf);
	s15 =	simm.s32 @!p1 $0x1;
	p1 =	slt.s32 s2, $0x1  }
0x25b: {  	v30 =	vadd.f32 v32, v30;
	(v2sf) =	vpush v6, $0x3;
	s20 =	spop (v2sf);
	s13 =	sadd.s32 s15, s22;
	s15 =	smov.u32 s2  }
0x25c: {  	v50 =	vld [tilespmem:s29+$0x10];
	s10 =	smov.u32 s18;
	(v2sf) =	vpush v15, $0xF;
	s23 =	spop (v2sf);
	s15 =	simm.s32 @!p1 $0x1  }
0x25d: {  	v51 =	vld [tilespmem:s30+$0x0];
	v30 =	vadd.f32 v36, v30;
	v55 =	vadd.f32 v60, v52;
	p1 =	slt.s32 s21, $0x1;
	s13 =	sadd.s32 s15, s13;
	s15 =	smov.u32 s19  }
0x25e: {  	v45 =	vadd.f32 v62, v45;
	v62 =	vld [tilespmem:s28+$0x0];
	(v2sf) =	vpush v6, $0x4;
	s24 =	spop (v2sf);
	s15 =	simm.s32 @!p2 $0x1;
	p2 =	slt.s32 s20, $0x1  }
0x25f: {  	v30 =	vadd.f32 v35, v30;
	v58 =	vadd.f32 v63, v55;
	v63 =	vld [tilespmem:s28+$0x10];
	s28 =	sadd.s32 s15, s13;
	s13 =	smov.u32 s21;
	s15 =	smov.u32 s20  }
0x260: {  	v23 =	vadd.f32 v29, v23;
	v49 =	vld [tilespmem:s29+$0x0];
	(v2sf) =	vpush v6, $0x5;
	s13 =	simm.s32 @!p1 $0x1;
	s15 =	simm.s32 @!p2 $0x1;
	p1 =	slt.s32 s18, $0x1  }
0x261: {  	v61 =	vld [tilespmem:s25+$0x10];
	v30 =	vadd.f32 v39, v30;
	(v2sf) =	vpush v6, $0x6;
	p2 =	slt.s32 s24, $0x1;
	s11 =	sadd.s32 s13, s28;
	s10 =	simm.s32 @!p1 $0x1  }
0x262: {  	v23 =	vadd.f32 v24, v23;
	v60 =	vld [tilespmem:s25+$0x0];
	s13 =	smov.u32 s24;
	p1 =	slt.s32 s23, $0x1;
	s25 =	spop (v2sf)  }
0x263: {  	v45 =	vadd.f32 v53, v45;
	v53 =	vld [tilespmem:s31+$0x0];
	v30 =	vadd.f32 v38, v30;
	s11 =	sadd.s32 s15, s11;
	s13 =	simm.s32 @!p2 $0x1;
	p2 =	slt.s32 s25, $0x1  }
0x264: {  	v22 =	vadd.f32 v22, v23;
	v52 =	vld [tilespmem:s30+$0x10];
	(v2sf) =	vpush v6, $0x7;
	s29 =	sadd.s32 s13, s11;
	s11 =	smov.u32 s23;
	s13 =	smov.u32 s25  }
0x265: {  	v32 =	vadd.f32 v54, v58;
	v54 =	vld [tilespmem:s31+$0x10];
	v30 =	vadd.f32 v42, v30;
	s30 =	spop (v2sf);
	s11 =	simm.s32 @!p1 $0x1;
	s13 =	simm.s32 @!p2 $0x1  }
0x266: {  	v58 =	vld [tilespmem:s0+$0x10];
	v15 =	vadd.f32 v56, v45;
	(v2sf) =	vpush v6, $0x8;
	p1 =	slt.s32 s30, $0x1;
	s31 =	sadd.s32 s13, s29;
	s13 =	smov.u32 s30  }
0x267: {  	v32 =	vadd.f32 v57, v32;
	v57 =	vld [tilespmem:s0+$0x0];
	s22 =	spop (v2sf);
	(v2sf) =	vpush v6, $0x9;
	s13 =	simm.s32 @!p1 $0x1  }
0x268: {  	v20 =	vadd.f32 v20, v22;
	v55 =	vld [tilespmem:s18+$0x0];
	v15 =	vadd.f32 v59, v15;
	p1 =	slt.s32 s22, $0x1;
	s0 =	smov.u32 s22;
	s1 =	spop (v2sf)  }
0x269: {  	v30 =	vadd.f32 v41, v30;
	v56 =	vld [tilespmem:s18+$0x10];
	(v2sf) =	vpush v6, $0xA;
	s0 =	simm.s32 @!p1 $0x1;
	p1 =	slt.s32 s1, $0x1;
	s16 =	smov.u32 s1  }
0x26a: {  	v59 =	vld [tilespmem:s23+$0x0];
	v15 =	vadd.f32 v61, v15;
	(v2sf) =	vpush v6, $0xB;
	s17 =	sadd.s32 s0, s31;
	s18 =	spop (v2sf);
	s16 =	simm.s32 @!p1 $0x1  }
0x26b: {  	v32 =	vadd.f32 v60, v32;
	v30 =	vadd.f32 v43, v30;
	v60 =	vld [tilespmem:s23+$0x10];
	p1 =	slt.s32 s18, $0x1;
	s0 =	spop (v2sf);
	s23 =	sadd.s32 s16, s17  }
0x26c: {  	v18 =	vadd.f32 v18, v20;
	v15 =	vadd.f32 v63, v15;
	s14 =	smov.u32 s18;
	p2 =	slt.s32 s0, $0x1;
	s16 =	smov.u32 s0  }
0x26d: {  	v32 =	vadd.f32 v62, v32;
	v62 =	vld [tilespmem:s9+$0x10];
	v30 =	vadd.f32 v40, v30;
	s14 =	simm.s32 @!p1 $0x1;
	s28 =	spop (v2sf);
	s16 =	simm.s32 @!p2 $0x1  }
0x26e: {  	v61 =	vld [tilespmem:s9+$0x0];
	v15 =	vadd.f32 v50, v15;
	(v2sf) =	vpush v6, $0xC;
	p1 =	slt.s32 s28, $0x1;
	s15 =	smov.u32 s28;
	s9 =	sadd.s32 s16, s23  }
0x26f: {  	v30 =	vadd.f32 v37, v30;
	v63 =	vld [tilespmem:s30+$0x0];
	(v2sf) =	vpush v6, $0xD;
	s29 =	spop (v2sf);
	s15 =	simm.s32 @!p1 $0x1;
	s9 =	sadd.s32 s10, s9  }
0x270: {  	v16 =	vadd.f32 v16, v18;
	v15 =	vadd.f32 v52, v15;
	v45 =	vld [tilespmem:s30+$0x10];
	p1 =	slt.s32 s29, $0x1;
	s31 =	spop (v2sf);
	s30 =	sadd.s32 s11, s9  }
0x271: {  	v30 =	vadd.f32 v34, v30;
	(v2sf) =	vpush v6, $0xE;
	s12 =	smov.u32 s31;
	s11 =	smov.u32 s29;
	s9 =	sadd.s32 s13, s30  }
0x272: {  	v46 =	vld [tilespmem:s8+$0x0];
	v32 =	vadd.f32 v49, v32;
	v15 =	vadd.f32 v54, v15;
	s11 =	simm.s32 @!p1 $0x1;
	p1 =	slt.s32 s31, $0x1;
	s9 =	sadd.s32 s14, s9  }
0x273: {  	v49 =	vld [tilespmem:s7+$0x0];
	v30 =	vadd.f32 v31, v30;
	(v2sf) =	vpush v6, $0xF;
	s12 =	simm.s32 @!p1 $0x1;
	s13 =	spop (v2sf);
	s9 =	sadd.s32 s15, s9  }
0x274: {  	v14 =	vadd.f32 v14, v16;
	v50 =	vld [tilespmem:s7+$0x10];
	v15 =	vadd.f32 v58, v15;
	p1 =	slt.s32 s13, $0x1;
	s15 =	sadd.s32 s11, s9;
	s9 =	smov.u32 s13  }
0x275: {  	v28 =	vadd.f32 v28, v30;
	v48 =	vld [tilespmem:s18+$0x10];
	(v2sf) =	vpush v4, $0x0;
	s16 =	spop (v2sf);
	s7 =	sadd.s32 s12, s15;
	s9 =	simm.s32 @!p1 $0x1  }
0x276: {  	v11 =	vadd.f32 v11, v14;
	v6 =	vadd.f32 v62, v15;
	v15 =	vld [tilespmem:s18+$0x0];
	p1 =	slt.s32 s16, $0x1;
	s11 =	smov.u32 s16;
	s18 =	spop (v2sf)  }
0x277: {  	v47 =	vld [tilespmem:s8+$0x10];
	v27 =	vadd.f32 v27, v28;
	(v2sf) =	vpush v4, $0x1;
	s7 =	sadd.s32 s9, s7;
	s11 =	simm.s32 @!p1 $0x1;
	p1 =	slt.s32 s18, $0x1  }
0x278: {  	v24 =	vld [tilespmem:s6+$0x10];
	v32 =	vadd.f32 v51, v32;
	s9 =	spop (v2sf);
	s23 =	sadd.s32 s11, s7;
	s11 =	smov.u32 s18  }
0x279: {  	v14 =	vld [tilespmem:s4+$0x10];
	v11 =	vadd.f32 v9, v11;
	v26 =	vadd.f32 v26, v27;
	s11 =	simm.s32 @!p1 $0x1;
	s7 =	spop (v2sf)  }
0x27a: {  	v38 =	vadd.f32 $0.0e+00, v56;
	v32 =	vadd.f32 v53, v32;
	v53 =	vld [tilespmem:s6+$0x0];
	p1 =	slt.s32 s9, $0x1;
	s10 =	smov.u32 s9;
	s6 =	sadd.s32 s11, s23  }
0x27b: {  	v35 =	vadd.f32 $0.0e+00, v55;
	v56 =	vld [tilespmem:s5+$0x0];
	v21 =	vadd.f32 v21, v26;
	p2 =	slt.s32 s7, $0x1;
	s10 =	simm.s32 @!p1 $0x1;
	s15 =	smov.u32 s7  }
0x27c: {  	v33 =	vadd.f32 v60, v38;
	v32 =	vadd.f32 v57, v32;
	v51 =	vld [tilespmem:s28+$0x0];
	s15 =	simm.s32 @!p2 $0x1;
	s6 =	sadd.s32 s10, s6  }
0x27d: {  	v35 =	vadd.f32 v59, v35;
	v52 =	vld [tilespmem:s28+$0x10];
	v19 =	vadd.f32 v19, v21;
	s11 =	spop (v2sf);
	s28 =	sadd.s32 s15, s6  }
0x27e: {  	v59 =	vld [tilespmem:s3+$0x10];
	v32 =	vadd.f32 v61, v32;
	v33 =	vadd.f32 v45, v33;
	p1 =	slt.s32 s11, $0x1;
	s10 =	spop (v2sf);
	s6 =	smov.u32 s11  }
0x27f: {  	v57 =	vld [tilespmem:s5+$0x10];
	v35 =	vadd.f32 v63, v35;
	v17 =	vadd.f32 v17, v19;
	s6 =	simm.s32 @!p1 $0x1;
	p1 =	slt.s32 s10, $0x1  }
0x280: {  	v55 =	vld [tilespmem:s29+$0x10];
	v6 =	vadd.f32 v47, v6;
	v33 =	vadd.f32 v48, v33;
	s8 =	spop (v2sf);
	s5 =	sadd.s32 s6, s28;
	s6 =	smov.u32 s10  }
0x281: {  	v26 =	vld [tilespmem:s3+$0x0];
	v13 =	vadd.f32 v13, v17;
	v4 =	vadd.f32 v46, v32;
	s3 =	smov.u32 s8;
	s6 =	simm.s32 @!p1 $0x1  }
0x282: {  	v61 =	vld [tilespmem:s4+$0x0];
	v6 =	vadd.f32 v50, v6;
	v29 =	vadd.f32 v52, v33;
	p1 =	slt.s32 s8, $0x1;
	s5 =	sadd.s32 s6, s5;
	s6 =	spop (v2sf)  }
0x283: {  	v54 =	vld [tilespmem:s29+$0x0];
	v15 =	vadd.f32 v15, v35;
	v12 =	vadd.f32 v12, v13;
	s3 =	simm.s32 @!p1 $0x1;
	p1 =	slt.s32 s6, $0x1  }
0x284: {  	v58 =	vld [tilespmem:s31+$0x10];
	v13 =	vadd.f32 v7, v11;
	v4 =	vadd.f32 v49, v4;
	s3 =	sadd.s32 s3, s5;
	s15 =	smov.u32 s6;
	s5 =	spop (v2sf)  }
0x285: {  	v6 =	vadd.f32 v24, v6;
	v24 =	vld [tilespmem:s31+$0x0];
	v23 =	vadd.f32 v55, v29;
	s15 =	simm.s32 @!p1 $0x1;
	p1 =	slt.s32 s5, $0x1  }
0x286: {  	v16 =	vld [tilespmem:s13+$0x10];
	v15 =	vadd.f32 v51, v15;
	v4 =	vadd.f32 v53, v4;
	s29 =	sadd.s32 s15, s3;
	s3 =	spop (v2sf);
	s15 =	smov.u32 s5  }
0x287: {  	v60 =	vld [tilespmem:s13+$0x0];
	v63 =	vadd.f32 v10, v12;
	v5 =	vadd.f32 v5, v13;
	s15 =	simm.s32 @!p1 $0x1;
	p1 =	slt.s32 s3, $0x1;
	s14 =	smov.u32 s3  }
0x288: {  	v62 =	vld [tilespmem:s16+$0x10];
	v15 =	vadd.f32 v54, v15;
	v4 =	vadd.f32 v56, v4;
	s30 =	sadd.s32 s15, s29;
	s14 =	simm.s32 @!p1 $0x1  }
0x289: {  	v17 =	vld [tilespmem:s16+$0x0];
	v6 =	vadd.f32 v57, v6;
	v20 =	vadd.f32 v58, v23;
	s4 =	sadd.s32 s14, s30  }
.Ltmp1:
0x28a: {  	v9 =	vld [tilespmem:s2+$0x0];
	v15 =	vadd.f32 v24, v15;
	v4 =	vadd.f32 v26, v4;
	s4 =	scvt.s32.f32 s4;
	(pc) =	sbr.rel @p0 .LBB2_4-.Ltmp1, $4  }
0x28b: {  	v7 =	vld [tilespmem:s2+$0x10];
	v6 =	vadd.f32 v59, v6;
	v16 =	vadd.f32 v16, v20  }
0x28c: {  	v10 =	vld [tilespmem:s18+$0x0];
	v15 =	vadd.f32 v60, v15;
	v11 =	vadd.f32 v61, v4;
	v4 =	vmov s4  }
0x28d: {  	s31 =	rddreg [dreg:$0x6];
	v13 =	vld [tilespmem:s18+$0x10];
	v12 =	vadd.f32 v14, v6;
	v6 =	vadd.f32 v62, v16;
	v4 =	vmax.f32 v4, $1.000000000e+00  }
0x28e: {  	s2 =	rddreg [dreg:$0x5];
	v14 =	vadd.f32 v17, v15;
	v15 =	vadd.f32 v8, v63;
	v8 =	vld [tilespmem:s19+$0x0];
	s4 =	sadd.s32 $0x80, s31;
	v4 =	vbroadcast v4, $0x0  }
0x28f: {  	v16 =	vld [tilespmem:s19+$0x10]  }
0x290: {  	v17 =	vld [tilespmem:s9+$0x0]  }
0x291: {  	v18 =	vld [tilespmem:s9+$0x10]  }
0x292: {  	v19 =	vld [tilespmem:s21+$0x0]  }
0x293: {  	v20 =	vld [tilespmem:s21+$0x10]  }
0x294: {  	v21 =	vld [tilespmem:s7+$0x0]  }
0x295: {  	v22 =	vld [tilespmem:s7+$0x10]  }
0x296: {  	v23 =	vld [tilespmem:s20+$0x0]  }
0x297: {  	v24 =	vld [tilespmem:s20+$0x10]  }
0x298: {  	v26 =	vld [tilespmem:s11+$0x0]  }
0x299: {  	v27 =	vld [tilespmem:s11+$0x10]  }
0x29a: {  	v28 =	vld [tilespmem:s24+$0x0]  }
0x29b: {  	v29 =	vld [tilespmem:s24+$0x10]  }
0x29c: {  	v30 =	vld [tilespmem:s10+$0x0]  }
0x29d: {  	v47 =	vld [tilespmem:s10+$0x10]  }
0x29e: {  	v31 =	vld [tilespmem:s25+$0x0];
	v3 =	vadd.f32 v3, v15  }
0x29f: {  	v9 =	vadd.f32 v9, v11;
	v48 =	vld [tilespmem:s8+$0x0]  }
0x2a0: {  	v49 =	vld [tilespmem:s22+$0x0];
	v7 =	vadd.f32 v7, v12;
	v2 =	vadd.f32 v2, v3  }
0x2a1: {  	v51 =	vld [tilespmem:s22+$0x10];
	v10 =	vadd.f32 v10, v14;
	v6 =	vadd.f32 v13, v6  }
0x2a2: {  	v52 =	vld [tilespmem:s6+$0x0];
	v8 =	vadd.f32 v8, v9;
	v1 =	vadd.f32 v1, v2  }
0x2a3: {  	v53 =	vld [tilespmem:s6+$0x10];
	v50 =	vadd.f32 v17, v10;
	v7 =	vadd.f32 v16, v7  }
0x2a4: {  	v54 =	vld [tilespmem:s1+$0x0];
	v6 =	vadd.f32 v18, v6;
	v8 =	vadd.f32 v19, v8  }
0x2a5: {  	v55 =	vld [tilespmem:s1+$0x10];
	v1 =	vadd.f32 v5, v1;
	v5 =	vadd.f32 v21, v50  }
0x2a6: {  	v3 =	vld [tilespmem:s25+$0x10];
	v7 =	vadd.f32 v20, v7;
	v6 =	vadd.f32 v22, v6  }
0x2a7: {  	v2 =	vld [tilespmem:s8+$0x10];
	v8 =	vadd.f32 v23, v8;
	v5 =	vadd.f32 v26, v5  }
0x2a8: {  	v56 =	vld [tilespmem:s5+$0x0];
	v7 =	vadd.f32 v24, v7;
	v6 =	vadd.f32 v27, v6  }
0x2a9: {  	v57 =	vld [tilespmem:s5+$0x10];
	v8 =	vadd.f32 v28, v8;
	v5 =	vadd.f32 v30, v5  }
0x2aa: {  	v58 =	vld [tilespmem:s0+$0x0];
	v7 =	vadd.f32 v29, v7;
	v6 =	vadd.f32 v47, v6  }
0x2ab: {  	v60 =	vld [tilespmem:s0+$0x10];
	(erf) = vrcp.f32 v4;
	v59 =	vadd.f32 v31, v8;
	v5 =	vadd.f32 v48, v5  }
0x2ac: {  	v61 =	vld [tilespmem:s3+$0x0];
	v3 =	vadd.f32 v3, v7;
	v2 =	vadd.f32 v2, v6  }
0x2ad: {  	v62 =	vld [tilespmem:s3+$0x10];
	v4 =	vadd.f32 v49, v59;
	v5 =	vadd.f32 v52, v5  }
0x2ae: {  	v3 =	vadd.f32 v51, v3;
	v2 =	vadd.f32 v53, v2  }
0x2af: {  	v4 =	vadd.f32 v54, v4;
	v5 =	vadd.f32 v56, v5  }
0x2b0: {  	v3 =	vadd.f32 v55, v3;
	v2 =	vadd.f32 v57, v2  }
0x2b1: {  	v4 =	vadd.f32 v58, v4;
	v5 =	vadd.f32 v61, v5  }
0x2b2: {  	v3 =	vadd.f32 v60, v3;
	v2 =	vadd.f32 v62, v2  }
0x2b3: {  	v4 =	vadd.f32 v5, v4  }
0x2b4: {  	v1 =	vmul.f32 v25, v1;
	v63 =	vpop (erf);
	v2 =	vadd.f32 v2, v3  }
0x2b5: {  	v3 =	vmul.f32 v63, v4  }
0x2b6: {  	[tilespmem:s26+$0x0] =	vst v1;
	v1 =	vmul.f32 v63, v2  }
0x2b7: {  	[tilespmem:s26+$0xFFFFFFC0] =	vst v3  }
0x2b8: {  	[tilespmem:s26+$0xFFFFFFD0] =	vst v1;
	s26 =	simm.s32 $0x3  }
0x2b9: {  	_ =	swait.ge [sflag:s26], $0x4000  }
0x2ba: {  	s28 =	sld [smem:$0x7FB]  }
0x2bb: {  	s17 =	simm.s32 $0x0;
	[sflag:s26] =	ssyncset.done $0x0  }
0x2bc: {  	s29 =	simm.s32 $0x13D80;
	s2 =	simm.s32 $0x4;
	[sflag:s26] =	ssyncadd.s32 $0xFFFFC000  }
0x2bd: {  	[hbm4b:s28+s17] =	stream.linear.scatter [tilespmem:s29], [sflag:$0x4], $0x8000, $0x38;
	[tilespmem:$0x1BD80] =	vst v63  }
0x2be: {  	_ =	swait.ge [sflag:s2], $0x8000  }
0x2bf: {  	s30 =	sld [smem:$0x7F7]  }
0x2c0: {  	s31 =	sld [smem:$0x7FC];
	_ =	sdelay $0x1  }
0x2c1: {  	s1 =	sadd.s32 $0x1, s30  }
0x2c2: {  	p0 =	sne.s32 s1, s31  }
.Ltmp2:
0x2c3: {  	_ = 	snop;
	(pc) =	sbr.rel @p0 .LBB2_1-.Ltmp2, $3  }
0x2c4: {  	_ =	sdelay $0x1  }
0x2c5: {  	[sflag:s2] =	ssyncset.done $0x0;
	s18 =	sld [smem:$0x7FD]  }
0x2c6: {  	[sflag:s2] =	ssyncadd.s32 $0xFFFF8000  }
0x2c7: {  	_ =	sfence.sel $0x180000  }
0x2c8: {  	[bflag:$0x0] =	sbarrier.arrive $0xFFFF  }
0x2c9: {  	_ =	strace $0x90000047  }
0x2ca: {  	s0 =	stileid.u32;
	[bflag:$0x2] =	sbarrier.arrive $0xFFFF  }
0x2cb: {  	p0 =	sne.s32 s0, $0x0;
	s0 =	rddreg [dreg:$0x3]  }
0x2cc: {  	s0 =	sadd.s32 @!p0 $0x100000, s0  }
0x2cd: {  	[sflag:s0] =	ssyncadd.tile.s32 @!p0 $0x1;
	_ =	shalt  }
.Lfunc_end2:
_tile_overlayer_lowered:
.L_overlay_start_2:
0x2ce: {  	(tag) =	ssettag $0x2  }
0x2cf: {  	s0 =	rddreg [dreg:$0x0];
	s2 =	stileid.u32  }
0x2d0: {  	s1 =	rddreg [dreg:$0x1];
	p0 =	sne.s32 s2, $0x0  }
0x2d1: {  	s3 =	rddreg [dreg:$0x2];
	[bflag:$0x3] =	sbarrier.arrive $0xFFFF;
	s2 =	simm.s32 @!p0 $0x1C04  }
0x2d2: {  	[timem:s3], [sflag:s2] =	dma.local @!p0 [hbm:s0], s1  }
0x2d3: {  	s0 =	simm.s32 @!p0 $0x4  }
0x2d4: {  	_ =	swait.ge @!p0 [sflag:s0], s1  }
0x2d5: {  	s1 =	ssub.s32 @!p0 $0x0, s1;
	[sflag:s0] =	ssyncset.done @!p0 $0x0  }
0x2d6: {  	[sflag:s0] =	ssyncadd.s32 @!p0 s1  }
0x2d7: {  	[bflag:$0x3] =	sbarrier.arrive $0xFFFF  }
0x2d8: {  	_ =	shalt  }

</sc_bundles>
